<compile_context>
chip_gen: v7x
topology: tpu7x:2x2x1
jax: 0.10.2.dev20260603
libtpu: 0.0.44.dev20260713+nightly
codegen_flags: <defaults>
</compile_context>

<pallas_src>
import jax
import jax.numpy as jnp
from jax import lax
from jax.experimental import pallas as pl
from jax.experimental.pallas import tpu as pltpu
from jax.experimental.pallas import tpu_sc as plsc

INTER = 8
STATES = 64
ALPH = 100000
NSUB = 16
TB = 392
TB_LAST = 370
TILE_E = TB * 16
LAST_DMA_COL = 93824
L2B = 25

_F32 = jnp.float32
_I32 = jnp.int32


def _hmm_body(combo_hbm, trans_hbm, emi_hbm,
              s_out, i_out, o_out,
              cv, sv, tvb, ebuf, pslice, bsbuf, vstage,
              t16f, t16g, t16i, obuf,
              stage_sh, pub_sh, pshare_sh):
    tid = lax.axis_index("s")
    cid = lax.axis_index("c")
    iota = lax.iota(_I32, 16)
    zero16f = jnp.zeros((16,), _F32)
    zero16i = jnp.zeros((16,), _I32)
    lane0 = iota == 0

    def getl(ref, idx):
        return plsc.load_gather(ref, [zero16i + idx])[0]

    def tf_hash(k0, k1, x0, x1):
        ks = (k0, k1, k0 ^ k1 ^ jnp.uint32(0x1BD11BDA))
        rots = ((13, 15, 26, 6), (17, 29, 16, 24))
        x0 = x0 + ks[0]
        x1 = x1 + ks[1]
        for d in range(5):
            for r in rots[d % 2]:
                x0 = x0 + x1
                x1 = (x1 << jnp.uint32(r)) | (x1 >> jnp.uint32(32 - r))
                x1 = x1 ^ x0
            x0 = x0 + ks[(d + 1) % 3]
            x1 = x1 + ks[(d + 2) % 3] + jnp.uint32(d + 1)
        return x0, x1

    def tf_uniform(k0, k1, idx):
        a, b = tf_hash(k0, k1, jnp.uint32(0), jnp.uint32(idx))
        h0, h1 = tf_hash(a, b, jnp.uint32(0), jnp.uint32(0))
        bits = ((h0 ^ h1) >> jnp.uint32(9)) | jnp.uint32(0x3F800000)
        return lax.bitcast_convert_type(bits, _F32) - jnp.float32(1.0)

    pltpu.sync_copy(combo_hbm, cv)
    cvu = plsc.bitcast(cv[pl.ds(0, 16)], jnp.uint32)
    key0 = cvu[8]
    key1 = cvu[9]

    @pl.when(tid == 0)
    def _():
        sv[...] = plsc.bitcast(cv[pl.ds(16, 16)], _I32)
        us = cv[pl.ds(0, 16)]
        c = jnp.where(iota < INTER, us, -jnp.inf)
        m_c = jnp.max(c)
        q_c = jnp.exp(c - m_c)
        p_c = q_c / jnp.sum(q_c)
        pfx_c = plsc.cumsum(p_c)
        r_c = jnp.max(pfx_c) * (jnp.float32(1.0) - tf_uniform(key0, key1, 0))
        i_ = jnp.minimum(jnp.sum(jnp.where(pfx_c < r_c, 1, 0)), INTER - 1)

        s_i = getl(sv, i_)
        pltpu.sync_copy(trans_hbm.at[i_], tvb)
        vs = tuple(tvb[s_i, pl.ds(16 * v, 16)] for v in range(4))
        mt = jnp.maximum(jnp.maximum(vs[0], vs[1]),
                         jnp.maximum(vs[2], vs[3]))
        m_t = jnp.max(mt)
        qs = tuple(jnp.exp(v - m_t) for v in vs)
        s_t = jnp.float32(0.0)
        for qv in qs:
            s_t = s_t + jnp.sum(qv)
        acc = jnp.float32(0.0)
        pfxs = []
        for qv in qs:
            pf = plsc.cumsum(qv / s_t) + acc
            pfxs.append(pf)
            acc = jnp.max(pf)
        r_t = acc * (jnp.float32(1.0) - tf_uniform(key0, key1, 1))
        cnt = jnp.int32(0)
        for pf in pfxs:
            cnt = cnt + jnp.sum(jnp.where(pf < r_t, 1, 0))
        s_new = jnp.minimum(cnt, STATES - 1)

        sv[...] = jnp.where(iota == i_, s_new, sv[...])
        t16i[...] = jnp.where(iota == 0, i_,
                              jnp.where(iota == 1, s_new, zero16i))
        pltpu.sync_copy(t16i, pub_sh)

        @pl.when(cid == 0)
        def _():
            pltpu.sync_copy(sv, s_out)
            pltpu.sync_copy(t16i, i_out)

    plsc.subcore_barrier()

    pltpu.sync_copy(pub_sh, t16i)
    pub = t16i[...]
    i_e = pub[0]
    s_e = pub[1]
    r0 = pl.multiple_of((s_e // 8) * 8, 8)
    r_off = s_e - r0
    is_last = tid >= NSUB - 1
    col0 = jnp.where(is_last, LAST_DMA_COL, tid * TILE_E)
    col0 = pl.multiple_of(col0, 128)
    skip = jnp.where(is_last, TB - TB_LAST, 0)
    nb = jnp.where(is_last, TB_LAST, TB)
    pltpu.sync_copy(emi_hbm.at[i_e, pl.ds(r0, 8), pl.ds(col0, TILE_E)], ebuf)
    u_e = tf_uniform(key0, key1, 2)

    def stage(x):
        t16f[...] = zero16f + x
        pltpu.sync_copy(t16f, stage_sh.at[tid])
        plsc.subcore_barrier()
        pltpu.sync_copy(stage_sh, vstage)
        out = plsc.load_gather(vstage, [iota, zero16i])
        plsc.subcore_barrier()
        return out

    @plsc.parallel_loop(skip, skip + nb, unroll=8, carry=zero16f)
    def facc(j, fcar):
        q = jnp.exp(ebuf[r_off, pl.ds(j * 16, 16)])
        ebuf[r_off, pl.ds(j * 16, 16)] = q
        return fcar + q
    gv_q = stage(jnp.sum(facc))
    q_incl = plsc.cumsum(gv_q)
    r = jnp.max(q_incl) * (jnp.float32(1.0) - u_e)
    nt = jnp.minimum(jnp.sum(jnp.where(q_incl < r, 1, 0)), NSUB - 1)
    t16f[...] = q_incl
    t16g[...] = gv_q
    base_b = getl(t16f, nt) - getl(t16g, nt)

    @pl.when(tid == nt)
    def _():
        pltpu.sync_copy(ebuf.at[r_off], pshare_sh.at[pl.ds(0, TILE_E)])
    plsc.subcore_barrier()

    nb_s = jnp.where(nt >= NSUB - 1, TB_LAST, TB)
    skip_s = jnp.where(nt >= NSUB - 1, TB - TB_LAST, 0)
    blo = tid * L2B
    nb2 = jnp.maximum(jnp.minimum(L2B, nb_s - blo), 0)
    pltpu.sync_copy(pshare_sh.at[pl.ds((skip_s + blo) * 16, L2B * 16)],
                    pslice.at[pl.ds(0, L2B * 16)])

    @plsc.parallel_loop(0, nb2, unroll=4, carry=jnp.float32(0.0))
    def l_t(k, acc):
        bs = jnp.max(plsc.cumsum(pslice[pl.ds(k * 16, 16)]))
        plsc.store_scatter(bsbuf, [zero16i + k], zero16f + bs, mask=lane0)
        return acc + bs
    gv_l = stage(l_t)
    l_incl = plsc.cumsum(gv_l)
    w2 = jnp.minimum(jnp.sum(jnp.where((base_b + l_incl) < r, 1, 0)),
                     (nb_s - 1) // L2B)
    t16f[...] = l_incl
    t16g[...] = gv_l

    @pl.when(jnp.logical_and(tid == w2, cid == 0))
    def _():
        base2 = base_b + (getl(t16f, w2) - getl(t16g, w2))

        def c_body(k, carry):
            acc, cnt2 = carry
            acc2 = acc + getl(bsbuf, k)
            plsc.store_scatter(pslice, [zero16i + (L2B * 16 + k)],
                               zero16f + acc2, mask=lane0)
            return acc2, cnt2 + jnp.where(acc2 < r, 1, 0)

        _, nblw = lax.fori_loop(0, nb2, c_body, (base2, jnp.int32(0)))
        kb = jnp.minimum(nblw, nb2 - 1)
        e0 = getl(pslice, L2B * 16 + kb) - getl(bsbuf, kb)
        within = plsc.cumsum(pslice[pl.ds(kb * 16, 16)]) + e0
        cnt_in = jnp.sum(jnp.where(within < r, 1, 0))
        o = nt * TILE_E + (blo + kb) * 16 + cnt_in
        obuf[...] = zero16i + jnp.minimum(o, ALPH - 1)
        pltpu.sync_copy(obuf, o_out)


def kernel(key, s, transition, emission, choice, prior):
    keyf = jax.lax.bitcast_convert_type(key.astype(jnp.uint32), _F32)
    sf = jax.lax.bitcast_convert_type(s.astype(_I32), _F32)
    combo = jnp.concatenate([choice.astype(_F32), keyf, jnp.zeros((6,), _F32),
                             sf, jnp.zeros((8,), _F32)])

    mesh = plsc.VectorSubcoreMesh(core_axis_name="c", subcore_axis_name="s",
                                  num_cores=1)
    run = pl.kernel(
        _hmm_body,
        out_type=[
            jax.ShapeDtypeStruct((16,), _I32),
            jax.ShapeDtypeStruct((16,), _I32),
            jax.ShapeDtypeStruct((16,), _I32),
        ],
        mesh=mesh,
        compiler_params=pltpu.CompilerParams(needs_layout_passes=False),
        scratch_types=[
            pltpu.VMEM((32,), _F32),
            pltpu.VMEM((16,), _I32),
            pltpu.VMEM((STATES, STATES), _F32),
            pltpu.VMEM((8, TILE_E), _F32),
            pltpu.VMEM((L2B * 16 + 32,), _F32),
            pltpu.VMEM((32,), _F32),
            pltpu.VMEM((16, 16), _F32),
            pltpu.VMEM((16,), _F32),
            pltpu.VMEM((16,), _F32),
            pltpu.VMEM((16,), _I32),
            pltpu.VMEM((16,), _I32),
            pltpu.VMEM_SHARED((16, 16), _F32),
            pltpu.VMEM_SHARED((16,), _I32),
            pltpu.VMEM_SHARED((6672,), _F32),
        ],
    )
    s_o, i_o, o_o = run(combo, transition, emission)
    return ((s_o[:INTER], i_o[0]), o_o[0])

# --- scband reference (transcript-rebuilt; emitter-appended) ---
"""Pipeline reference for scband-interleaved-hidden-markov-chain-2010044694529 (READ-ONLY COPY).

The authoritative reference and input builder live on the scoring server;
editing this copy changes nothing except your own understanding.
"""

import jax, jax.numpy as jnp
import numpy as np

INTERLEAVING = 8
STATES = 64
ALPHABET = 100000

def setup_inputs(seed: int = 0) -> dict:
    key = jax.random.key(seed)
    k1, k2, k3, k4, k5 = jax.random.split(key, 5)
    # PRNG key passed to forward (old-style uint32[2] key works with jax.random.split)
    rng_key = jax.random.PRNGKey(0)
    s = jax.random.randint(k1, (INTERLEAVING,), 0, STATES, dtype=jnp.int32)
    # glorot-uniform-like scales
    transition = jax.random.normal(k2, (INTERLEAVING, STATES, STATES), dtype=jnp.float32) * (1.0 / np.sqrt(STATES))
    emission = jax.random.normal(k3, (INTERLEAVING, STATES, ALPHABET), dtype=jnp.float32) * (1.0 / np.sqrt(STATES + ALPHABET))
    # nn.initializers.uniform() -> U[0, 0.01)
    choice = jax.random.uniform(k4, (INTERLEAVING,), dtype=jnp.float32, minval=0.0, maxval=0.01)
    prior = jax.random.normal(k5, (INTERLEAVING, STATES), dtype=jnp.float32) * 0.1
    return {"key": rng_key, "s": s, "transition": transition, "emission": emission, "choice": choice, "prior": prior}

def reference(key, s, transition, emission, choice, prior):
    interleaving = choice.shape[0]
    states = transition.shape[1]
    alphabet = emission.shape[2]
    ckey, tkey, ekey = jax.random.split(key, 3)
    c = jnp.exp(jax.nn.log_softmax(choice))
    i = jax.random.choice(ckey, interleaving, p=c)
    t = jnp.exp(jax.nn.log_softmax(transition[i, s[i]]))
    s = s.at[i].set(jax.random.choice(tkey, states, p=t))
    e = jnp.exp(jax.nn.log_softmax(emission[i, s[i]]))
    o = jax.random.choice(ekey, alphabet, p=e)
    return ((s, i), o)

if __name__ == "__main__":
    import jax
    _d = setup_inputs()
    print(jax.jit(kernel)(*tuple(_d.values())))

</pallas_src>

<mosaic_0001>
#map = affine_map<(d0, d1) -> (0)>
#map1 = affine_map<(d0, d1) -> (0, 0, 0)>
module attributes {stable_mosaic.version = 14 : i64} {
  func.func @_hmm_body(%arg0: i32, %arg1: i32, %arg2: memref<32xf32, #tpu.memory_space<hbm>>, %arg3: memref<8x64x64xf32, #tpu.memory_space<hbm>>, %arg4: memref<8x64x100000xf32, #tpu.memory_space<hbm>>, %arg5: memref<16xi32, #tpu.memory_space<hbm>>, %arg6: memref<16xi32, #tpu.memory_space<hbm>>, %arg7: memref<16xi32, #tpu.memory_space<hbm>>, %arg8: memref<32xf32, #tpu.memory_space<vmem>>, %arg9: memref<16xi32, #tpu.memory_space<vmem>>, %arg10: memref<64x64xf32, #tpu.memory_space<vmem>>, %arg11: memref<8x6272xf32, #tpu.memory_space<vmem>>, %arg12: memref<432xf32, #tpu.memory_space<vmem>>, %arg13: memref<32xf32, #tpu.memory_space<vmem>>, %arg14: memref<16x16xf32, #tpu.memory_space<vmem>>, %arg15: memref<16xf32, #tpu.memory_space<vmem>>, %arg16: memref<16xf32, #tpu.memory_space<vmem>>, %arg17: memref<16xi32, #tpu.memory_space<vmem>>, %arg18: memref<16xi32, #tpu.memory_space<vmem>>, %arg19: memref<16x16xf32, #tpu.memory_space<vmem_shared>>, %arg20: memref<16xi32, #tpu.memory_space<vmem_shared>>, %arg21: memref<6672xf32, #tpu.memory_space<vmem_shared>>) attributes {dimension_semantics = [#tpu.dimension_semantics<core_parallel>, #tpu.dimension_semantics<subcore_parallel>], iteration_bounds = array<i64: 1, 16>, scalar_prefetch = 0 : i64, scratch_operands = 14 : i64, tpu.core_type = #tpu.core_type<sc_vector_subcore>, window_params = [{transform_indices = #map}, {transform_indices = #map1}, {transform_indices = #map1}, {transform_indices = #map}, {transform_indices = #map}, {transform_indices = #map}]} {
    %iota3A = tpu.iota {dimensions = array<i32: 0>} : vector<16xi32>
    %broadcast_in_dim3A = arith.constant 0.000000e+00 : f32
    %broadcast_in_dim3A_0 = vector.broadcast %broadcast_in_dim3A : f32 to vector<16xf32>
    %broadcast_in_dim3A_1 = arith.constant 0 : i32
    %broadcast_in_dim3A_2 = vector.broadcast %broadcast_in_dim3A_1 : i32 to vector<16xi32>
    %eq3A = arith.constant 0 : i32
    %eq3A_3 = vector.broadcast %eq3A : i32 to vector<16xi32>
    %eq3A_4 = arith.cmpi eq, %iota3A, %eq3A_3 : vector<16xi32>
    "tpu.region"() ({
      %run_scoped3A = tpu.sem_alloc : memref<!tpu.dma_semaphore, #tpu.memory_space<semaphore_mem>>
      tpu.enqueue_dma source(%arg2 : memref<32xf32, #tpu.memory_space<hbm>>) target(%arg8 : memref<32xf32, #tpu.memory_space<vmem>>) target_semaphore(%run_scoped3A : memref<!tpu.dma_semaphore, #tpu.memory_space<semaphore_mem>>)
      tpu.wait_dma2 semaphore(%run_scoped3A : memref<!tpu.dma_semaphore, #tpu.memory_space<semaphore_mem>>) src(%arg2 : memref<32xf32, #tpu.memory_space<hbm>>) dst(%arg8 : memref<32xf32, #tpu.memory_space<vmem>>)
      tpu.yield
    }) : () -> ()
    %get3A = arith.constant 0 : index
    %get3A_5 = tpu.vector_load %arg8[%get3A] {strides = array<i32>} : memref<32xf32, #tpu.memory_space<vmem>>, vector<16xf32>,
    %bitcast3A = vector.bitcast %get3A_5 : vector<16xf32> to vector<16xi32>
    %slice3A = vector.extract_strided_slice %bitcast3A {offsets = [8], sizes = [1], strides = [1]} : vector<16xi32> to vector<1xi32>
    %squeeze3A = vector.extract %slice3A[0] : i32 from vector<1xi32>
    %slice3A_6 = vector.extract_strided_slice %bitcast3A {offsets = [9], sizes = [1], strides = [1]} : vector<16xi32> to vector<1xi32>
    %squeeze3A_7 = vector.extract %slice3A_6[0] : i32 from vector<1xi32>
    %eq3A_8 = arith.constant 0 : i32
    %eq3A_9 = arith.cmpi eq, %arg1, %eq3A_8 : i32
    %convert_element_type3A = arith.extui %eq3A_9 : i1 to i32
    %cond3A = arith.constant 0 : i32
    %cond3A_10 = arith.cmpi ne, %convert_element_type3A, %cond3A : i32
    scf.if %cond3A_10 {
      %get3A_516 = arith.constant 16 : index
      %get3A_517 = tpu.vector_load %arg8[%get3A_516] {strides = array<i32>} : memref<32xf32, #tpu.memory_space<vmem>>, vector<16xf32>,
      %bitcast3A_518 = vector.bitcast %get3A_517 : vector<16xf32> to vector<16xi32>
      %swap3A_519 = arith.constant 0 : index
      %swap3A_520 = tpu.vector_load %arg9[%swap3A_519] {strides = array<i32>} : memref<16xi32, #tpu.memory_space<vmem>>, vector<16xi32>,
      tpu.vector_store %arg9[%swap3A_519], %bitcast3A_518 {strides = array<i32>} : memref<16xi32, #tpu.memory_space<vmem>>, vector<16xi32>,
      %get3A_521 = arith.constant 0 : index
      %get3A_522 = tpu.vector_load %arg8[%get3A_521] {strides = array<i32>} : memref<32xf32, #tpu.memory_space<vmem>>, vector<16xf32>,
      %lt3A_523 = arith.constant 8 : i32
      %lt3A_524 = vector.broadcast %lt3A_523 : i32 to vector<16xi32>
      %lt3A_525 = arith.cmpi slt, %iota3A, %lt3A_524 : vector<16xi32>
      %jit3A_526 = arith.constant 0xFF800000 : f32
      %broadcast_in_dim3A_527 = vector.broadcast %jit3A_526 : f32 to vector<16xf32>
      %select_n3A_528 = arith.select %lt3A_525, %get3A_522, %broadcast_in_dim3A_527 : vector<16xi1>, vector<16xf32>
      %reduce_max3A_529 = arith.constant true
      %reduce_max3A_530 = vector.broadcast %reduce_max3A_529 : i1 to vector<16xi1>
      %reduce_max3A_531 = tpu.scan <max>, %select_n3A_528 masked %reduce_max3A_530 : vector<16xf32>, vector<16xi1> -> vector<16xf32>
      %reduce_max3A_532 = vector.extract %reduce_max3A_531[15] : f32 from vector<16xf32>
      %sub3A_533 = vector.broadcast %reduce_max3A_532 : f32 to vector<16xf32>
      %sub3A_534 = arith.subf %select_n3A_528, %sub3A_533 : vector<16xf32>
      %exp3A = math.exp %sub3A_534 : vector<16xf32>
      %reduce_sum3A_535 = arith.constant true
      %reduce_sum3A_536 = vector.broadcast %reduce_sum3A_535 : i1 to vector<16xi1>
      %reduce_sum3A_537 = tpu.scan <sum>, %exp3A masked %reduce_sum3A_536 : vector<16xf32>, vector<16xi1> -> vector<16xf32>
      %reduce_sum3A_538 = vector.extract %reduce_sum3A_537[15] : f32 from vector<16xf32>
      %div3A_539 = vector.broadcast %reduce_sum3A_538 : f32 to vector<16xf32>
      %div3A_540 = arith.divf %exp3A, %div3A_539 : vector<16xf32>
      %broadcast_in_dim3A_541 = arith.constant true
      %broadcast_in_dim3A_542 = vector.broadcast %broadcast_in_dim3A_541 : i1 to vector<16xi1>
      %masked_cumsum3A_543 = tpu.scan <sum>, %div3A_540 masked %broadcast_in_dim3A_542 : vector<16xf32>, vector<16xi1> -> vector<16xf32>
      %reduce_max3A_544 = arith.constant true
      %reduce_max3A_545 = vector.broadcast %reduce_max3A_544 : i1 to vector<16xi1>
      %reduce_max3A_546 = tpu.scan <max>, %masked_cumsum3A_543 masked %reduce_max3A_545 : vector<16xf32>, vector<16xi1> -> vector<16xf32>
      %reduce_max3A_547 = vector.extract %reduce_max3A_546[15] : f32 from vector<16xf32>
      %xor3A_548 = arith.xori %squeeze3A, %squeeze3A_7 : i32
      %xor3A_549 = arith.constant 466688986 : i32
      %xor3A_550 = arith.xori %xor3A_548, %xor3A_549 : i32
      %add3A_551 = arith.constant 0 : i32
      %add3A_552 = arith.addi %add3A_551, %squeeze3A : i32
      %add3A_553 = arith.constant 0 : i32
      %add3A_554 = arith.addi %add3A_553, %squeeze3A_7 : i32
      %add3A_555 = arith.addi %add3A_552, %add3A_554 : i32
      %shift_left3A_556 = arith.constant 13 : i32
      %shift_left3A_557 = arith.shli %add3A_554, %shift_left3A_556 : i32
      %shift_right_logical3A_558 = arith.constant 19 : i32
      %shift_right_logical3A_559 = arith.shrui %add3A_554, %shift_right_logical3A_558 : i32
      %or3A_560 = arith.ori %shift_left3A_557, %shift_right_logical3A_559 : i32
      %xor3A_561 = arith.xori %or3A_560, %add3A_555 : i32
      %add3A_562 = arith.addi %add3A_555, %xor3A_561 : i32
      %shift_left3A_563 = arith.constant 15 : i32
      %shift_left3A_564 = arith.shli %xor3A_561, %shift_left3A_563 : i32
      %shift_right_logical3A_565 = arith.constant 17 : i32
      %shift_right_logical3A_566 = arith.shrui %xor3A_561, %shift_right_logical3A_565 : i32
      %or3A_567 = arith.ori %shift_left3A_564, %shift_right_logical3A_566 : i32
      %xor3A_568 = arith.xori %or3A_567, %add3A_562 : i32
      %add3A_569 = arith.addi %add3A_562, %xor3A_568 : i32
      %shift_left3A_570 = arith.constant 26 : i32
      %shift_left3A_571 = arith.shli %xor3A_568, %shift_left3A_570 : i32
      %shift_right_logical3A_572 = arith.constant 6 : i32
      %shift_right_logical3A_573 = arith.shrui %xor3A_568, %shift_right_logical3A_572 : i32
      %or3A_574 = arith.ori %shift_left3A_571, %shift_right_logical3A_573 : i32
      %xor3A_575 = arith.xori %or3A_574, %add3A_569 : i32
      %add3A_576 = arith.addi %add3A_569, %xor3A_575 : i32
      %shift_left3A_577 = arith.constant 6 : i32
      %shift_left3A_578 = arith.shli %xor3A_575, %shift_left3A_577 : i32
      %shift_right_logical3A_579 = arith.constant 26 : i32
      %shift_right_logical3A_580 = arith.shrui %xor3A_575, %shift_right_logical3A_579 : i32
      %or3A_581 = arith.ori %shift_left3A_578, %shift_right_logical3A_580 : i32
      %xor3A_582 = arith.xori %or3A_581, %add3A_576 : i32
      %add3A_583 = arith.addi %add3A_576, %squeeze3A_7 : i32
      %add3A_584 = arith.addi %xor3A_582, %xor3A_550 : i32
      %add3A_585 = arith.constant 1 : i32
      %add3A_586 = arith.addi %add3A_584, %add3A_585 : i32
      %add3A_587 = arith.addi %add3A_583, %add3A_586 : i32
      %shift_left3A_588 = arith.constant 17 : i32
      %shift_left3A_589 = arith.shli %add3A_586, %shift_left3A_588 : i32
      %shift_right_logical3A_590 = arith.constant 15 : i32
      %shift_right_logical3A_591 = arith.shrui %add3A_586, %shift_right_logical3A_590 : i32
      %or3A_592 = arith.ori %shift_left3A_589, %shift_right_logical3A_591 : i32
      %xor3A_593 = arith.xori %or3A_592, %add3A_587 : i32
      %add3A_594 = arith.addi %add3A_587, %xor3A_593 : i32
      %shift_left3A_595 = arith.constant 29 : i32
      %shift_left3A_596 = arith.shli %xor3A_593, %shift_left3A_595 : i32
      %shift_right_logical3A_597 = arith.constant 3 : i32
      %shift_right_logical3A_598 = arith.shrui %xor3A_593, %shift_right_logical3A_597 : i32
      %or3A_599 = arith.ori %shift_left3A_596, %shift_right_logical3A_598 : i32
      %xor3A_600 = arith.xori %or3A_599, %add3A_594 : i32
      %add3A_601 = arith.addi %add3A_594, %xor3A_600 : i32
      %shift_left3A_602 = arith.constant 16 : i32
      %shift_left3A_603 = arith.shli %xor3A_600, %shift_left3A_602 : i32
      %shift_right_logical3A_604 = arith.constant 16 : i32
      %shift_right_logical3A_605 = arith.shrui %xor3A_600, %shift_right_logical3A_604 : i32
      %or3A_606 = arith.ori %shift_left3A_603, %shift_right_logical3A_605 : i32
      %xor3A_607 = arith.xori %or3A_606, %add3A_601 : i32
      %add3A_608 = arith.addi %add3A_601, %xor3A_607 : i32
      %shift_left3A_609 = arith.constant 24 : i32
      %shift_left3A_610 = arith.shli %xor3A_607, %shift_left3A_609 : i32
      %shift_right_logical3A_611 = arith.constant 8 : i32
      %shift_right_logical3A_612 = arith.shrui %xor3A_607, %shift_right_logical3A_611 : i32
      %or3A_613 = arith.ori %shift_left3A_610, %shift_right_logical3A_612 : i32
      %xor3A_614 = arith.xori %or3A_613, %add3A_608 : i32
      %add3A_615 = arith.addi %add3A_608, %xor3A_550 : i32
      %add3A_616 = arith.addi %xor3A_614, %squeeze3A : i32
      %add3A_617 = arith.constant 2 : i32
      %add3A_618 = arith.addi %add3A_616, %add3A_617 : i32
      %add3A_619 = arith.addi %add3A_615, %add3A_618 : i32
      %shift_left3A_620 = arith.constant 13 : i32
      %shift_left3A_621 = arith.shli %add3A_618, %shift_left3A_620 : i32
      %shift_right_logical3A_622 = arith.constant 19 : i32
      %shift_right_logical3A_623 = arith.shrui %add3A_618, %shift_right_logical3A_622 : i32
      %or3A_624 = arith.ori %shift_left3A_621, %shift_right_logical3A_623 : i32
      %xor3A_625 = arith.xori %or3A_624, %add3A_619 : i32
      %add3A_626 = arith.addi %add3A_619, %xor3A_625 : i32
      %shift_left3A_627 = arith.constant 15 : i32
      %shift_left3A_628 = arith.shli %xor3A_625, %shift_left3A_627 : i32
      %shift_right_logical3A_629 = arith.constant 17 : i32
      %shift_right_logical3A_630 = arith.shrui %xor3A_625, %shift_right_logical3A_629 : i32
      %or3A_631 = arith.ori %shift_left3A_628, %shift_right_logical3A_630 : i32
      %xor3A_632 = arith.xori %or3A_631, %add3A_626 : i32
      %add3A_633 = arith.addi %add3A_626, %xor3A_632 : i32
      %shift_left3A_634 = arith.constant 26 : i32
      %shift_left3A_635 = arith.shli %xor3A_632, %shift_left3A_634 : i32
      %shift_right_logical3A_636 = arith.constant 6 : i32
      %shift_right_logical3A_637 = arith.shrui %xor3A_632, %shift_right_logical3A_636 : i32
      %or3A_638 = arith.ori %shift_left3A_635, %shift_right_logical3A_637 : i32
      %xor3A_639 = arith.xori %or3A_638, %add3A_633 : i32
      %add3A_640 = arith.addi %add3A_633, %xor3A_639 : i32
      %shift_left3A_641 = arith.constant 6 : i32
      %shift_left3A_642 = arith.shli %xor3A_639, %shift_left3A_641 : i32
      %shift_right_logical3A_643 = arith.constant 26 : i32
      %shift_right_logical3A_644 = arith.shrui %xor3A_639, %shift_right_logical3A_643 : i32
      %or3A_645 = arith.ori %shift_left3A_642, %shift_right_logical3A_644 : i32
      %xor3A_646 = arith.xori %or3A_645, %add3A_640 : i32
      %add3A_647 = arith.addi %add3A_640, %squeeze3A : i32
      %add3A_648 = arith.addi %xor3A_646, %squeeze3A_7 : i32
      %add3A_649 = arith.constant 3 : i32
      %add3A_650 = arith.addi %add3A_648, %add3A_649 : i32
      %add3A_651 = arith.addi %add3A_647, %add3A_650 : i32
      %shift_left3A_652 = arith.constant 17 : i32
      %shift_left3A_653 = arith.shli %add3A_650, %shift_left3A_652 : i32
      %shift_right_logical3A_654 = arith.constant 15 : i32
      %shift_right_logical3A_655 = arith.shrui %add3A_650, %shift_right_logical3A_654 : i32
      %or3A_656 = arith.ori %shift_left3A_653, %shift_right_logical3A_655 : i32
      %xor3A_657 = arith.xori %or3A_656, %add3A_651 : i32
      %add3A_658 = arith.addi %add3A_651, %xor3A_657 : i32
      %shift_left3A_659 = arith.constant 29 : i32
      %shift_left3A_660 = arith.shli %xor3A_657, %shift_left3A_659 : i32
      %shift_right_logical3A_661 = arith.constant 3 : i32
      %shift_right_logical3A_662 = arith.shrui %xor3A_657, %shift_right_logical3A_661 : i32
      %or3A_663 = arith.ori %shift_left3A_660, %shift_right_logical3A_662 : i32
      %xor3A_664 = arith.xori %or3A_663, %add3A_658 : i32
      %add3A_665 = arith.addi %add3A_658, %xor3A_664 : i32
      %shift_left3A_666 = arith.constant 16 : i32
      %shift_left3A_667 = arith.shli %xor3A_664, %shift_left3A_666 : i32
      %shift_right_logical3A_668 = arith.constant 16 : i32
      %shift_right_logical3A_669 = arith.shrui %xor3A_664, %shift_right_logical3A_668 : i32
      %or3A_670 = arith.ori %shift_left3A_667, %shift_right_logical3A_669 : i32
      %xor3A_671 = arith.xori %or3A_670, %add3A_665 : i32
      %add3A_672 = arith.addi %add3A_665, %xor3A_671 : i32
      %shift_left3A_673 = arith.constant 24 : i32
      %shift_left3A_674 = arith.shli %xor3A_671, %shift_left3A_673 : i32
      %shift_right_logical3A_675 = arith.constant 8 : i32
      %shift_right_logical3A_676 = arith.shrui %xor3A_671, %shift_right_logical3A_675 : i32
      %or3A_677 = arith.ori %shift_left3A_674, %shift_right_logical3A_676 : i32
      %xor3A_678 = arith.xori %or3A_677, %add3A_672 : i32
      %add3A_679 = arith.addi %add3A_672, %squeeze3A_7 : i32
      %add3A_680 = arith.addi %xor3A_678, %xor3A_550 : i32
      %add3A_681 = arith.constant 4 : i32
      %add3A_682 = arith.addi %add3A_680, %add3A_681 : i32
      %add3A_683 = arith.addi %add3A_679, %add3A_682 : i32
      %shift_left3A_684 = arith.constant 13 : i32
      %shift_left3A_685 = arith.shli %add3A_682, %shift_left3A_684 : i32
      %shift_right_logical3A_686 = arith.constant 19 : i32
      %shift_right_logical3A_687 = arith.shrui %add3A_682, %shift_right_logical3A_686 : i32
      %or3A_688 = arith.ori %shift_left3A_685, %shift_right_logical3A_687 : i32
      %xor3A_689 = arith.xori %or3A_688, %add3A_683 : i32
      %add3A_690 = arith.addi %add3A_683, %xor3A_689 : i32
      %shift_left3A_691 = arith.constant 15 : i32
      %shift_left3A_692 = arith.shli %xor3A_689, %shift_left3A_691 : i32
      %shift_right_logical3A_693 = arith.constant 17 : i32
      %shift_right_logical3A_694 = arith.shrui %xor3A_689, %shift_right_logical3A_693 : i32
      %or3A_695 = arith.ori %shift_left3A_692, %shift_right_logical3A_694 : i32
      %xor3A_696 = arith.xori %or3A_695, %add3A_690 : i32
      %add3A_697 = arith.addi %add3A_690, %xor3A_696 : i32
      %shift_left3A_698 = arith.constant 26 : i32
      %shift_left3A_699 = arith.shli %xor3A_696, %shift_left3A_698 : i32
      %shift_right_logical3A_700 = arith.constant 6 : i32
      %shift_right_logical3A_701 = arith.shrui %xor3A_696, %shift_right_logical3A_700 : i32
      %or3A_702 = arith.ori %shift_left3A_699, %shift_right_logical3A_701 : i32
      %xor3A_703 = arith.xori %or3A_702, %add3A_697 : i32
      %add3A_704 = arith.addi %add3A_697, %xor3A_703 : i32
      %shift_left3A_705 = arith.constant 6 : i32
      %shift_left3A_706 = arith.shli %xor3A_703, %shift_left3A_705 : i32
      %shift_right_logical3A_707 = arith.constant 26 : i32
      %shift_right_logical3A_708 = arith.shrui %xor3A_703, %shift_right_logical3A_707 : i32
      %or3A_709 = arith.ori %shift_left3A_706, %shift_right_logical3A_708 : i32
      %xor3A_710 = arith.xori %or3A_709, %add3A_704 : i32
      %add3A_711 = arith.addi %add3A_704, %xor3A_550 : i32
      %add3A_712 = arith.addi %xor3A_710, %squeeze3A : i32
      %add3A_713 = arith.constant 5 : i32
      %add3A_714 = arith.addi %add3A_712, %add3A_713 : i32
      %xor3A_715 = arith.xori %add3A_711, %add3A_714 : i32
      %xor3A_716 = arith.constant 466688986 : i32
      %xor3A_717 = arith.xori %xor3A_715, %xor3A_716 : i32
      %add3A_718 = arith.constant 0 : i32
      %add3A_719 = arith.addi %add3A_718, %add3A_711 : i32
      %add3A_720 = arith.constant 0 : i32
      %add3A_721 = arith.addi %add3A_720, %add3A_714 : i32
      %add3A_722 = arith.addi %add3A_719, %add3A_721 : i32
      %shift_left3A_723 = arith.constant 13 : i32
      %shift_left3A_724 = arith.shli %add3A_721, %shift_left3A_723 : i32
      %shift_right_logical3A_725 = arith.constant 19 : i32
      %shift_right_logical3A_726 = arith.shrui %add3A_721, %shift_right_logical3A_725 : i32
      %or3A_727 = arith.ori %shift_left3A_724, %shift_right_logical3A_726 : i32
      %xor3A_728 = arith.xori %or3A_727, %add3A_722 : i32
      %add3A_729 = arith.addi %add3A_722, %xor3A_728 : i32
      %shift_left3A_730 = arith.constant 15 : i32
      %shift_left3A_731 = arith.shli %xor3A_728, %shift_left3A_730 : i32
      %shift_right_logical3A_732 = arith.constant 17 : i32
      %shift_right_logical3A_733 = arith.shrui %xor3A_728, %shift_right_logical3A_732 : i32
      %or3A_734 = arith.ori %shift_left3A_731, %shift_right_logical3A_733 : i32
      %xor3A_735 = arith.xori %or3A_734, %add3A_729 : i32
      %add3A_736 = arith.addi %add3A_729, %xor3A_735 : i32
      %shift_left3A_737 = arith.constant 26 : i32
      %shift_left3A_738 = arith.shli %xor3A_735, %shift_left3A_737 : i32
      %shift_right_logical3A_739 = arith.constant 6 : i32
      %shift_right_logical3A_740 = arith.shrui %xor3A_735, %shift_right_logical3A_739 : i32
      %or3A_741 = arith.ori %shift_left3A_738, %shift_right_logical3A_740 : i32
      %xor3A_742 = arith.xori %or3A_741, %add3A_736 : i32
      %add3A_743 = arith.addi %add3A_736, %xor3A_742 : i32
      %shift_left3A_744 = arith.constant 6 : i32
      %shift_left3A_745 = arith.shli %xor3A_742, %shift_left3A_744 : i32
      %shift_right_logical3A_746 = arith.constant 26 : i32
      %shift_right_logical3A_747 = arith.shrui %xor3A_742, %shift_right_logical3A_746 : i32
      %or3A_748 = arith.ori %shift_left3A_745, %shift_right_logical3A_747 : i32
      %xor3A_749 = arith.xori %or3A_748, %add3A_743 : i32
      %add3A_750 = arith.addi %add3A_743, %add3A_714 : i32
      %add3A_751 = arith.addi %xor3A_749, %xor3A_717 : i32
      %add3A_752 = arith.constant 1 : i32
      %add3A_753 = arith.addi %add3A_751, %add3A_752 : i32
      %add3A_754 = arith.addi %add3A_750, %add3A_753 : i32
      %shift_left3A_755 = arith.constant 17 : i32
      %shift_left3A_756 = arith.shli %add3A_753, %shift_left3A_755 : i32
      %shift_right_logical3A_757 = arith.constant 15 : i32
      %shift_right_logical3A_758 = arith.shrui %add3A_753, %shift_right_logical3A_757 : i32
      %or3A_759 = arith.ori %shift_left3A_756, %shift_right_logical3A_758 : i32
      %xor3A_760 = arith.xori %or3A_759, %add3A_754 : i32
      %add3A_761 = arith.addi %add3A_754, %xor3A_760 : i32
      %shift_left3A_762 = arith.constant 29 : i32
      %shift_left3A_763 = arith.shli %xor3A_760, %shift_left3A_762 : i32
      %shift_right_logical3A_764 = arith.constant 3 : i32
      %shift_right_logical3A_765 = arith.shrui %xor3A_760, %shift_right_logical3A_764 : i32
      %or3A_766 = arith.ori %shift_left3A_763, %shift_right_logical3A_765 : i32
      %xor3A_767 = arith.xori %or3A_766, %add3A_761 : i32
      %add3A_768 = arith.addi %add3A_761, %xor3A_767 : i32
      %shift_left3A_769 = arith.constant 16 : i32
      %shift_left3A_770 = arith.shli %xor3A_767, %shift_left3A_769 : i32
      %shift_right_logical3A_771 = arith.constant 16 : i32
      %shift_right_logical3A_772 = arith.shrui %xor3A_767, %shift_right_logical3A_771 : i32
      %or3A_773 = arith.ori %shift_left3A_770, %shift_right_logical3A_772 : i32
      %xor3A_774 = arith.xori %or3A_773, %add3A_768 : i32
      %add3A_775 = arith.addi %add3A_768, %xor3A_774 : i32
      %shift_left3A_776 = arith.constant 24 : i32
      %shift_left3A_777 = arith.shli %xor3A_774, %shift_left3A_776 : i32
      %shift_right_logical3A_778 = arith.constant 8 : i32
      %shift_right_logical3A_779 = arith.shrui %xor3A_774, %shift_right_logical3A_778 : i32
      %or3A_780 = arith.ori %shift_left3A_777, %shift_right_logical3A_779 : i32
      %xor3A_781 = arith.xori %or3A_780, %add3A_775 : i32
      %add3A_782 = arith.addi %add3A_775, %xor3A_717 : i32
      %add3A_783 = arith.addi %xor3A_781, %add3A_711 : i32
      %add3A_784 = arith.constant 2 : i32
      %add3A_785 = arith.addi %add3A_783, %add3A_784 : i32
      %add3A_786 = arith.addi %add3A_782, %add3A_785 : i32
      %shift_left3A_787 = arith.constant 13 : i32
      %shift_left3A_788 = arith.shli %add3A_785, %shift_left3A_787 : i32
      %shift_right_logical3A_789 = arith.constant 19 : i32
      %shift_right_logical3A_790 = arith.shrui %add3A_785, %shift_right_logical3A_789 : i32
      %or3A_791 = arith.ori %shift_left3A_788, %shift_right_logical3A_790 : i32
      %xor3A_792 = arith.xori %or3A_791, %add3A_786 : i32
      %add3A_793 = arith.addi %add3A_786, %xor3A_792 : i32
      %shift_left3A_794 = arith.constant 15 : i32
      %shift_left3A_795 = arith.shli %xor3A_792, %shift_left3A_794 : i32
      %shift_right_logical3A_796 = arith.constant 17 : i32
      %shift_right_logical3A_797 = arith.shrui %xor3A_792, %shift_right_logical3A_796 : i32
      %or3A_798 = arith.ori %shift_left3A_795, %shift_right_logical3A_797 : i32
      %xor3A_799 = arith.xori %or3A_798, %add3A_793 : i32
      %add3A_800 = arith.addi %add3A_793, %xor3A_799 : i32
      %shift_left3A_801 = arith.constant 26 : i32
      %shift_left3A_802 = arith.shli %xor3A_799, %shift_left3A_801 : i32
      %shift_right_logical3A_803 = arith.constant 6 : i32
      %shift_right_logical3A_804 = arith.shrui %xor3A_799, %shift_right_logical3A_803 : i32
      %or3A_805 = arith.ori %shift_left3A_802, %shift_right_logical3A_804 : i32
      %xor3A_806 = arith.xori %or3A_805, %add3A_800 : i32
      %add3A_807 = arith.addi %add3A_800, %xor3A_806 : i32
      %shift_left3A_808 = arith.constant 6 : i32
      %shift_left3A_809 = arith.shli %xor3A_806, %shift_left3A_808 : i32
      %shift_right_logical3A_810 = arith.constant 26 : i32
      %shift_right_logical3A_811 = arith.shrui %xor3A_806, %shift_right_logical3A_810 : i32
      %or3A_812 = arith.ori %shift_left3A_809, %shift_right_logical3A_811 : i32
      %xor3A_813 = arith.xori %or3A_812, %add3A_807 : i32
      %add3A_814 = arith.addi %add3A_807, %add3A_711 : i32
      %add3A_815 = arith.addi %xor3A_813, %add3A_714 : i32
      %add3A_816 = arith.constant 3 : i32
      %add3A_817 = arith.addi %add3A_815, %add3A_816 : i32
      %add3A_818 = arith.addi %add3A_814, %add3A_817 : i32
      %shift_left3A_819 = arith.constant 17 : i32
      %shift_left3A_820 = arith.shli %add3A_817, %shift_left3A_819 : i32
      %shift_right_logical3A_821 = arith.constant 15 : i32
      %shift_right_logical3A_822 = arith.shrui %add3A_817, %shift_right_logical3A_821 : i32
      %or3A_823 = arith.ori %shift_left3A_820, %shift_right_logical3A_822 : i32
      %xor3A_824 = arith.xori %or3A_823, %add3A_818 : i32
      %add3A_825 = arith.addi %add3A_818, %xor3A_824 : i32
      %shift_left3A_826 = arith.constant 29 : i32
      %shift_left3A_827 = arith.shli %xor3A_824, %shift_left3A_826 : i32
      %shift_right_logical3A_828 = arith.constant 3 : i32
      %shift_right_logical3A_829 = arith.shrui %xor3A_824, %shift_right_logical3A_828 : i32
      %or3A_830 = arith.ori %shift_left3A_827, %shift_right_logical3A_829 : i32
      %xor3A_831 = arith.xori %or3A_830, %add3A_825 : i32
      %add3A_832 = arith.addi %add3A_825, %xor3A_831 : i32
      %shift_left3A_833 = arith.constant 16 : i32
      %shift_left3A_834 = arith.shli %xor3A_831, %shift_left3A_833 : i32
      %shift_right_logical3A_835 = arith.constant 16 : i32
      %shift_right_logical3A_836 = arith.shrui %xor3A_831, %shift_right_logical3A_835 : i32
      %or3A_837 = arith.ori %shift_left3A_834, %shift_right_logical3A_836 : i32
      %xor3A_838 = arith.xori %or3A_837, %add3A_832 : i32
      %add3A_839 = arith.addi %add3A_832, %xor3A_838 : i32
      %shift_left3A_840 = arith.constant 24 : i32
      %shift_left3A_841 = arith.shli %xor3A_838, %shift_left3A_840 : i32
      %shift_right_logical3A_842 = arith.constant 8 : i32
      %shift_right_logical3A_843 = arith.shrui %xor3A_838, %shift_right_logical3A_842 : i32
      %or3A_844 = arith.ori %shift_left3A_841, %shift_right_logical3A_843 : i32
      %xor3A_845 = arith.xori %or3A_844, %add3A_839 : i32
      %add3A_846 = arith.addi %add3A_839, %add3A_714 : i32
      %add3A_847 = arith.addi %xor3A_845, %xor3A_717 : i32
      %add3A_848 = arith.constant 4 : i32
      %add3A_849 = arith.addi %add3A_847, %add3A_848 : i32
      %add3A_850 = arith.addi %add3A_846, %add3A_849 : i32
      %shift_left3A_851 = arith.constant 13 : i32
      %shift_left3A_852 = arith.shli %add3A_849, %shift_left3A_851 : i32
      %shift_right_logical3A_853 = arith.constant 19 : i32
      %shift_right_logical3A_854 = arith.shrui %add3A_849, %shift_right_logical3A_853 : i32
      %or3A_855 = arith.ori %shift_left3A_852, %shift_right_logical3A_854 : i32
      %xor3A_856 = arith.xori %or3A_855, %add3A_850 : i32
      %add3A_857 = arith.addi %add3A_850, %xor3A_856 : i32
      %shift_left3A_858 = arith.constant 15 : i32
      %shift_left3A_859 = arith.shli %xor3A_856, %shift_left3A_858 : i32
      %shift_right_logical3A_860 = arith.constant 17 : i32
      %shift_right_logical3A_861 = arith.shrui %xor3A_856, %shift_right_logical3A_860 : i32
      %or3A_862 = arith.ori %shift_left3A_859, %shift_right_logical3A_861 : i32
      %xor3A_863 = arith.xori %or3A_862, %add3A_857 : i32
      %add3A_864 = arith.addi %add3A_857, %xor3A_863 : i32
      %shift_left3A_865 = arith.constant 26 : i32
      %shift_left3A_866 = arith.shli %xor3A_863, %shift_left3A_865 : i32
      %shift_right_logical3A_867 = arith.constant 6 : i32
      %shift_right_logical3A_868 = arith.shrui %xor3A_863, %shift_right_logical3A_867 : i32
      %or3A_869 = arith.ori %shift_left3A_866, %shift_right_logical3A_868 : i32
      %xor3A_870 = arith.xori %or3A_869, %add3A_864 : i32
      %add3A_871 = arith.addi %add3A_864, %xor3A_870 : i32
      %shift_left3A_872 = arith.constant 6 : i32
      %shift_left3A_873 = arith.shli %xor3A_870, %shift_left3A_872 : i32
      %shift_right_logical3A_874 = arith.constant 26 : i32
      %shift_right_logical3A_875 = arith.shrui %xor3A_870, %shift_right_logical3A_874 : i32
      %or3A_876 = arith.ori %shift_left3A_873, %shift_right_logical3A_875 : i32
      %xor3A_877 = arith.xori %or3A_876, %add3A_871 : i32
      %add3A_878 = arith.addi %add3A_871, %xor3A_717 : i32
      %add3A_879 = arith.addi %xor3A_877, %add3A_711 : i32
      %add3A_880 = arith.constant 5 : i32
      %add3A_881 = arith.addi %add3A_879, %add3A_880 : i32
      %xor3A_882 = arith.xori %add3A_878, %add3A_881 : i32
      %shift_right_logical3A_883 = arith.constant 9 : i32
      %shift_right_logical3A_884 = arith.shrui %xor3A_882, %shift_right_logical3A_883 : i32
      %or3A_885 = arith.constant 1065353216 : i32
      %or3A_886 = arith.ori %shift_right_logical3A_884, %or3A_885 : i32
      %bitcast_convert_type3A_887 = arith.bitcast %or3A_886 : i32 to f32
      %sub3A_888 = arith.constant 1.000000e+00 : f32
      %sub3A_889 = arith.subf %bitcast_convert_type3A_887, %sub3A_888 : f32
      %sub3A_890 = arith.constant 1.000000e+00 : f32
      %sub3A_891 = arith.subf %sub3A_890, %sub3A_889 : f32
      %mul3A_892 = arith.mulf %reduce_max3A_547, %sub3A_891 : f32
      %lt3A_893 = vector.broadcast %mul3A_892 : f32 to vector<16xf32>
      %lt3A_894 = arith.cmpf olt, %masked_cumsum3A_543, %lt3A_893 : vector<16xf32>
      %jit3A_895 = arith.constant 1 : i32
      %jit3A_896 = arith.constant 0 : i32
      %broadcast_in_dim3A_897 = vector.broadcast %jit3A_895 : i32 to vector<16xi32>
      %broadcast_in_dim3A_898 = vector.broadcast %jit3A_896 : i32 to vector<16xi32>
      %select_n3A_899 = arith.select %lt3A_894, %broadcast_in_dim3A_897, %broadcast_in_dim3A_898 : vector<16xi1>, vector<16xi32>
      %reduce_sum3A_900 = arith.constant true
      %reduce_sum3A_901 = vector.broadcast %reduce_sum3A_900 : i1 to vector<16xi1>
      %reduce_sum3A_902 = tpu.scan <sum>, %select_n3A_899 masked %reduce_sum3A_901 : vector<16xi32>, vector<16xi1> -> vector<16xi32>
      %reduce_sum3A_903 = vector.extract %reduce_sum3A_902[15] : i32 from vector<16xi32>
      %min3A_904 = arith.constant 7 : i32
      %min3A_905 = arith.minsi %reduce_sum3A_903, %min3A_904 : i32
      %add3A_906 = vector.broadcast %min3A_905 : i32 to vector<16xi32>
      %add3A_907 = arith.addi %broadcast_in_dim3A_2, %add3A_906 : vector<16xi32>
      %gather3A_908 = tpu.vector_load_idx %arg9[%add3A_907] : memref<16xi32, #tpu.memory_space<vmem>>[vector<16xi32>], vector<16xi32>,
      %slice3A_909 = vector.extract_strided_slice %gather3A_908 {offsets = [0], sizes = [1], strides = [1]} : vector<16xi32> to vector<1xi32>
      %squeeze3A_910 = vector.extract %slice3A_909[0] : i32 from vector<1xi32>
      "tpu.region"() ({
        %run_scoped3A = tpu.sem_alloc : memref<!tpu.dma_semaphore, #tpu.memory_space<semaphore_mem>>
        %dma_start3A = arith.constant 0 : i32
        %dma_start3A_1429 = arith.constant 0 : i32
        %dma_start3A_1430 = tpu.memref_slice %arg3[%min3A_905, %dma_start3A, %dma_start3A_1429] : memref<8x64x64xf32, #tpu.memory_space<hbm>> -> memref<1x64x64xf32, #tpu.memory_space<hbm>>
        %dma_start3A_1431 = tpu.memref_squeeze %dma_start3A_1430 : memref<1x64x64xf32, #tpu.memory_space<hbm>> -> memref<64x64xf32, #tpu.memory_space<hbm>>
        %dma_start3A_1432 = arith.constant 0 : i32
        %dma_start3A_1433 = arith.constant 0 : i32
        %dma_start3A_1434 = tpu.memref_slice %arg3[%min3A_905, %dma_start3A_1432, %dma_start3A_1433] : memref<8x64x64xf32, #tpu.memory_space<hbm>> -> memref<1x64x64xf32, #tpu.memory_space<hbm>>
        %dma_start3A_1435 = tpu.memref_squeeze %dma_start3A_1434 : memref<1x64x64xf32, #tpu.memory_space<hbm>> -> memref<64x64xf32, #tpu.memory_space<hbm>>
        tpu.enqueue_dma source(%dma_start3A_1435 : memref<64x64xf32, #tpu.memory_space<hbm>>) target(%arg10 : memref<64x64xf32, #tpu.memory_space<vmem>>) target_semaphore(%run_scoped3A : memref<!tpu.dma_semaphore, #tpu.memory_space<semaphore_mem>>)
        %dma_wait3A = arith.constant 0 : i32
        %dma_wait3A_1436 = arith.constant 0 : i32
        %dma_wait3A_1437 = tpu.memref_slice %arg3[%min3A_905, %dma_wait3A, %dma_wait3A_1436] : memref<8x64x64xf32, #tpu.memory_space<hbm>> -> memref<1x64x64xf32, #tpu.memory_space<hbm>>
        %dma_wait3A_1438 = tpu.memref_squeeze %dma_wait3A_1437 : memref<1x64x64xf32, #tpu.memory_space<hbm>> -> memref<64x64xf32, #tpu.memory_space<hbm>>
        %dma_wait3A_1439 = arith.constant 0 : i32
        %dma_wait3A_1440 = arith.constant 0 : i32
        %dma_wait3A_1441 = tpu.memref_slice %arg3[%min3A_905, %dma_wait3A_1439, %dma_wait3A_1440] : memref<8x64x64xf32, #tpu.memory_space<hbm>> -> memref<1x64x64xf32, #tpu.memory_space<hbm>>
        %dma_wait3A_1442 = tpu.memref_squeeze %dma_wait3A_1441 : memref<1x64x64xf32, #tpu.memory_space<hbm>> -> memref<64x64xf32, #tpu.memory_space<hbm>>
        tpu.wait_dma2 semaphore(%run_scoped3A : memref<!tpu.dma_semaphore, #tpu.memory_space<semaphore_mem>>) src(%dma_wait3A_1442 : memref<64x64xf32, #tpu.memory_space<hbm>>) dst(%arg10 : memref<64x64xf32, #tpu.memory_space<vmem>>)
        tpu.yield
      }) : () -> ()
      %get3A_911 = arith.index_cast %squeeze3A_910 : i32 to index
      %get3A_912 = arith.constant 0 : index
      %get3A_913 = tpu.vector_load %arg10[%get3A_911, %get3A_912] {strides = array<i32>} : memref<64x64xf32, #tpu.memory_space<vmem>>, vector<16xf32>,
      %get3A_914 = arith.index_cast %squeeze3A_910 : i32 to index
      %get3A_915 = arith.constant 16 : index
      %get3A_916 = tpu.vector_load %arg10[%get3A_914, %get3A_915] {strides = array<i32>} : memref<64x64xf32, #tpu.memory_space<vmem>>, vector<16xf32>,
      %get3A_917 = arith.index_cast %squeeze3A_910 : i32 to index
      %get3A_918 = arith.constant 32 : index
      %get3A_919 = tpu.vector_load %arg10[%get3A_917, %get3A_918] {strides = array<i32>} : memref<64x64xf32, #tpu.memory_space<vmem>>, vector<16xf32>,
      %get3A_920 = arith.index_cast %squeeze3A_910 : i32 to index
      %get3A_921 = arith.constant 48 : index
      %get3A_922 = tpu.vector_load %arg10[%get3A_920, %get3A_921] {strides = array<i32>} : memref<64x64xf32, #tpu.memory_space<vmem>>, vector<16xf32>,
      %max3A_923 = arith.maximumf %get3A_913, %get3A_916 : vector<16xf32>
      %max3A_924 = arith.maximumf %get3A_919, %get3A_922 : vector<16xf32>
      %max3A_925 = arith.maximumf %max3A_923, %max3A_924 : vector<16xf32>
      %reduce_max3A_926 = arith.constant true
      %reduce_max3A_927 = vector.broadcast %reduce_max3A_926 : i1 to vector<16xi1>
      %reduce_max3A_928 = tpu.scan <max>, %max3A_925 masked %reduce_max3A_927 : vector<16xf32>, vector<16xi1> -> vector<16xf32>
      %reduce_max3A_929 = vector.extract %reduce_max3A_928[15] : f32 from vector<16xf32>
      %sub3A_930 = vector.broadcast %reduce_max3A_929 : f32 to vector<16xf32>
      %sub3A_931 = arith.subf %get3A_913, %sub3A_930 : vector<16xf32>
      %exp3A_932 = math.exp %sub3A_931 : vector<16xf32>
      %sub3A_933 = vector.broadcast %reduce_max3A_929 : f32 to vector<16xf32>
      %sub3A_934 = arith.subf %get3A_916, %sub3A_933 : vector<16xf32>
      %exp3A_935 = math.exp %sub3A_934 : vector<16xf32>
      %sub3A_936 = vector.broadcast %reduce_max3A_929 : f32 to vector<16xf32>
      %sub3A_937 = arith.subf %get3A_919, %sub3A_936 : vector<16xf32>
      %exp3A_938 = math.exp %sub3A_937 : vector<16xf32>
      %sub3A_939 = vector.broadcast %reduce_max3A_929 : f32 to vector<16xf32>
      %sub3A_940 = arith.subf %get3A_922, %sub3A_939 : vector<16xf32>
      %exp3A_941 = math.exp %sub3A_940 : vector<16xf32>
      %reduce_sum3A_942 = arith.constant true
      %reduce_sum3A_943 = vector.broadcast %reduce_sum3A_942 : i1 to vector<16xi1>
      %reduce_sum3A_944 = tpu.scan <sum>, %exp3A_932 masked %reduce_sum3A_943 : vector<16xf32>, vector<16xi1> -> vector<16xf32>
      %reduce_sum3A_945 = vector.extract %reduce_sum3A_944[15] : f32 from vector<16xf32>
      %add3A_946 = arith.constant 0.000000e+00 : f32
      %add3A_947 = arith.addf %add3A_946, %reduce_sum3A_945 : f32
      %reduce_sum3A_948 = arith.constant true
      %reduce_sum3A_949 = vector.broadcast %reduce_sum3A_948 : i1 to vector<16xi1>
      %reduce_sum3A_950 = tpu.scan <sum>, %exp3A_935 masked %reduce_sum3A_949 : vector<16xf32>, vector<16xi1> -> vector<16xf32>
      %reduce_sum3A_951 = vector.extract %reduce_sum3A_950[15] : f32 from vector<16xf32>
      %add3A_952 = arith.addf %add3A_947, %reduce_sum3A_951 : f32
      %reduce_sum3A_953 = arith.constant true
      %reduce_sum3A_954 = vector.broadcast %reduce_sum3A_953 : i1 to vector<16xi1>
      %reduce_sum3A_955 = tpu.scan <sum>, %exp3A_938 masked %reduce_sum3A_954 : vector<16xf32>, vector<16xi1> -> vector<16xf32>
      %reduce_sum3A_956 = vector.extract %reduce_sum3A_955[15] : f32 from vector<16xf32>
      %add3A_957 = arith.addf %add3A_952, %reduce_sum3A_956 : f32
      %reduce_sum3A_958 = arith.constant true
      %reduce_sum3A_959 = vector.broadcast %reduce_sum3A_958 : i1 to vector<16xi1>
      %reduce_sum3A_960 = tpu.scan <sum>, %exp3A_941 masked %reduce_sum3A_959 : vector<16xf32>, vector<16xi1> -> vector<16xf32>
      %reduce_sum3A_961 = vector.extract %reduce_sum3A_960[15] : f32 from vector<16xf32>
      %add3A_962 = arith.addf %add3A_957, %reduce_sum3A_961 : f32
      %div3A_963 = vector.broadcast %add3A_962 : f32 to vector<16xf32>
      %div3A_964 = arith.divf %exp3A_932, %div3A_963 : vector<16xf32>
      %broadcast_in_dim3A_965 = arith.constant true
      %broadcast_in_dim3A_966 = vector.broadcast %broadcast_in_dim3A_965 : i1 to vector<16xi1>
      %masked_cumsum3A_967 = tpu.scan <sum>, %div3A_964 masked %broadcast_in_dim3A_966 : vector<16xf32>, vector<16xi1> -> vector<16xf32>
      %add3A_968 = arith.constant 0.000000e+00 : f32
      %add3A_969 = vector.broadcast %add3A_968 : f32 to vector<16xf32>
      %add3A_970 = arith.addf %masked_cumsum3A_967, %add3A_969 : vector<16xf32>
      %reduce_max3A_971 = arith.constant true
      %reduce_max3A_972 = vector.broadcast %reduce_max3A_971 : i1 to vector<16xi1>
      %reduce_max3A_973 = tpu.scan <max>, %add3A_970 masked %reduce_max3A_972 : vector<16xf32>, vector<16xi1> -> vector<16xf32>
      %reduce_max3A_974 = vector.extract %reduce_max3A_973[15] : f32 from vector<16xf32>
      %div3A_975 = vector.broadcast %add3A_962 : f32 to vector<16xf32>
      %div3A_976 = arith.divf %exp3A_935, %div3A_975 : vector<16xf32>
      %broadcast_in_dim3A_977 = arith.constant true
      %broadcast_in_dim3A_978 = vector.broadcast %broadcast_in_dim3A_977 : i1 to vector<16xi1>
      %masked_cumsum3A_979 = tpu.scan <sum>, %div3A_976 masked %broadcast_in_dim3A_978 : vector<16xf32>, vector<16xi1> -> vector<16xf32>
      %add3A_980 = vector.broadcast %reduce_max3A_974 : f32 to vector<16xf32>
      %add3A_981 = arith.addf %masked_cumsum3A_979, %add3A_980 : vector<16xf32>
      %reduce_max3A_982 = arith.constant true
      %reduce_max3A_983 = vector.broadcast %reduce_max3A_982 : i1 to vector<16xi1>
      %reduce_max3A_984 = tpu.scan <max>, %add3A_981 masked %reduce_max3A_983 : vector<16xf32>, vector<16xi1> -> vector<16xf32>
      %reduce_max3A_985 = vector.extract %reduce_max3A_984[15] : f32 from vector<16xf32>
      %div3A_986 = vector.broadcast %add3A_962 : f32 to vector<16xf32>
      %div3A_987 = arith.divf %exp3A_938, %div3A_986 : vector<16xf32>
      %broadcast_in_dim3A_988 = arith.constant true
      %broadcast_in_dim3A_989 = vector.broadcast %broadcast_in_dim3A_988 : i1 to vector<16xi1>
      %masked_cumsum3A_990 = tpu.scan <sum>, %div3A_987 masked %broadcast_in_dim3A_989 : vector<16xf32>, vector<16xi1> -> vector<16xf32>
      %add3A_991 = vector.broadcast %reduce_max3A_985 : f32 to vector<16xf32>
      %add3A_992 = arith.addf %masked_cumsum3A_990, %add3A_991 : vector<16xf32>
      %reduce_max3A_993 = arith.constant true
      %reduce_max3A_994 = vector.broadcast %reduce_max3A_993 : i1 to vector<16xi1>
      %reduce_max3A_995 = tpu.scan <max>, %add3A_992 masked %reduce_max3A_994 : vector<16xf32>, vector<16xi1> -> vector<16xf32>
      %reduce_max3A_996 = vector.extract %reduce_max3A_995[15] : f32 from vector<16xf32>
      %div3A_997 = vector.broadcast %add3A_962 : f32 to vector<16xf32>
      %div3A_998 = arith.divf %exp3A_941, %div3A_997 : vector<16xf32>
      %broadcast_in_dim3A_999 = arith.constant true
      %broadcast_in_dim3A_1000 = vector.broadcast %broadcast_in_dim3A_999 : i1 to vector<16xi1>
      %masked_cumsum3A_1001 = tpu.scan <sum>, %div3A_998 masked %broadcast_in_dim3A_1000 : vector<16xf32>, vector<16xi1> -> vector<16xf32>
      %add3A_1002 = vector.broadcast %reduce_max3A_996 : f32 to vector<16xf32>
      %add3A_1003 = arith.addf %masked_cumsum3A_1001, %add3A_1002 : vector<16xf32>
      %reduce_max3A_1004 = arith.constant true
      %reduce_max3A_1005 = vector.broadcast %reduce_max3A_1004 : i1 to vector<16xi1>
      %reduce_max3A_1006 = tpu.scan <max>, %add3A_1003 masked %reduce_max3A_1005 : vector<16xf32>, vector<16xi1> -> vector<16xf32>
      %reduce_max3A_1007 = vector.extract %reduce_max3A_1006[15] : f32 from vector<16xf32>
      %xor3A_1008 = arith.xori %squeeze3A, %squeeze3A_7 : i32
      %xor3A_1009 = arith.constant 466688986 : i32
      %xor3A_1010 = arith.xori %xor3A_1008, %xor3A_1009 : i32
      %add3A_1011 = arith.constant 0 : i32
      %add3A_1012 = arith.addi %add3A_1011, %squeeze3A : i32
      %add3A_1013 = arith.constant 1 : i32
      %add3A_1014 = arith.addi %add3A_1013, %squeeze3A_7 : i32
      %add3A_1015 = arith.addi %add3A_1012, %add3A_1014 : i32
      %shift_left3A_1016 = arith.constant 13 : i32
      %shift_left3A_1017 = arith.shli %add3A_1014, %shift_left3A_1016 : i32
      %shift_right_logical3A_1018 = arith.constant 19 : i32
      %shift_right_logical3A_1019 = arith.shrui %add3A_1014, %shift_right_logical3A_1018 : i32
      %or3A_1020 = arith.ori %shift_left3A_1017, %shift_right_logical3A_1019 : i32
      %xor3A_1021 = arith.xori %or3A_1020, %add3A_1015 : i32
      %add3A_1022 = arith.addi %add3A_1015, %xor3A_1021 : i32
      %shift_left3A_1023 = arith.constant 15 : i32
      %shift_left3A_1024 = arith.shli %xor3A_1021, %shift_left3A_1023 : i32
      %shift_right_logical3A_1025 = arith.constant 17 : i32
      %shift_right_logical3A_1026 = arith.shrui %xor3A_1021, %shift_right_logical3A_1025 : i32
      %or3A_1027 = arith.ori %shift_left3A_1024, %shift_right_logical3A_1026 : i32
      %xor3A_1028 = arith.xori %or3A_1027, %add3A_1022 : i32
      %add3A_1029 = arith.addi %add3A_1022, %xor3A_1028 : i32
      %shift_left3A_1030 = arith.constant 26 : i32
      %shift_left3A_1031 = arith.shli %xor3A_1028, %shift_left3A_1030 : i32
      %shift_right_logical3A_1032 = arith.constant 6 : i32
      %shift_right_logical3A_1033 = arith.shrui %xor3A_1028, %shift_right_logical3A_1032 : i32
      %or3A_1034 = arith.ori %shift_left3A_1031, %shift_right_logical3A_1033 : i32
      %xor3A_1035 = arith.xori %or3A_1034, %add3A_1029 : i32
      %add3A_1036 = arith.addi %add3A_1029, %xor3A_1035 : i32
      %shift_left3A_1037 = arith.constant 6 : i32
      %shift_left3A_1038 = arith.shli %xor3A_1035, %shift_left3A_1037 : i32
      %shift_right_logical3A_1039 = arith.constant 26 : i32
      %shift_right_logical3A_1040 = arith.shrui %xor3A_1035, %shift_right_logical3A_1039 : i32
      %or3A_1041 = arith.ori %shift_left3A_1038, %shift_right_logical3A_1040 : i32
      %xor3A_1042 = arith.xori %or3A_1041, %add3A_1036 : i32
      %add3A_1043 = arith.addi %add3A_1036, %squeeze3A_7 : i32
      %add3A_1044 = arith.addi %xor3A_1042, %xor3A_1010 : i32
      %add3A_1045 = arith.constant 1 : i32
      %add3A_1046 = arith.addi %add3A_1044, %add3A_1045 : i32
      %add3A_1047 = arith.addi %add3A_1043, %add3A_1046 : i32
      %shift_left3A_1048 = arith.constant 17 : i32
      %shift_left3A_1049 = arith.shli %add3A_1046, %shift_left3A_1048 : i32
      %shift_right_logical3A_1050 = arith.constant 15 : i32
      %shift_right_logical3A_1051 = arith.shrui %add3A_1046, %shift_right_logical3A_1050 : i32
      %or3A_1052 = arith.ori %shift_left3A_1049, %shift_right_logical3A_1051 : i32
      %xor3A_1053 = arith.xori %or3A_1052, %add3A_1047 : i32
      %add3A_1054 = arith.addi %add3A_1047, %xor3A_1053 : i32
      %shift_left3A_1055 = arith.constant 29 : i32
      %shift_left3A_1056 = arith.shli %xor3A_1053, %shift_left3A_1055 : i32
      %shift_right_logical3A_1057 = arith.constant 3 : i32
      %shift_right_logical3A_1058 = arith.shrui %xor3A_1053, %shift_right_logical3A_1057 : i32
      %or3A_1059 = arith.ori %shift_left3A_1056, %shift_right_logical3A_1058 : i32
      %xor3A_1060 = arith.xori %or3A_1059, %add3A_1054 : i32
      %add3A_1061 = arith.addi %add3A_1054, %xor3A_1060 : i32
      %shift_left3A_1062 = arith.constant 16 : i32
      %shift_left3A_1063 = arith.shli %xor3A_1060, %shift_left3A_1062 : i32
      %shift_right_logical3A_1064 = arith.constant 16 : i32
      %shift_right_logical3A_1065 = arith.shrui %xor3A_1060, %shift_right_logical3A_1064 : i32
      %or3A_1066 = arith.ori %shift_left3A_1063, %shift_right_logical3A_1065 : i32
      %xor3A_1067 = arith.xori %or3A_1066, %add3A_1061 : i32
      %add3A_1068 = arith.addi %add3A_1061, %xor3A_1067 : i32
      %shift_left3A_1069 = arith.constant 24 : i32
      %shift_left3A_1070 = arith.shli %xor3A_1067, %shift_left3A_1069 : i32
      %shift_right_logical3A_1071 = arith.constant 8 : i32
      %shift_right_logical3A_1072 = arith.shrui %xor3A_1067, %shift_right_logical3A_1071 : i32
      %or3A_1073 = arith.ori %shift_left3A_1070, %shift_right_logical3A_1072 : i32
      %xor3A_1074 = arith.xori %or3A_1073, %add3A_1068 : i32
      %add3A_1075 = arith.addi %add3A_1068, %xor3A_1010 : i32
      %add3A_1076 = arith.addi %xor3A_1074, %squeeze3A : i32
      %add3A_1077 = arith.constant 2 : i32
      %add3A_1078 = arith.addi %add3A_1076, %add3A_1077 : i32
      %add3A_1079 = arith.addi %add3A_1075, %add3A_1078 : i32
      %shift_left3A_1080 = arith.constant 13 : i32
      %shift_left3A_1081 = arith.shli %add3A_1078, %shift_left3A_1080 : i32
      %shift_right_logical3A_1082 = arith.constant 19 : i32
      %shift_right_logical3A_1083 = arith.shrui %add3A_1078, %shift_right_logical3A_1082 : i32
      %or3A_1084 = arith.ori %shift_left3A_1081, %shift_right_logical3A_1083 : i32
      %xor3A_1085 = arith.xori %or3A_1084, %add3A_1079 : i32
      %add3A_1086 = arith.addi %add3A_1079, %xor3A_1085 : i32
      %shift_left3A_1087 = arith.constant 15 : i32
      %shift_left3A_1088 = arith.shli %xor3A_1085, %shift_left3A_1087 : i32
      %shift_right_logical3A_1089 = arith.constant 17 : i32
      %shift_right_logical3A_1090 = arith.shrui %xor3A_1085, %shift_right_logical3A_1089 : i32
      %or3A_1091 = arith.ori %shift_left3A_1088, %shift_right_logical3A_1090 : i32
      %xor3A_1092 = arith.xori %or3A_1091, %add3A_1086 : i32
      %add3A_1093 = arith.addi %add3A_1086, %xor3A_1092 : i32
      %shift_left3A_1094 = arith.constant 26 : i32
      %shift_left3A_1095 = arith.shli %xor3A_1092, %shift_left3A_1094 : i32
      %shift_right_logical3A_1096 = arith.constant 6 : i32
      %shift_right_logical3A_1097 = arith.shrui %xor3A_1092, %shift_right_logical3A_1096 : i32
      %or3A_1098 = arith.ori %shift_left3A_1095, %shift_right_logical3A_1097 : i32
      %xor3A_1099 = arith.xori %or3A_1098, %add3A_1093 : i32
      %add3A_1100 = arith.addi %add3A_1093, %xor3A_1099 : i32
      %shift_left3A_1101 = arith.constant 6 : i32
      %shift_left3A_1102 = arith.shli %xor3A_1099, %shift_left3A_1101 : i32
      %shift_right_logical3A_1103 = arith.constant 26 : i32
      %shift_right_logical3A_1104 = arith.shrui %xor3A_1099, %shift_right_logical3A_1103 : i32
      %or3A_1105 = arith.ori %shift_left3A_1102, %shift_right_logical3A_1104 : i32
      %xor3A_1106 = arith.xori %or3A_1105, %add3A_1100 : i32
      %add3A_1107 = arith.addi %add3A_1100, %squeeze3A : i32
      %add3A_1108 = arith.addi %xor3A_1106, %squeeze3A_7 : i32
      %add3A_1109 = arith.constant 3 : i32
      %add3A_1110 = arith.addi %add3A_1108, %add3A_1109 : i32
      %add3A_1111 = arith.addi %add3A_1107, %add3A_1110 : i32
      %shift_left3A_1112 = arith.constant 17 : i32
      %shift_left3A_1113 = arith.shli %add3A_1110, %shift_left3A_1112 : i32
      %shift_right_logical3A_1114 = arith.constant 15 : i32
      %shift_right_logical3A_1115 = arith.shrui %add3A_1110, %shift_right_logical3A_1114 : i32
      %or3A_1116 = arith.ori %shift_left3A_1113, %shift_right_logical3A_1115 : i32
      %xor3A_1117 = arith.xori %or3A_1116, %add3A_1111 : i32
      %add3A_1118 = arith.addi %add3A_1111, %xor3A_1117 : i32
      %shift_left3A_1119 = arith.constant 29 : i32
      %shift_left3A_1120 = arith.shli %xor3A_1117, %shift_left3A_1119 : i32
      %shift_right_logical3A_1121 = arith.constant 3 : i32
      %shift_right_logical3A_1122 = arith.shrui %xor3A_1117, %shift_right_logical3A_1121 : i32
      %or3A_1123 = arith.ori %shift_left3A_1120, %shift_right_logical3A_1122 : i32
      %xor3A_1124 = arith.xori %or3A_1123, %add3A_1118 : i32
      %add3A_1125 = arith.addi %add3A_1118, %xor3A_1124 : i32
      %shift_left3A_1126 = arith.constant 16 : i32
      %shift_left3A_1127 = arith.shli %xor3A_1124, %shift_left3A_1126 : i32
      %shift_right_logical3A_1128 = arith.constant 16 : i32
      %shift_right_logical3A_1129 = arith.shrui %xor3A_1124, %shift_right_logical3A_1128 : i32
      %or3A_1130 = arith.ori %shift_left3A_1127, %shift_right_logical3A_1129 : i32
      %xor3A_1131 = arith.xori %or3A_1130, %add3A_1125 : i32
      %add3A_1132 = arith.addi %add3A_1125, %xor3A_1131 : i32
      %shift_left3A_1133 = arith.constant 24 : i32
      %shift_left3A_1134 = arith.shli %xor3A_1131, %shift_left3A_1133 : i32
      %shift_right_logical3A_1135 = arith.constant 8 : i32
      %shift_right_logical3A_1136 = arith.shrui %xor3A_1131, %shift_right_logical3A_1135 : i32
      %or3A_1137 = arith.ori %shift_left3A_1134, %shift_right_logical3A_1136 : i32
      %xor3A_1138 = arith.xori %or3A_1137, %add3A_1132 : i32
      %add3A_1139 = arith.addi %add3A_1132, %squeeze3A_7 : i32
      %add3A_1140 = arith.addi %xor3A_1138, %xor3A_1010 : i32
      %add3A_1141 = arith.constant 4 : i32
      %add3A_1142 = arith.addi %add3A_1140, %add3A_1141 : i32
      %add3A_1143 = arith.addi %add3A_1139, %add3A_1142 : i32
      %shift_left3A_1144 = arith.constant 13 : i32
      %shift_left3A_1145 = arith.shli %add3A_1142, %shift_left3A_1144 : i32
      %shift_right_logical3A_1146 = arith.constant 19 : i32
      %shift_right_logical3A_1147 = arith.shrui %add3A_1142, %shift_right_logical3A_1146 : i32
      %or3A_1148 = arith.ori %shift_left3A_1145, %shift_right_logical3A_1147 : i32
      %xor3A_1149 = arith.xori %or3A_1148, %add3A_1143 : i32
      %add3A_1150 = arith.addi %add3A_1143, %xor3A_1149 : i32
      %shift_left3A_1151 = arith.constant 15 : i32
      %shift_left3A_1152 = arith.shli %xor3A_1149, %shift_left3A_1151 : i32
      %shift_right_logical3A_1153 = arith.constant 17 : i32
      %shift_right_logical3A_1154 = arith.shrui %xor3A_1149, %shift_right_logical3A_1153 : i32
      %or3A_1155 = arith.ori %shift_left3A_1152, %shift_right_logical3A_1154 : i32
      %xor3A_1156 = arith.xori %or3A_1155, %add3A_1150 : i32
      %add3A_1157 = arith.addi %add3A_1150, %xor3A_1156 : i32
      %shift_left3A_1158 = arith.constant 26 : i32
      %shift_left3A_1159 = arith.shli %xor3A_1156, %shift_left3A_1158 : i32
      %shift_right_logical3A_1160 = arith.constant 6 : i32
      %shift_right_logical3A_1161 = arith.shrui %xor3A_1156, %shift_right_logical3A_1160 : i32
      %or3A_1162 = arith.ori %shift_left3A_1159, %shift_right_logical3A_1161 : i32
      %xor3A_1163 = arith.xori %or3A_1162, %add3A_1157 : i32
      %add3A_1164 = arith.addi %add3A_1157, %xor3A_1163 : i32
      %shift_left3A_1165 = arith.constant 6 : i32
      %shift_left3A_1166 = arith.shli %xor3A_1163, %shift_left3A_1165 : i32
      %shift_right_logical3A_1167 = arith.constant 26 : i32
      %shift_right_logical3A_1168 = arith.shrui %xor3A_1163, %shift_right_logical3A_1167 : i32
      %or3A_1169 = arith.ori %shift_left3A_1166, %shift_right_logical3A_1168 : i32
      %xor3A_1170 = arith.xori %or3A_1169, %add3A_1164 : i32
      %add3A_1171 = arith.addi %add3A_1164, %xor3A_1010 : i32
      %add3A_1172 = arith.addi %xor3A_1170, %squeeze3A : i32
      %add3A_1173 = arith.constant 5 : i32
      %add3A_1174 = arith.addi %add3A_1172, %add3A_1173 : i32
      %xor3A_1175 = arith.xori %add3A_1171, %add3A_1174 : i32
      %xor3A_1176 = arith.constant 466688986 : i32
      %xor3A_1177 = arith.xori %xor3A_1175, %xor3A_1176 : i32
      %add3A_1178 = arith.constant 0 : i32
      %add3A_1179 = arith.addi %add3A_1178, %add3A_1171 : i32
      %add3A_1180 = arith.constant 0 : i32
      %add3A_1181 = arith.addi %add3A_1180, %add3A_1174 : i32
      %add3A_1182 = arith.addi %add3A_1179, %add3A_1181 : i32
      %shift_left3A_1183 = arith.constant 13 : i32
      %shift_left3A_1184 = arith.shli %add3A_1181, %shift_left3A_1183 : i32
      %shift_right_logical3A_1185 = arith.constant 19 : i32
      %shift_right_logical3A_1186 = arith.shrui %add3A_1181, %shift_right_logical3A_1185 : i32
      %or3A_1187 = arith.ori %shift_left3A_1184, %shift_right_logical3A_1186 : i32
      %xor3A_1188 = arith.xori %or3A_1187, %add3A_1182 : i32
      %add3A_1189 = arith.addi %add3A_1182, %xor3A_1188 : i32
      %shift_left3A_1190 = arith.constant 15 : i32
      %shift_left3A_1191 = arith.shli %xor3A_1188, %shift_left3A_1190 : i32
      %shift_right_logical3A_1192 = arith.constant 17 : i32
      %shift_right_logical3A_1193 = arith.shrui %xor3A_1188, %shift_right_logical3A_1192 : i32
      %or3A_1194 = arith.ori %shift_left3A_1191, %shift_right_logical3A_1193 : i32
      %xor3A_1195 = arith.xori %or3A_1194, %add3A_1189 : i32
      %add3A_1196 = arith.addi %add3A_1189, %xor3A_1195 : i32
      %shift_left3A_1197 = arith.constant 26 : i32
      %shift_left3A_1198 = arith.shli %xor3A_1195, %shift_left3A_1197 : i32
      %shift_right_logical3A_1199 = arith.constant 6 : i32
      %shift_right_logical3A_1200 = arith.shrui %xor3A_1195, %shift_right_logical3A_1199 : i32
      %or3A_1201 = arith.ori %shift_left3A_1198, %shift_right_logical3A_1200 : i32
      %xor3A_1202 = arith.xori %or3A_1201, %add3A_1196 : i32
      %add3A_1203 = arith.addi %add3A_1196, %xor3A_1202 : i32
      %shift_left3A_1204 = arith.constant 6 : i32
      %shift_left3A_1205 = arith.shli %xor3A_1202, %shift_left3A_1204 : i32
      %shift_right_logical3A_1206 = arith.constant 26 : i32
      %shift_right_logical3A_1207 = arith.shrui %xor3A_1202, %shift_right_logical3A_1206 : i32
      %or3A_1208 = arith.ori %shift_left3A_1205, %shift_right_logical3A_1207 : i32
      %xor3A_1209 = arith.xori %or3A_1208, %add3A_1203 : i32
      %add3A_1210 = arith.addi %add3A_1203, %add3A_1174 : i32
      %add3A_1211 = arith.addi %xor3A_1209, %xor3A_1177 : i32
      %add3A_1212 = arith.constant 1 : i32
      %add3A_1213 = arith.addi %add3A_1211, %add3A_1212 : i32
      %add3A_1214 = arith.addi %add3A_1210, %add3A_1213 : i32
      %shift_left3A_1215 = arith.constant 17 : i32
      %shift_left3A_1216 = arith.shli %add3A_1213, %shift_left3A_1215 : i32
      %shift_right_logical3A_1217 = arith.constant 15 : i32
      %shift_right_logical3A_1218 = arith.shrui %add3A_1213, %shift_right_logical3A_1217 : i32
      %or3A_1219 = arith.ori %shift_left3A_1216, %shift_right_logical3A_1218 : i32
      %xor3A_1220 = arith.xori %or3A_1219, %add3A_1214 : i32
      %add3A_1221 = arith.addi %add3A_1214, %xor3A_1220 : i32
      %shift_left3A_1222 = arith.constant 29 : i32
      %shift_left3A_1223 = arith.shli %xor3A_1220, %shift_left3A_1222 : i32
      %shift_right_logical3A_1224 = arith.constant 3 : i32
      %shift_right_logical3A_1225 = arith.shrui %xor3A_1220, %shift_right_logical3A_1224 : i32
      %or3A_1226 = arith.ori %shift_left3A_1223, %shift_right_logical3A_1225 : i32
      %xor3A_1227 = arith.xori %or3A_1226, %add3A_1221 : i32
      %add3A_1228 = arith.addi %add3A_1221, %xor3A_1227 : i32
      %shift_left3A_1229 = arith.constant 16 : i32
      %shift_left3A_1230 = arith.shli %xor3A_1227, %shift_left3A_1229 : i32
      %shift_right_logical3A_1231 = arith.constant 16 : i32
      %shift_right_logical3A_1232 = arith.shrui %xor3A_1227, %shift_right_logical3A_1231 : i32
      %or3A_1233 = arith.ori %shift_left3A_1230, %shift_right_logical3A_1232 : i32
      %xor3A_1234 = arith.xori %or3A_1233, %add3A_1228 : i32
      %add3A_1235 = arith.addi %add3A_1228, %xor3A_1234 : i32
      %shift_left3A_1236 = arith.constant 24 : i32
      %shift_left3A_1237 = arith.shli %xor3A_1234, %shift_left3A_1236 : i32
      %shift_right_logical3A_1238 = arith.constant 8 : i32
      %shift_right_logical3A_1239 = arith.shrui %xor3A_1234, %shift_right_logical3A_1238 : i32
      %or3A_1240 = arith.ori %shift_left3A_1237, %shift_right_logical3A_1239 : i32
      %xor3A_1241 = arith.xori %or3A_1240, %add3A_1235 : i32
      %add3A_1242 = arith.addi %add3A_1235, %xor3A_1177 : i32
      %add3A_1243 = arith.addi %xor3A_1241, %add3A_1171 : i32
      %add3A_1244 = arith.constant 2 : i32
      %add3A_1245 = arith.addi %add3A_1243, %add3A_1244 : i32
      %add3A_1246 = arith.addi %add3A_1242, %add3A_1245 : i32
      %shift_left3A_1247 = arith.constant 13 : i32
      %shift_left3A_1248 = arith.shli %add3A_1245, %shift_left3A_1247 : i32
      %shift_right_logical3A_1249 = arith.constant 19 : i32
      %shift_right_logical3A_1250 = arith.shrui %add3A_1245, %shift_right_logical3A_1249 : i32
      %or3A_1251 = arith.ori %shift_left3A_1248, %shift_right_logical3A_1250 : i32
      %xor3A_1252 = arith.xori %or3A_1251, %add3A_1246 : i32
      %add3A_1253 = arith.addi %add3A_1246, %xor3A_1252 : i32
      %shift_left3A_1254 = arith.constant 15 : i32
      %shift_left3A_1255 = arith.shli %xor3A_1252, %shift_left3A_1254 : i32
      %shift_right_logical3A_1256 = arith.constant 17 : i32
      %shift_right_logical3A_1257 = arith.shrui %xor3A_1252, %shift_right_logical3A_1256 : i32
      %or3A_1258 = arith.ori %shift_left3A_1255, %shift_right_logical3A_1257 : i32
      %xor3A_1259 = arith.xori %or3A_1258, %add3A_1253 : i32
      %add3A_1260 = arith.addi %add3A_1253, %xor3A_1259 : i32
      %shift_left3A_1261 = arith.constant 26 : i32
      %shift_left3A_1262 = arith.shli %xor3A_1259, %shift_left3A_1261 : i32
      %shift_right_logical3A_1263 = arith.constant 6 : i32
      %shift_right_logical3A_1264 = arith.shrui %xor3A_1259, %shift_right_logical3A_1263 : i32
      %or3A_1265 = arith.ori %shift_left3A_1262, %shift_right_logical3A_1264 : i32
      %xor3A_1266 = arith.xori %or3A_1265, %add3A_1260 : i32
      %add3A_1267 = arith.addi %add3A_1260, %xor3A_1266 : i32
      %shift_left3A_1268 = arith.constant 6 : i32
      %shift_left3A_1269 = arith.shli %xor3A_1266, %shift_left3A_1268 : i32
      %shift_right_logical3A_1270 = arith.constant 26 : i32
      %shift_right_logical3A_1271 = arith.shrui %xor3A_1266, %shift_right_logical3A_1270 : i32
      %or3A_1272 = arith.ori %shift_left3A_1269, %shift_right_logical3A_1271 : i32
      %xor3A_1273 = arith.xori %or3A_1272, %add3A_1267 : i32
      %add3A_1274 = arith.addi %add3A_1267, %add3A_1171 : i32
      %add3A_1275 = arith.addi %xor3A_1273, %add3A_1174 : i32
      %add3A_1276 = arith.constant 3 : i32
      %add3A_1277 = arith.addi %add3A_1275, %add3A_1276 : i32
      %add3A_1278 = arith.addi %add3A_1274, %add3A_1277 : i32
      %shift_left3A_1279 = arith.constant 17 : i32
      %shift_left3A_1280 = arith.shli %add3A_1277, %shift_left3A_1279 : i32
      %shift_right_logical3A_1281 = arith.constant 15 : i32
      %shift_right_logical3A_1282 = arith.shrui %add3A_1277, %shift_right_logical3A_1281 : i32
      %or3A_1283 = arith.ori %shift_left3A_1280, %shift_right_logical3A_1282 : i32
      %xor3A_1284 = arith.xori %or3A_1283, %add3A_1278 : i32
      %add3A_1285 = arith.addi %add3A_1278, %xor3A_1284 : i32
      %shift_left3A_1286 = arith.constant 29 : i32
      %shift_left3A_1287 = arith.shli %xor3A_1284, %shift_left3A_1286 : i32
      %shift_right_logical3A_1288 = arith.constant 3 : i32
      %shift_right_logical3A_1289 = arith.shrui %xor3A_1284, %shift_right_logical3A_1288 : i32
      %or3A_1290 = arith.ori %shift_left3A_1287, %shift_right_logical3A_1289 : i32
      %xor3A_1291 = arith.xori %or3A_1290, %add3A_1285 : i32
      %add3A_1292 = arith.addi %add3A_1285, %xor3A_1291 : i32
      %shift_left3A_1293 = arith.constant 16 : i32
      %shift_left3A_1294 = arith.shli %xor3A_1291, %shift_left3A_1293 : i32
      %shift_right_logical3A_1295 = arith.constant 16 : i32
      %shift_right_logical3A_1296 = arith.shrui %xor3A_1291, %shift_right_logical3A_1295 : i32
      %or3A_1297 = arith.ori %shift_left3A_1294, %shift_right_logical3A_1296 : i32
      %xor3A_1298 = arith.xori %or3A_1297, %add3A_1292 : i32
      %add3A_1299 = arith.addi %add3A_1292, %xor3A_1298 : i32
      %shift_left3A_1300 = arith.constant 24 : i32
      %shift_left3A_1301 = arith.shli %xor3A_1298, %shift_left3A_1300 : i32
      %shift_right_logical3A_1302 = arith.constant 8 : i32
      %shift_right_logical3A_1303 = arith.shrui %xor3A_1298, %shift_right_logical3A_1302 : i32
      %or3A_1304 = arith.ori %shift_left3A_1301, %shift_right_logical3A_1303 : i32
      %xor3A_1305 = arith.xori %or3A_1304, %add3A_1299 : i32
      %add3A_1306 = arith.addi %add3A_1299, %add3A_1174 : i32
      %add3A_1307 = arith.addi %xor3A_1305, %xor3A_1177 : i32
      %add3A_1308 = arith.constant 4 : i32
      %add3A_1309 = arith.addi %add3A_1307, %add3A_1308 : i32
      %add3A_1310 = arith.addi %add3A_1306, %add3A_1309 : i32
      %shift_left3A_1311 = arith.constant 13 : i32
      %shift_left3A_1312 = arith.shli %add3A_1309, %shift_left3A_1311 : i32
      %shift_right_logical3A_1313 = arith.constant 19 : i32
      %shift_right_logical3A_1314 = arith.shrui %add3A_1309, %shift_right_logical3A_1313 : i32
      %or3A_1315 = arith.ori %shift_left3A_1312, %shift_right_logical3A_1314 : i32
      %xor3A_1316 = arith.xori %or3A_1315, %add3A_1310 : i32
      %add3A_1317 = arith.addi %add3A_1310, %xor3A_1316 : i32
      %shift_left3A_1318 = arith.constant 15 : i32
      %shift_left3A_1319 = arith.shli %xor3A_1316, %shift_left3A_1318 : i32
      %shift_right_logical3A_1320 = arith.constant 17 : i32
      %shift_right_logical3A_1321 = arith.shrui %xor3A_1316, %shift_right_logical3A_1320 : i32
      %or3A_1322 = arith.ori %shift_left3A_1319, %shift_right_logical3A_1321 : i32
      %xor3A_1323 = arith.xori %or3A_1322, %add3A_1317 : i32
      %add3A_1324 = arith.addi %add3A_1317, %xor3A_1323 : i32
      %shift_left3A_1325 = arith.constant 26 : i32
      %shift_left3A_1326 = arith.shli %xor3A_1323, %shift_left3A_1325 : i32
      %shift_right_logical3A_1327 = arith.constant 6 : i32
      %shift_right_logical3A_1328 = arith.shrui %xor3A_1323, %shift_right_logical3A_1327 : i32
      %or3A_1329 = arith.ori %shift_left3A_1326, %shift_right_logical3A_1328 : i32
      %xor3A_1330 = arith.xori %or3A_1329, %add3A_1324 : i32
      %add3A_1331 = arith.addi %add3A_1324, %xor3A_1330 : i32
      %shift_left3A_1332 = arith.constant 6 : i32
      %shift_left3A_1333 = arith.shli %xor3A_1330, %shift_left3A_1332 : i32
      %shift_right_logical3A_1334 = arith.constant 26 : i32
      %shift_right_logical3A_1335 = arith.shrui %xor3A_1330, %shift_right_logical3A_1334 : i32
      %or3A_1336 = arith.ori %shift_left3A_1333, %shift_right_logical3A_1335 : i32
      %xor3A_1337 = arith.xori %or3A_1336, %add3A_1331 : i32
      %add3A_1338 = arith.addi %add3A_1331, %xor3A_1177 : i32
      %add3A_1339 = arith.addi %xor3A_1337, %add3A_1171 : i32
      %add3A_1340 = arith.constant 5 : i32
      %add3A_1341 = arith.addi %add3A_1339, %add3A_1340 : i32
      %xor3A_1342 = arith.xori %add3A_1338, %add3A_1341 : i32
      %shift_right_logical3A_1343 = arith.constant 9 : i32
      %shift_right_logical3A_1344 = arith.shrui %xor3A_1342, %shift_right_logical3A_1343 : i32
      %or3A_1345 = arith.constant 1065353216 : i32
      %or3A_1346 = arith.ori %shift_right_logical3A_1344, %or3A_1345 : i32
      %bitcast_convert_type3A_1347 = arith.bitcast %or3A_1346 : i32 to f32
      %sub3A_1348 = arith.constant 1.000000e+00 : f32
      %sub3A_1349 = arith.subf %bitcast_convert_type3A_1347, %sub3A_1348 : f32
      %sub3A_1350 = arith.constant 1.000000e+00 : f32
      %sub3A_1351 = arith.subf %sub3A_1350, %sub3A_1349 : f32
      %mul3A_1352 = arith.mulf %reduce_max3A_1007, %sub3A_1351 : f32
      %lt3A_1353 = vector.broadcast %mul3A_1352 : f32 to vector<16xf32>
      %lt3A_1354 = arith.cmpf olt, %add3A_970, %lt3A_1353 : vector<16xf32>
      %jit3A_1355 = arith.constant 1 : i32
      %jit3A_1356 = arith.constant 0 : i32
      %broadcast_in_dim3A_1357 = vector.broadcast %jit3A_1355 : i32 to vector<16xi32>
      %broadcast_in_dim3A_1358 = vector.broadcast %jit3A_1356 : i32 to vector<16xi32>
      %select_n3A_1359 = arith.select %lt3A_1354, %broadcast_in_dim3A_1357, %broadcast_in_dim3A_1358 : vector<16xi1>, vector<16xi32>
      %reduce_sum3A_1360 = arith.constant true
      %reduce_sum3A_1361 = vector.broadcast %reduce_sum3A_1360 : i1 to vector<16xi1>
      %reduce_sum3A_1362 = tpu.scan <sum>, %select_n3A_1359 masked %reduce_sum3A_1361 : vector<16xi32>, vector<16xi1> -> vector<16xi32>
      %reduce_sum3A_1363 = vector.extract %reduce_sum3A_1362[15] : i32 from vector<16xi32>
      %add3A_1364 = arith.constant 0 : i32
      %add3A_1365 = arith.addi %add3A_1364, %reduce_sum3A_1363 : i32
      %lt3A_1366 = vector.broadcast %mul3A_1352 : f32 to vector<16xf32>
      %lt3A_1367 = arith.cmpf olt, %add3A_981, %lt3A_1366 : vector<16xf32>
      %jit3A_1368 = arith.constant 1 : i32
      %jit3A_1369 = arith.constant 0 : i32
      %broadcast_in_dim3A_1370 = vector.broadcast %jit3A_1368 : i32 to vector<16xi32>
      %broadcast_in_dim3A_1371 = vector.broadcast %jit3A_1369 : i32 to vector<16xi32>
      %select_n3A_1372 = arith.select %lt3A_1367, %broadcast_in_dim3A_1370, %broadcast_in_dim3A_1371 : vector<16xi1>, vector<16xi32>
      %reduce_sum3A_1373 = arith.constant true
      %reduce_sum3A_1374 = vector.broadcast %reduce_sum3A_1373 : i1 to vector<16xi1>
      %reduce_sum3A_1375 = tpu.scan <sum>, %select_n3A_1372 masked %reduce_sum3A_1374 : vector<16xi32>, vector<16xi1> -> vector<16xi32>
      %reduce_sum3A_1376 = vector.extract %reduce_sum3A_1375[15] : i32 from vector<16xi32>
      %add3A_1377 = arith.addi %add3A_1365, %reduce_sum3A_1376 : i32
      %lt3A_1378 = vector.broadcast %mul3A_1352 : f32 to vector<16xf32>
      %lt3A_1379 = arith.cmpf olt, %add3A_992, %lt3A_1378 : vector<16xf32>
      %jit3A_1380 = arith.constant 1 : i32
      %jit3A_1381 = arith.constant 0 : i32
      %broadcast_in_dim3A_1382 = vector.broadcast %jit3A_1380 : i32 to vector<16xi32>
      %broadcast_in_dim3A_1383 = vector.broadcast %jit3A_1381 : i32 to vector<16xi32>
      %select_n3A_1384 = arith.select %lt3A_1379, %broadcast_in_dim3A_1382, %broadcast_in_dim3A_1383 : vector<16xi1>, vector<16xi32>
      %reduce_sum3A_1385 = arith.constant true
      %reduce_sum3A_1386 = vector.broadcast %reduce_sum3A_1385 : i1 to vector<16xi1>
      %reduce_sum3A_1387 = tpu.scan <sum>, %select_n3A_1384 masked %reduce_sum3A_1386 : vector<16xi32>, vector<16xi1> -> vector<16xi32>
      %reduce_sum3A_1388 = vector.extract %reduce_sum3A_1387[15] : i32 from vector<16xi32>
      %add3A_1389 = arith.addi %add3A_1377, %reduce_sum3A_1388 : i32
      %lt3A_1390 = vector.broadcast %mul3A_1352 : f32 to vector<16xf32>
      %lt3A_1391 = arith.cmpf olt, %add3A_1003, %lt3A_1390 : vector<16xf32>
      %jit3A_1392 = arith.constant 1 : i32
      %jit3A_1393 = arith.constant 0 : i32
      %broadcast_in_dim3A_1394 = vector.broadcast %jit3A_1392 : i32 to vector<16xi32>
      %broadcast_in_dim3A_1395 = vector.broadcast %jit3A_1393 : i32 to vector<16xi32>
      %select_n3A_1396 = arith.select %lt3A_1391, %broadcast_in_dim3A_1394, %broadcast_in_dim3A_1395 : vector<16xi1>, vector<16xi32>
      %reduce_sum3A_1397 = arith.constant true
      %reduce_sum3A_1398 = vector.broadcast %reduce_sum3A_1397 : i1 to vector<16xi1>
      %reduce_sum3A_1399 = tpu.scan <sum>, %select_n3A_1396 masked %reduce_sum3A_1398 : vector<16xi32>, vector<16xi1> -> vector<16xi32>
      %reduce_sum3A_1400 = vector.extract %reduce_sum3A_1399[15] : i32 from vector<16xi32>
      %add3A_1401 = arith.addi %add3A_1389, %reduce_sum3A_1400 : i32
      %min3A_1402 = arith.constant 63 : i32
      %min3A_1403 = arith.minsi %add3A_1401, %min3A_1402 : i32
      %eq3A_1404 = vector.broadcast %min3A_905 : i32 to vector<16xi32>
      %eq3A_1405 = arith.cmpi eq, %iota3A, %eq3A_1404 : vector<16xi32>
      %get3A_1406 = arith.constant 0 : index
      %get3A_1407 = tpu.vector_load %arg9[%get3A_1406] {strides = array<i32>} : memref<16xi32, #tpu.memory_space<vmem>>, vector<16xi32>,
      %broadcast_in_dim3A_1408 = vector.broadcast %min3A_1403 : i32 to vector<16xi32>
      %select_n3A_1409 = arith.select %eq3A_1405, %broadcast_in_dim3A_1408, %get3A_1407 : vector<16xi1>, vector<16xi32>
      %swap3A_1410 = arith.constant 0 : index
      %swap3A_1411 = tpu.vector_load %arg9[%swap3A_1410] {strides = array<i32>} : memref<16xi32, #tpu.memory_space<vmem>>, vector<16xi32>,
      tpu.vector_store %arg9[%swap3A_1410], %select_n3A_1409 {strides = array<i32>} : memref<16xi32, #tpu.memory_space<vmem>>, vector<16xi32>,
      %eq3A_1412 = arith.constant 0 : i32
      %eq3A_1413 = vector.broadcast %eq3A_1412 : i32 to vector<16xi32>
      %eq3A_1414 = arith.cmpi eq, %iota3A, %eq3A_1413 : vector<16xi32>
      %eq3A_1415 = arith.constant 1 : i32
      %eq3A_1416 = vector.broadcast %eq3A_1415 : i32 to vector<16xi32>
      %eq3A_1417 = arith.cmpi eq, %iota3A, %eq3A_1416 : vector<16xi32>
      %broadcast_in_dim3A_1418 = vector.broadcast %min3A_1403 : i32 to vector<16xi32>
      %select_n3A_1419 = arith.select %eq3A_1417, %broadcast_in_dim3A_1418, %broadcast_in_dim3A_2 : vector<16xi1>, vector<16xi32>
      %broadcast_in_dim3A_1420 = vector.broadcast %min3A_905 : i32 to vector<16xi32>
      %select_n3A_1421 = arith.select %eq3A_1414, %broadcast_in_dim3A_1420, %select_n3A_1419 : vector<16xi1>, vector<16xi32>
      %swap3A_1422 = arith.constant 0 : index
      %swap3A_1423 = tpu.vector_load %arg17[%swap3A_1422] {strides = array<i32>} : memref<16xi32, #tpu.memory_space<vmem>>, vector<16xi32>,
      tpu.vector_store %arg17[%swap3A_1422], %select_n3A_1421 {strides = array<i32>} : memref<16xi32, #tpu.memory_space<vmem>>, vector<16xi32>,
      "tpu.region"() ({
        %run_scoped3A = tpu.sem_alloc : memref<!tpu.dma_semaphore, #tpu.memory_space<semaphore_mem>>
        tpu.enqueue_dma source(%arg17 : memref<16xi32, #tpu.memory_space<vmem>>) target(%arg20 : memref<16xi32, #tpu.memory_space<vmem_shared>>) target_semaphore(%run_scoped3A : memref<!tpu.dma_semaphore, #tpu.memory_space<semaphore_mem>>)
        tpu.wait_dma2 semaphore(%run_scoped3A : memref<!tpu.dma_semaphore, #tpu.memory_space<semaphore_mem>>) src(%arg17 : memref<16xi32, #tpu.memory_space<vmem>>) dst(%arg20 : memref<16xi32, #tpu.memory_space<vmem_shared>>)
        tpu.yield
      }) : () -> ()
      %eq3A_1424 = arith.constant 0 : i32
      %eq3A_1425 = arith.cmpi eq, %arg0, %eq3A_1424 : i32
      %convert_element_type3A_1426 = arith.extui %eq3A_1425 : i1 to i32
      %cond3A_1427 = arith.constant 0 : i32
      %cond3A_1428 = arith.cmpi ne, %convert_element_type3A_1426, %cond3A_1427 : i32
      scf.if %cond3A_1428 {
        "tpu.region"() ({
          %run_scoped3A = tpu.sem_alloc : memref<!tpu.dma_semaphore, #tpu.memory_space<semaphore_mem>>
          tpu.enqueue_dma source(%arg9 : memref<16xi32, #tpu.memory_space<vmem>>) target(%arg5 : memref<16xi32, #tpu.memory_space<hbm>>) target_semaphore(%run_scoped3A : memref<!tpu.dma_semaphore, #tpu.memory_space<semaphore_mem>>)
          tpu.wait_dma2 semaphore(%run_scoped3A : memref<!tpu.dma_semaphore, #tpu.memory_space<semaphore_mem>>) src(%arg9 : memref<16xi32, #tpu.memory_space<vmem>>) dst(%arg5 : memref<16xi32, #tpu.memory_space<hbm>>)
          tpu.yield
        }) : () -> ()
        "tpu.region"() ({
          %run_scoped3A = tpu.sem_alloc : memref<!tpu.dma_semaphore, #tpu.memory_space<semaphore_mem>>
          tpu.enqueue_dma source(%arg17 : memref<16xi32, #tpu.memory_space<vmem>>) target(%arg6 : memref<16xi32, #tpu.memory_space<hbm>>) target_semaphore(%run_scoped3A : memref<!tpu.dma_semaphore, #tpu.memory_space<semaphore_mem>>)
          tpu.wait_dma2 semaphore(%run_scoped3A : memref<!tpu.dma_semaphore, #tpu.memory_space<semaphore_mem>>) src(%arg17 : memref<16xi32, #tpu.memory_space<vmem>>) dst(%arg6 : memref<16xi32, #tpu.memory_space<hbm>>)
          tpu.yield
        }) : () -> ()
      } else {
      }
    } else {
    }
    %barrier3A = arith.constant 0 : index
    tpu.barrier barrier_id(%barrier3A)
    "tpu.region"() ({
      %run_scoped3A = tpu.sem_alloc : memref<!tpu.dma_semaphore, #tpu.memory_space<semaphore_mem>>
      tpu.enqueue_dma source(%arg20 : memref<16xi32, #tpu.memory_space<vmem_shared>>) target(%arg17 : memref<16xi32, #tpu.memory_space<vmem>>) target_semaphore(%run_scoped3A : memref<!tpu.dma_semaphore, #tpu.memory_space<semaphore_mem>>)
      tpu.wait_dma2 semaphore(%run_scoped3A : memref<!tpu.dma_semaphore, #tpu.memory_space<semaphore_mem>>) src(%arg20 : memref<16xi32, #tpu.memory_space<vmem_shared>>) dst(%arg17 : memref<16xi32, #tpu.memory_space<vmem>>)
      tpu.yield
    }) : () -> ()
    %get3A_11 = arith.constant 0 : index
    %get3A_12 = tpu.vector_load %arg17[%get3A_11] {strides = array<i32>} : memref<16xi32, #tpu.memory_space<vmem>>, vector<16xi32>,
    %slice3A_13 = vector.extract_strided_slice %get3A_12 {offsets = [0], sizes = [1], strides = [1]} : vector<16xi32> to vector<1xi32>
    %squeeze3A_14 = vector.extract %slice3A_13[0] : i32 from vector<1xi32>
    %slice3A_15 = vector.extract_strided_slice %get3A_12 {offsets = [1], sizes = [1], strides = [1]} : vector<16xi32> to vector<1xi32>
    %squeeze3A_16 = vector.extract %slice3A_15[0] : i32 from vector<1xi32>
    %jit3A = arith.constant 8 : i32
    %div3A = arith.divsi %squeeze3A_16, %jit3A : i32
    %sign3A = arith.constant 0 : i32
    %sign3A_17 = arith.cmpi sgt, %squeeze3A_16, %sign3A : i32
    %sign3A_18 = arith.extui %sign3A_17 : i1 to i32
    %sign3A_19 = arith.constant 0 : i32
    %sign3A_20 = arith.cmpi slt, %squeeze3A_16, %sign3A_19 : i32
    %sign3A_21 = arith.extui %sign3A_20 : i1 to i32
    %sign3A_22 = arith.subi %sign3A_18, %sign3A_21 : i32
    %sign3A_23 = arith.constant 0 : i32
    %sign3A_24 = arith.cmpi sgt, %jit3A, %sign3A_23 : i32
    %sign3A_25 = arith.extui %sign3A_24 : i1 to i32
    %sign3A_26 = arith.constant 0 : i32
    %sign3A_27 = arith.cmpi slt, %jit3A, %sign3A_26 : i32
    %sign3A_28 = arith.extui %sign3A_27 : i1 to i32
    %sign3A_29 = arith.subi %sign3A_25, %sign3A_28 : i32
    %ne3A = arith.cmpi ne, %sign3A_22, %sign3A_29 : i32
    %rem3A = arith.remsi %squeeze3A_16, %jit3A : i32
    %ne3A_30 = arith.constant 0 : i32
    %ne3A_31 = arith.cmpi ne, %rem3A, %ne3A_30 : i32
    %and3A = arith.andi %ne3A, %ne3A_31 : i1
    %sub3A = arith.constant 1 : i32
    %sub3A_32 = arith.subi %div3A, %sub3A : i32
    %select_n3A = arith.select %and3A, %sub3A_32, %div3A : i32
    %mul3A = arith.constant 8 : i32
    %mul3A_33 = arith.muli %select_n3A, %mul3A : i32
    %multiple_of3A = tpu.assume_multiple %mul3A_33, 8 : i32
    %sub3A_34 = arith.subi %squeeze3A_16, %multiple_of3A : i32
    %ge3A = arith.constant 15 : i32
    %ge3A_35 = arith.cmpi sge, %arg1, %ge3A : i32
    %mul3A_36 = arith.constant 6272 : i32
    %mul3A_37 = arith.muli %arg1, %mul3A_36 : i32
    %jit3A_38 = arith.constant 93824 : i32
    %select_n3A_39 = arith.select %ge3A_35, %jit3A_38, %mul3A_37 : i32
    %multiple_of3A_40 = tpu.assume_multiple %select_n3A_39, 128 : i32
    %jit3A_41 = arith.constant 22 : i32
    %jit3A_42 = arith.constant 0 : i32
    %select_n3A_43 = arith.select %ge3A_35, %jit3A_41, %jit3A_42 : i32
    %jit3A_44 = arith.constant 370 : i32
    %jit3A_45 = arith.constant 392 : i32
    %select_n3A_46 = arith.select %ge3A_35, %jit3A_44, %jit3A_45 : i32
    "tpu.region"() ({
      %run_scoped3A = tpu.sem_alloc : memref<!tpu.dma_semaphore, #tpu.memory_space<semaphore_mem>>
      %dma_start3A = tpu.memref_slice %arg4[%squeeze3A_14, %multiple_of3A, %multiple_of3A_40] : memref<8x64x100000xf32, #tpu.memory_space<hbm>> -> memref<1x8x6272xf32, #tpu.memory_space<hbm>>
      %dma_start3A_516 = tpu.memref_squeeze %dma_start3A : memref<1x8x6272xf32, #tpu.memory_space<hbm>> -> memref<8x6272xf32, #tpu.memory_space<hbm>>
      %dma_start3A_517 = tpu.memref_slice %arg4[%squeeze3A_14, %multiple_of3A, %multiple_of3A_40] : memref<8x64x100000xf32, #tpu.memory_space<hbm>> -> memref<1x8x6272xf32, #tpu.memory_space<hbm>>
      %dma_start3A_518 = tpu.memref_squeeze %dma_start3A_517 : memref<1x8x6272xf32, #tpu.memory_space<hbm>> -> memref<8x6272xf32, #tpu.memory_space<hbm>>
      tpu.enqueue_dma source(%dma_start3A_518 : memref<8x6272xf32, #tpu.memory_space<hbm>>) target(%arg11 : memref<8x6272xf32, #tpu.memory_space<vmem>>) target_semaphore(%run_scoped3A : memref<!tpu.dma_semaphore, #tpu.memory_space<semaphore_mem>>)
      %dma_wait3A = tpu.memref_slice %arg4[%squeeze3A_14, %multiple_of3A, %multiple_of3A_40] : memref<8x64x100000xf32, #tpu.memory_space<hbm>> -> memref<1x8x6272xf32, #tpu.memory_space<hbm>>
      %dma_wait3A_519 = tpu.memref_squeeze %dma_wait3A : memref<1x8x6272xf32, #tpu.memory_space<hbm>> -> memref<8x6272xf32, #tpu.memory_space<hbm>>
      %dma_wait3A_520 = tpu.memref_slice %arg4[%squeeze3A_14, %multiple_of3A, %multiple_of3A_40] : memref<8x64x100000xf32, #tpu.memory_space<hbm>> -> memref<1x8x6272xf32, #tpu.memory_space<hbm>>
      %dma_wait3A_521 = tpu.memref_squeeze %dma_wait3A_520 : memref<1x8x6272xf32, #tpu.memory_space<hbm>> -> memref<8x6272xf32, #tpu.memory_space<hbm>>
      tpu.wait_dma2 semaphore(%run_scoped3A : memref<!tpu.dma_semaphore, #tpu.memory_space<semaphore_mem>>) src(%dma_wait3A_521 : memref<8x6272xf32, #tpu.memory_space<hbm>>) dst(%arg11 : memref<8x6272xf32, #tpu.memory_space<vmem>>)
      tpu.yield
    }) : () -> ()
    %xor3A = arith.xori %squeeze3A, %squeeze3A_7 : i32
    %xor3A_47 = arith.constant 466688986 : i32
    %xor3A_48 = arith.xori %xor3A, %xor3A_47 : i32
    %add3A = arith.constant 0 : i32
    %add3A_49 = arith.addi %add3A, %squeeze3A : i32
    %add3A_50 = arith.constant 2 : i32
    %add3A_51 = arith.addi %add3A_50, %squeeze3A_7 : i32
    %add3A_52 = arith.addi %add3A_49, %add3A_51 : i32
    %shift_left3A = arith.constant 13 : i32
    %shift_left3A_53 = arith.shli %add3A_51, %shift_left3A : i32
    %shift_right_logical3A = arith.constant 19 : i32
    %shift_right_logical3A_54 = arith.shrui %add3A_51, %shift_right_logical3A : i32
    %or3A = arith.ori %shift_left3A_53, %shift_right_logical3A_54 : i32
    %xor3A_55 = arith.xori %or3A, %add3A_52 : i32
    %add3A_56 = arith.addi %add3A_52, %xor3A_55 : i32
    %shift_left3A_57 = arith.constant 15 : i32
    %shift_left3A_58 = arith.shli %xor3A_55, %shift_left3A_57 : i32
    %shift_right_logical3A_59 = arith.constant 17 : i32
    %shift_right_logical3A_60 = arith.shrui %xor3A_55, %shift_right_logical3A_59 : i32
    %or3A_61 = arith.ori %shift_left3A_58, %shift_right_logical3A_60 : i32
    %xor3A_62 = arith.xori %or3A_61, %add3A_56 : i32
    %add3A_63 = arith.addi %add3A_56, %xor3A_62 : i32
    %shift_left3A_64 = arith.constant 26 : i32
    %shift_left3A_65 = arith.shli %xor3A_62, %shift_left3A_64 : i32
    %shift_right_logical3A_66 = arith.constant 6 : i32
    %shift_right_logical3A_67 = arith.shrui %xor3A_62, %shift_right_logical3A_66 : i32
    %or3A_68 = arith.ori %shift_left3A_65, %shift_right_logical3A_67 : i32
    %xor3A_69 = arith.xori %or3A_68, %add3A_63 : i32
    %add3A_70 = arith.addi %add3A_63, %xor3A_69 : i32
    %shift_left3A_71 = arith.constant 6 : i32
    %shift_left3A_72 = arith.shli %xor3A_69, %shift_left3A_71 : i32
    %shift_right_logical3A_73 = arith.constant 26 : i32
    %shift_right_logical3A_74 = arith.shrui %xor3A_69, %shift_right_logical3A_73 : i32
    %or3A_75 = arith.ori %shift_left3A_72, %shift_right_logical3A_74 : i32
    %xor3A_76 = arith.xori %or3A_75, %add3A_70 : i32
    %add3A_77 = arith.addi %add3A_70, %squeeze3A_7 : i32
    %add3A_78 = arith.addi %xor3A_76, %xor3A_48 : i32
    %add3A_79 = arith.constant 1 : i32
    %add3A_80 = arith.addi %add3A_78, %add3A_79 : i32
    %add3A_81 = arith.addi %add3A_77, %add3A_80 : i32
    %shift_left3A_82 = arith.constant 17 : i32
    %shift_left3A_83 = arith.shli %add3A_80, %shift_left3A_82 : i32
    %shift_right_logical3A_84 = arith.constant 15 : i32
    %shift_right_logical3A_85 = arith.shrui %add3A_80, %shift_right_logical3A_84 : i32
    %or3A_86 = arith.ori %shift_left3A_83, %shift_right_logical3A_85 : i32
    %xor3A_87 = arith.xori %or3A_86, %add3A_81 : i32
    %add3A_88 = arith.addi %add3A_81, %xor3A_87 : i32
    %shift_left3A_89 = arith.constant 29 : i32
    %shift_left3A_90 = arith.shli %xor3A_87, %shift_left3A_89 : i32
    %shift_right_logical3A_91 = arith.constant 3 : i32
    %shift_right_logical3A_92 = arith.shrui %xor3A_87, %shift_right_logical3A_91 : i32
    %or3A_93 = arith.ori %shift_left3A_90, %shift_right_logical3A_92 : i32
    %xor3A_94 = arith.xori %or3A_93, %add3A_88 : i32
    %add3A_95 = arith.addi %add3A_88, %xor3A_94 : i32
    %shift_left3A_96 = arith.constant 16 : i32
    %shift_left3A_97 = arith.shli %xor3A_94, %shift_left3A_96 : i32
    %shift_right_logical3A_98 = arith.constant 16 : i32
    %shift_right_logical3A_99 = arith.shrui %xor3A_94, %shift_right_logical3A_98 : i32
    %or3A_100 = arith.ori %shift_left3A_97, %shift_right_logical3A_99 : i32
    %xor3A_101 = arith.xori %or3A_100, %add3A_95 : i32
    %add3A_102 = arith.addi %add3A_95, %xor3A_101 : i32
    %shift_left3A_103 = arith.constant 24 : i32
    %shift_left3A_104 = arith.shli %xor3A_101, %shift_left3A_103 : i32
    %shift_right_logical3A_105 = arith.constant 8 : i32
    %shift_right_logical3A_106 = arith.shrui %xor3A_101, %shift_right_logical3A_105 : i32
    %or3A_107 = arith.ori %shift_left3A_104, %shift_right_logical3A_106 : i32
    %xor3A_108 = arith.xori %or3A_107, %add3A_102 : i32
    %add3A_109 = arith.addi %add3A_102, %xor3A_48 : i32
    %add3A_110 = arith.addi %xor3A_108, %squeeze3A : i32
    %add3A_111 = arith.constant 2 : i32
    %add3A_112 = arith.addi %add3A_110, %add3A_111 : i32
    %add3A_113 = arith.addi %add3A_109, %add3A_112 : i32
    %shift_left3A_114 = arith.constant 13 : i32
    %shift_left3A_115 = arith.shli %add3A_112, %shift_left3A_114 : i32
    %shift_right_logical3A_116 = arith.constant 19 : i32
    %shift_right_logical3A_117 = arith.shrui %add3A_112, %shift_right_logical3A_116 : i32
    %or3A_118 = arith.ori %shift_left3A_115, %shift_right_logical3A_117 : i32
    %xor3A_119 = arith.xori %or3A_118, %add3A_113 : i32
    %add3A_120 = arith.addi %add3A_113, %xor3A_119 : i32
    %shift_left3A_121 = arith.constant 15 : i32
    %shift_left3A_122 = arith.shli %xor3A_119, %shift_left3A_121 : i32
    %shift_right_logical3A_123 = arith.constant 17 : i32
    %shift_right_logical3A_124 = arith.shrui %xor3A_119, %shift_right_logical3A_123 : i32
    %or3A_125 = arith.ori %shift_left3A_122, %shift_right_logical3A_124 : i32
    %xor3A_126 = arith.xori %or3A_125, %add3A_120 : i32
    %add3A_127 = arith.addi %add3A_120, %xor3A_126 : i32
    %shift_left3A_128 = arith.constant 26 : i32
    %shift_left3A_129 = arith.shli %xor3A_126, %shift_left3A_128 : i32
    %shift_right_logical3A_130 = arith.constant 6 : i32
    %shift_right_logical3A_131 = arith.shrui %xor3A_126, %shift_right_logical3A_130 : i32
    %or3A_132 = arith.ori %shift_left3A_129, %shift_right_logical3A_131 : i32
    %xor3A_133 = arith.xori %or3A_132, %add3A_127 : i32
    %add3A_134 = arith.addi %add3A_127, %xor3A_133 : i32
    %shift_left3A_135 = arith.constant 6 : i32
    %shift_left3A_136 = arith.shli %xor3A_133, %shift_left3A_135 : i32
    %shift_right_logical3A_137 = arith.constant 26 : i32
    %shift_right_logical3A_138 = arith.shrui %xor3A_133, %shift_right_logical3A_137 : i32
    %or3A_139 = arith.ori %shift_left3A_136, %shift_right_logical3A_138 : i32
    %xor3A_140 = arith.xori %or3A_139, %add3A_134 : i32
    %add3A_141 = arith.addi %add3A_134, %squeeze3A : i32
    %add3A_142 = arith.addi %xor3A_140, %squeeze3A_7 : i32
    %add3A_143 = arith.constant 3 : i32
    %add3A_144 = arith.addi %add3A_142, %add3A_143 : i32
    %add3A_145 = arith.addi %add3A_141, %add3A_144 : i32
    %shift_left3A_146 = arith.constant 17 : i32
    %shift_left3A_147 = arith.shli %add3A_144, %shift_left3A_146 : i32
    %shift_right_logical3A_148 = arith.constant 15 : i32
    %shift_right_logical3A_149 = arith.shrui %add3A_144, %shift_right_logical3A_148 : i32
    %or3A_150 = arith.ori %shift_left3A_147, %shift_right_logical3A_149 : i32
    %xor3A_151 = arith.xori %or3A_150, %add3A_145 : i32
    %add3A_152 = arith.addi %add3A_145, %xor3A_151 : i32
    %shift_left3A_153 = arith.constant 29 : i32
    %shift_left3A_154 = arith.shli %xor3A_151, %shift_left3A_153 : i32
    %shift_right_logical3A_155 = arith.constant 3 : i32
    %shift_right_logical3A_156 = arith.shrui %xor3A_151, %shift_right_logical3A_155 : i32
    %or3A_157 = arith.ori %shift_left3A_154, %shift_right_logical3A_156 : i32
    %xor3A_158 = arith.xori %or3A_157, %add3A_152 : i32
    %add3A_159 = arith.addi %add3A_152, %xor3A_158 : i32
    %shift_left3A_160 = arith.constant 16 : i32
    %shift_left3A_161 = arith.shli %xor3A_158, %shift_left3A_160 : i32
    %shift_right_logical3A_162 = arith.constant 16 : i32
    %shift_right_logical3A_163 = arith.shrui %xor3A_158, %shift_right_logical3A_162 : i32
    %or3A_164 = arith.ori %shift_left3A_161, %shift_right_logical3A_163 : i32
    %xor3A_165 = arith.xori %or3A_164, %add3A_159 : i32
    %add3A_166 = arith.addi %add3A_159, %xor3A_165 : i32
    %shift_left3A_167 = arith.constant 24 : i32
    %shift_left3A_168 = arith.shli %xor3A_165, %shift_left3A_167 : i32
    %shift_right_logical3A_169 = arith.constant 8 : i32
    %shift_right_logical3A_170 = arith.shrui %xor3A_165, %shift_right_logical3A_169 : i32
    %or3A_171 = arith.ori %shift_left3A_168, %shift_right_logical3A_170 : i32
    %xor3A_172 = arith.xori %or3A_171, %add3A_166 : i32
    %add3A_173 = arith.addi %add3A_166, %squeeze3A_7 : i32
    %add3A_174 = arith.addi %xor3A_172, %xor3A_48 : i32
    %add3A_175 = arith.constant 4 : i32
    %add3A_176 = arith.addi %add3A_174, %add3A_175 : i32
    %add3A_177 = arith.addi %add3A_173, %add3A_176 : i32
    %shift_left3A_178 = arith.constant 13 : i32
    %shift_left3A_179 = arith.shli %add3A_176, %shift_left3A_178 : i32
    %shift_right_logical3A_180 = arith.constant 19 : i32
    %shift_right_logical3A_181 = arith.shrui %add3A_176, %shift_right_logical3A_180 : i32
    %or3A_182 = arith.ori %shift_left3A_179, %shift_right_logical3A_181 : i32
    %xor3A_183 = arith.xori %or3A_182, %add3A_177 : i32
    %add3A_184 = arith.addi %add3A_177, %xor3A_183 : i32
    %shift_left3A_185 = arith.constant 15 : i32
    %shift_left3A_186 = arith.shli %xor3A_183, %shift_left3A_185 : i32
    %shift_right_logical3A_187 = arith.constant 17 : i32
    %shift_right_logical3A_188 = arith.shrui %xor3A_183, %shift_right_logical3A_187 : i32
    %or3A_189 = arith.ori %shift_left3A_186, %shift_right_logical3A_188 : i32
    %xor3A_190 = arith.xori %or3A_189, %add3A_184 : i32
    %add3A_191 = arith.addi %add3A_184, %xor3A_190 : i32
    %shift_left3A_192 = arith.constant 26 : i32
    %shift_left3A_193 = arith.shli %xor3A_190, %shift_left3A_192 : i32
    %shift_right_logical3A_194 = arith.constant 6 : i32
    %shift_right_logical3A_195 = arith.shrui %xor3A_190, %shift_right_logical3A_194 : i32
    %or3A_196 = arith.ori %shift_left3A_193, %shift_right_logical3A_195 : i32
    %xor3A_197 = arith.xori %or3A_196, %add3A_191 : i32
    %add3A_198 = arith.addi %add3A_191, %xor3A_197 : i32
    %shift_left3A_199 = arith.constant 6 : i32
    %shift_left3A_200 = arith.shli %xor3A_197, %shift_left3A_199 : i32
    %shift_right_logical3A_201 = arith.constant 26 : i32
    %shift_right_logical3A_202 = arith.shrui %xor3A_197, %shift_right_logical3A_201 : i32
    %or3A_203 = arith.ori %shift_left3A_200, %shift_right_logical3A_202 : i32
    %xor3A_204 = arith.xori %or3A_203, %add3A_198 : i32
    %add3A_205 = arith.addi %add3A_198, %xor3A_48 : i32
    %add3A_206 = arith.addi %xor3A_204, %squeeze3A : i32
    %add3A_207 = arith.constant 5 : i32
    %add3A_208 = arith.addi %add3A_206, %add3A_207 : i32
    %xor3A_209 = arith.xori %add3A_205, %add3A_208 : i32
    %xor3A_210 = arith.constant 466688986 : i32
    %xor3A_211 = arith.xori %xor3A_209, %xor3A_210 : i32
    %add3A_212 = arith.constant 0 : i32
    %add3A_213 = arith.addi %add3A_212, %add3A_205 : i32
    %add3A_214 = arith.constant 0 : i32
    %add3A_215 = arith.addi %add3A_214, %add3A_208 : i32
    %add3A_216 = arith.addi %add3A_213, %add3A_215 : i32
    %shift_left3A_217 = arith.constant 13 : i32
    %shift_left3A_218 = arith.shli %add3A_215, %shift_left3A_217 : i32
    %shift_right_logical3A_219 = arith.constant 19 : i32
    %shift_right_logical3A_220 = arith.shrui %add3A_215, %shift_right_logical3A_219 : i32
    %or3A_221 = arith.ori %shift_left3A_218, %shift_right_logical3A_220 : i32
    %xor3A_222 = arith.xori %or3A_221, %add3A_216 : i32
    %add3A_223 = arith.addi %add3A_216, %xor3A_222 : i32
    %shift_left3A_224 = arith.constant 15 : i32
    %shift_left3A_225 = arith.shli %xor3A_222, %shift_left3A_224 : i32
    %shift_right_logical3A_226 = arith.constant 17 : i32
    %shift_right_logical3A_227 = arith.shrui %xor3A_222, %shift_right_logical3A_226 : i32
    %or3A_228 = arith.ori %shift_left3A_225, %shift_right_logical3A_227 : i32
    %xor3A_229 = arith.xori %or3A_228, %add3A_223 : i32
    %add3A_230 = arith.addi %add3A_223, %xor3A_229 : i32
    %shift_left3A_231 = arith.constant 26 : i32
    %shift_left3A_232 = arith.shli %xor3A_229, %shift_left3A_231 : i32
    %shift_right_logical3A_233 = arith.constant 6 : i32
    %shift_right_logical3A_234 = arith.shrui %xor3A_229, %shift_right_logical3A_233 : i32
    %or3A_235 = arith.ori %shift_left3A_232, %shift_right_logical3A_234 : i32
    %xor3A_236 = arith.xori %or3A_235, %add3A_230 : i32
    %add3A_237 = arith.addi %add3A_230, %xor3A_236 : i32
    %shift_left3A_238 = arith.constant 6 : i32
    %shift_left3A_239 = arith.shli %xor3A_236, %shift_left3A_238 : i32
    %shift_right_logical3A_240 = arith.constant 26 : i32
    %shift_right_logical3A_241 = arith.shrui %xor3A_236, %shift_right_logical3A_240 : i32
    %or3A_242 = arith.ori %shift_left3A_239, %shift_right_logical3A_241 : i32
    %xor3A_243 = arith.xori %or3A_242, %add3A_237 : i32
    %add3A_244 = arith.addi %add3A_237, %add3A_208 : i32
    %add3A_245 = arith.addi %xor3A_243, %xor3A_211 : i32
    %add3A_246 = arith.constant 1 : i32
    %add3A_247 = arith.addi %add3A_245, %add3A_246 : i32
    %add3A_248 = arith.addi %add3A_244, %add3A_247 : i32
    %shift_left3A_249 = arith.constant 17 : i32
    %shift_left3A_250 = arith.shli %add3A_247, %shift_left3A_249 : i32
    %shift_right_logical3A_251 = arith.constant 15 : i32
    %shift_right_logical3A_252 = arith.shrui %add3A_247, %shift_right_logical3A_251 : i32
    %or3A_253 = arith.ori %shift_left3A_250, %shift_right_logical3A_252 : i32
    %xor3A_254 = arith.xori %or3A_253, %add3A_248 : i32
    %add3A_255 = arith.addi %add3A_248, %xor3A_254 : i32
    %shift_left3A_256 = arith.constant 29 : i32
    %shift_left3A_257 = arith.shli %xor3A_254, %shift_left3A_256 : i32
    %shift_right_logical3A_258 = arith.constant 3 : i32
    %shift_right_logical3A_259 = arith.shrui %xor3A_254, %shift_right_logical3A_258 : i32
    %or3A_260 = arith.ori %shift_left3A_257, %shift_right_logical3A_259 : i32
    %xor3A_261 = arith.xori %or3A_260, %add3A_255 : i32
    %add3A_262 = arith.addi %add3A_255, %xor3A_261 : i32
    %shift_left3A_263 = arith.constant 16 : i32
    %shift_left3A_264 = arith.shli %xor3A_261, %shift_left3A_263 : i32
    %shift_right_logical3A_265 = arith.constant 16 : i32
    %shift_right_logical3A_266 = arith.shrui %xor3A_261, %shift_right_logical3A_265 : i32
    %or3A_267 = arith.ori %shift_left3A_264, %shift_right_logical3A_266 : i32
    %xor3A_268 = arith.xori %or3A_267, %add3A_262 : i32
    %add3A_269 = arith.addi %add3A_262, %xor3A_268 : i32
    %shift_left3A_270 = arith.constant 24 : i32
    %shift_left3A_271 = arith.shli %xor3A_268, %shift_left3A_270 : i32
    %shift_right_logical3A_272 = arith.constant 8 : i32
    %shift_right_logical3A_273 = arith.shrui %xor3A_268, %shift_right_logical3A_272 : i32
    %or3A_274 = arith.ori %shift_left3A_271, %shift_right_logical3A_273 : i32
    %xor3A_275 = arith.xori %or3A_274, %add3A_269 : i32
    %add3A_276 = arith.addi %add3A_269, %xor3A_211 : i32
    %add3A_277 = arith.addi %xor3A_275, %add3A_205 : i32
    %add3A_278 = arith.constant 2 : i32
    %add3A_279 = arith.addi %add3A_277, %add3A_278 : i32
    %add3A_280 = arith.addi %add3A_276, %add3A_279 : i32
    %shift_left3A_281 = arith.constant 13 : i32
    %shift_left3A_282 = arith.shli %add3A_279, %shift_left3A_281 : i32
    %shift_right_logical3A_283 = arith.constant 19 : i32
    %shift_right_logical3A_284 = arith.shrui %add3A_279, %shift_right_logical3A_283 : i32
    %or3A_285 = arith.ori %shift_left3A_282, %shift_right_logical3A_284 : i32
    %xor3A_286 = arith.xori %or3A_285, %add3A_280 : i32
    %add3A_287 = arith.addi %add3A_280, %xor3A_286 : i32
    %shift_left3A_288 = arith.constant 15 : i32
    %shift_left3A_289 = arith.shli %xor3A_286, %shift_left3A_288 : i32
    %shift_right_logical3A_290 = arith.constant 17 : i32
    %shift_right_logical3A_291 = arith.shrui %xor3A_286, %shift_right_logical3A_290 : i32
    %or3A_292 = arith.ori %shift_left3A_289, %shift_right_logical3A_291 : i32
    %xor3A_293 = arith.xori %or3A_292, %add3A_287 : i32
    %add3A_294 = arith.addi %add3A_287, %xor3A_293 : i32
    %shift_left3A_295 = arith.constant 26 : i32
    %shift_left3A_296 = arith.shli %xor3A_293, %shift_left3A_295 : i32
    %shift_right_logical3A_297 = arith.constant 6 : i32
    %shift_right_logical3A_298 = arith.shrui %xor3A_293, %shift_right_logical3A_297 : i32
    %or3A_299 = arith.ori %shift_left3A_296, %shift_right_logical3A_298 : i32
    %xor3A_300 = arith.xori %or3A_299, %add3A_294 : i32
    %add3A_301 = arith.addi %add3A_294, %xor3A_300 : i32
    %shift_left3A_302 = arith.constant 6 : i32
    %shift_left3A_303 = arith.shli %xor3A_300, %shift_left3A_302 : i32
    %shift_right_logical3A_304 = arith.constant 26 : i32
    %shift_right_logical3A_305 = arith.shrui %xor3A_300, %shift_right_logical3A_304 : i32
    %or3A_306 = arith.ori %shift_left3A_303, %shift_right_logical3A_305 : i32
    %xor3A_307 = arith.xori %or3A_306, %add3A_301 : i32
    %add3A_308 = arith.addi %add3A_301, %add3A_205 : i32
    %add3A_309 = arith.addi %xor3A_307, %add3A_208 : i32
    %add3A_310 = arith.constant 3 : i32
    %add3A_311 = arith.addi %add3A_309, %add3A_310 : i32
    %add3A_312 = arith.addi %add3A_308, %add3A_311 : i32
    %shift_left3A_313 = arith.constant 17 : i32
    %shift_left3A_314 = arith.shli %add3A_311, %shift_left3A_313 : i32
    %shift_right_logical3A_315 = arith.constant 15 : i32
    %shift_right_logical3A_316 = arith.shrui %add3A_311, %shift_right_logical3A_315 : i32
    %or3A_317 = arith.ori %shift_left3A_314, %shift_right_logical3A_316 : i32
    %xor3A_318 = arith.xori %or3A_317, %add3A_312 : i32
    %add3A_319 = arith.addi %add3A_312, %xor3A_318 : i32
    %shift_left3A_320 = arith.constant 29 : i32
    %shift_left3A_321 = arith.shli %xor3A_318, %shift_left3A_320 : i32
    %shift_right_logical3A_322 = arith.constant 3 : i32
    %shift_right_logical3A_323 = arith.shrui %xor3A_318, %shift_right_logical3A_322 : i32
    %or3A_324 = arith.ori %shift_left3A_321, %shift_right_logical3A_323 : i32
    %xor3A_325 = arith.xori %or3A_324, %add3A_319 : i32
    %add3A_326 = arith.addi %add3A_319, %xor3A_325 : i32
    %shift_left3A_327 = arith.constant 16 : i32
    %shift_left3A_328 = arith.shli %xor3A_325, %shift_left3A_327 : i32
    %shift_right_logical3A_329 = arith.constant 16 : i32
    %shift_right_logical3A_330 = arith.shrui %xor3A_325, %shift_right_logical3A_329 : i32
    %or3A_331 = arith.ori %shift_left3A_328, %shift_right_logical3A_330 : i32
    %xor3A_332 = arith.xori %or3A_331, %add3A_326 : i32
    %add3A_333 = arith.addi %add3A_326, %xor3A_332 : i32
    %shift_left3A_334 = arith.constant 24 : i32
    %shift_left3A_335 = arith.shli %xor3A_332, %shift_left3A_334 : i32
    %shift_right_logical3A_336 = arith.constant 8 : i32
    %shift_right_logical3A_337 = arith.shrui %xor3A_332, %shift_right_logical3A_336 : i32
    %or3A_338 = arith.ori %shift_left3A_335, %shift_right_logical3A_337 : i32
    %xor3A_339 = arith.xori %or3A_338, %add3A_333 : i32
    %add3A_340 = arith.addi %add3A_333, %add3A_208 : i32
    %add3A_341 = arith.addi %xor3A_339, %xor3A_211 : i32
    %add3A_342 = arith.constant 4 : i32
    %add3A_343 = arith.addi %add3A_341, %add3A_342 : i32
    %add3A_344 = arith.addi %add3A_340, %add3A_343 : i32
    %shift_left3A_345 = arith.constant 13 : i32
    %shift_left3A_346 = arith.shli %add3A_343, %shift_left3A_345 : i32
    %shift_right_logical3A_347 = arith.constant 19 : i32
    %shift_right_logical3A_348 = arith.shrui %add3A_343, %shift_right_logical3A_347 : i32
    %or3A_349 = arith.ori %shift_left3A_346, %shift_right_logical3A_348 : i32
    %xor3A_350 = arith.xori %or3A_349, %add3A_344 : i32
    %add3A_351 = arith.addi %add3A_344, %xor3A_350 : i32
    %shift_left3A_352 = arith.constant 15 : i32
    %shift_left3A_353 = arith.shli %xor3A_350, %shift_left3A_352 : i32
    %shift_right_logical3A_354 = arith.constant 17 : i32
    %shift_right_logical3A_355 = arith.shrui %xor3A_350, %shift_right_logical3A_354 : i32
    %or3A_356 = arith.ori %shift_left3A_353, %shift_right_logical3A_355 : i32
    %xor3A_357 = arith.xori %or3A_356, %add3A_351 : i32
    %add3A_358 = arith.addi %add3A_351, %xor3A_357 : i32
    %shift_left3A_359 = arith.constant 26 : i32
    %shift_left3A_360 = arith.shli %xor3A_357, %shift_left3A_359 : i32
    %shift_right_logical3A_361 = arith.constant 6 : i32
    %shift_right_logical3A_362 = arith.shrui %xor3A_357, %shift_right_logical3A_361 : i32
    %or3A_363 = arith.ori %shift_left3A_360, %shift_right_logical3A_362 : i32
    %xor3A_364 = arith.xori %or3A_363, %add3A_358 : i32
    %add3A_365 = arith.addi %add3A_358, %xor3A_364 : i32
    %shift_left3A_366 = arith.constant 6 : i32
    %shift_left3A_367 = arith.shli %xor3A_364, %shift_left3A_366 : i32
    %shift_right_logical3A_368 = arith.constant 26 : i32
    %shift_right_logical3A_369 = arith.shrui %xor3A_364, %shift_right_logical3A_368 : i32
    %or3A_370 = arith.ori %shift_left3A_367, %shift_right_logical3A_369 : i32
    %xor3A_371 = arith.xori %or3A_370, %add3A_365 : i32
    %add3A_372 = arith.addi %add3A_365, %xor3A_211 : i32
    %add3A_373 = arith.addi %xor3A_371, %add3A_205 : i32
    %add3A_374 = arith.constant 5 : i32
    %add3A_375 = arith.addi %add3A_373, %add3A_374 : i32
    %xor3A_376 = arith.xori %add3A_372, %add3A_375 : i32
    %shift_right_logical3A_377 = arith.constant 9 : i32
    %shift_right_logical3A_378 = arith.shrui %xor3A_376, %shift_right_logical3A_377 : i32
    %or3A_379 = arith.constant 1065353216 : i32
    %or3A_380 = arith.ori %shift_right_logical3A_378, %or3A_379 : i32
    %bitcast_convert_type3A = arith.bitcast %or3A_380 : i32 to f32
    %sub3A_381 = arith.constant 1.000000e+00 : f32
    %sub3A_382 = arith.subf %bitcast_convert_type3A, %sub3A_381 : f32
    %add3A_383 = arith.addi %select_n3A_43, %select_n3A_46 : i32
    %parallel_loop3A = arith.constant 1 : i32
    %parallel_loop3A_384 = scf.for %parallel_loop3A_516 = %select_n3A_43 to %add3A_383 step %parallel_loop3A iter_args(%parallel_loop3A_517 = %broadcast_in_dim3A_0) -> (vector<16xf32>)  : i32 {
      %parallel_loop3A_518 = arith.constant 16 : i32
      %parallel_loop3A_519 = arith.muli %parallel_loop3A_516, %parallel_loop3A_518 : i32
      %parallel_loop3A_520 = arith.index_cast %sub3A_34 : i32 to index
      %parallel_loop3A_521 = arith.index_cast %parallel_loop3A_519 : i32 to index
      %parallel_loop3A_522 = tpu.vector_load %arg11[%parallel_loop3A_520, %parallel_loop3A_521] {strides = array<i32>} : memref<8x6272xf32, #tpu.memory_space<vmem>>, vector<16xf32>,
      %parallel_loop3A_523 = math.exp %parallel_loop3A_522 : vector<16xf32>
      %parallel_loop3A_524 = arith.constant 16 : i32
      %parallel_loop3A_525 = arith.muli %parallel_loop3A_516, %parallel_loop3A_524 : i32
      %parallel_loop3A_526 = arith.index_cast %sub3A_34 : i32 to index
      %parallel_loop3A_527 = arith.index_cast %parallel_loop3A_525 : i32 to index
      %parallel_loop3A_528 = tpu.vector_load %arg11[%parallel_loop3A_526, %parallel_loop3A_527] {strides = array<i32>} : memref<8x6272xf32, #tpu.memory_space<vmem>>, vector<16xf32>,
      tpu.vector_store %arg11[%parallel_loop3A_526, %parallel_loop3A_527], %parallel_loop3A_523 {strides = array<i32>} : memref<8x6272xf32, #tpu.memory_space<vmem>>, vector<16xf32>,
      %parallel_loop3A_529 = arith.addf %parallel_loop3A_517, %parallel_loop3A_523 : vector<16xf32>
      scf.yield %parallel_loop3A_529 : vector<16xf32>
    } {sc.loop_unroll_factor = 8 : i64, sc.parallel_access}
    %reduce_sum3A = arith.constant true
    %reduce_sum3A_385 = vector.broadcast %reduce_sum3A : i1 to vector<16xi1>
    %reduce_sum3A_386 = tpu.scan <sum>, %parallel_loop3A_384 masked %reduce_sum3A_385 : vector<16xf32>, vector<16xi1> -> vector<16xf32>
    %reduce_sum3A_387 = vector.extract %reduce_sum3A_386[15] : f32 from vector<16xf32>
    %add3A_388 = vector.broadcast %reduce_sum3A_387 : f32 to vector<16xf32>
    %add3A_389 = arith.addf %broadcast_in_dim3A_0, %add3A_388 : vector<16xf32>
    %swap3A = arith.constant 0 : index
    %swap3A_390 = tpu.vector_load %arg15[%swap3A] {strides = array<i32>} : memref<16xf32, #tpu.memory_space<vmem>>, vector<16xf32>,
    tpu.vector_store %arg15[%swap3A], %add3A_389 {strides = array<i32>} : memref<16xf32, #tpu.memory_space<vmem>>, vector<16xf32>,
    "tpu.region"() ({
      %run_scoped3A = tpu.sem_alloc : memref<!tpu.dma_semaphore, #tpu.memory_space<semaphore_mem>>
      %dma_start3A = arith.constant 0 : i32
      %dma_start3A_516 = tpu.memref_slice %arg19[%arg1, %dma_start3A] : memref<16x16xf32, #tpu.memory_space<vmem_shared>> -> memref<1x16xf32, #tpu.memory_space<vmem_shared>>
      %dma_start3A_517 = tpu.memref_squeeze %dma_start3A_516 : memref<1x16xf32, #tpu.memory_space<vmem_shared>> -> memref<16xf32, #tpu.memory_space<vmem_shared>>
      %dma_start3A_518 = arith.constant 0 : i32
      %dma_start3A_519 = tpu.memref_slice %arg19[%arg1, %dma_start3A_518] : memref<16x16xf32, #tpu.memory_space<vmem_shared>> -> memref<1x16xf32, #tpu.memory_space<vmem_shared>>
      %dma_start3A_520 = tpu.memref_squeeze %dma_start3A_519 : memref<1x16xf32, #tpu.memory_space<vmem_shared>> -> memref<16xf32, #tpu.memory_space<vmem_shared>>
      tpu.enqueue_dma source(%arg15 : memref<16xf32, #tpu.memory_space<vmem>>) target(%dma_start3A_520 : memref<16xf32, #tpu.memory_space<vmem_shared>>) target_semaphore(%run_scoped3A : memref<!tpu.dma_semaphore, #tpu.memory_space<semaphore_mem>>)
      %dma_wait3A = arith.constant 0 : i32
      %dma_wait3A_521 = tpu.memref_slice %arg19[%arg1, %dma_wait3A] : memref<16x16xf32, #tpu.memory_space<vmem_shared>> -> memref<1x16xf32, #tpu.memory_space<vmem_shared>>
      %dma_wait3A_522 = tpu.memref_squeeze %dma_wait3A_521 : memref<1x16xf32, #tpu.memory_space<vmem_shared>> -> memref<16xf32, #tpu.memory_space<vmem_shared>>
      %dma_wait3A_523 = arith.constant 0 : i32
      %dma_wait3A_524 = tpu.memref_slice %arg19[%arg1, %dma_wait3A_523] : memref<16x16xf32, #tpu.memory_space<vmem_shared>> -> memref<1x16xf32, #tpu.memory_space<vmem_shared>>
      %dma_wait3A_525 = tpu.memref_squeeze %dma_wait3A_524 : memref<1x16xf32, #tpu.memory_space<vmem_shared>> -> memref<16xf32, #tpu.memory_space<vmem_shared>>
      tpu.wait_dma2 semaphore(%run_scoped3A : memref<!tpu.dma_semaphore, #tpu.memory_space<semaphore_mem>>) src(%arg15 : memref<16xf32, #tpu.memory_space<vmem>>) dst(%dma_wait3A_525 : memref<16xf32, #tpu.memory_space<vmem_shared>>)
      tpu.yield
    }) : () -> ()
    %barrier3A_391 = arith.constant 0 : index
    tpu.barrier barrier_id(%barrier3A_391)
    "tpu.region"() ({
      %run_scoped3A = tpu.sem_alloc : memref<!tpu.dma_semaphore, #tpu.memory_space<semaphore_mem>>
      tpu.enqueue_dma source(%arg19 : memref<16x16xf32, #tpu.memory_space<vmem_shared>>) target(%arg14 : memref<16x16xf32, #tpu.memory_space<vmem>>) target_semaphore(%run_scoped3A : memref<!tpu.dma_semaphore, #tpu.memory_space<semaphore_mem>>)
      tpu.wait_dma2 semaphore(%run_scoped3A : memref<!tpu.dma_semaphore, #tpu.memory_space<semaphore_mem>>) src(%arg19 : memref<16x16xf32, #tpu.memory_space<vmem_shared>>) dst(%arg14 : memref<16x16xf32, #tpu.memory_space<vmem>>)
      tpu.yield
    }) : () -> ()
    %gather3A = tpu.vector_load_idx %arg14[%iota3A, %broadcast_in_dim3A_2] : memref<16x16xf32, #tpu.memory_space<vmem>>[vector<16xi32>, vector<16xi32>], vector<16xf32>,
    %barrier3A_392 = arith.constant 0 : index
    tpu.barrier barrier_id(%barrier3A_392)
    %broadcast_in_dim3A_393 = arith.constant true
    %broadcast_in_dim3A_394 = vector.broadcast %broadcast_in_dim3A_393 : i1 to vector<16xi1>
    %masked_cumsum3A = tpu.scan <sum>, %gather3A masked %broadcast_in_dim3A_394 : vector<16xf32>, vector<16xi1> -> vector<16xf32>
    %reduce_max3A = arith.constant true
    %reduce_max3A_395 = vector.broadcast %reduce_max3A : i1 to vector<16xi1>
    %reduce_max3A_396 = tpu.scan <max>, %masked_cumsum3A masked %reduce_max3A_395 : vector<16xf32>, vector<16xi1> -> vector<16xf32>
    %reduce_max3A_397 = vector.extract %reduce_max3A_396[15] : f32 from vector<16xf32>
    %sub3A_398 = arith.constant 1.000000e+00 : f32
    %sub3A_399 = arith.subf %sub3A_398, %sub3A_382 : f32
    %mul3A_400 = arith.mulf %reduce_max3A_397, %sub3A_399 : f32
    %lt3A = vector.broadcast %mul3A_400 : f32 to vector<16xf32>
    %lt3A_401 = arith.cmpf olt, %masked_cumsum3A, %lt3A : vector<16xf32>
    %jit3A_402 = arith.constant 1 : i32
    %jit3A_403 = arith.constant 0 : i32
    %broadcast_in_dim3A_404 = vector.broadcast %jit3A_402 : i32 to vector<16xi32>
    %broadcast_in_dim3A_405 = vector.broadcast %jit3A_403 : i32 to vector<16xi32>
    %select_n3A_406 = arith.select %lt3A_401, %broadcast_in_dim3A_404, %broadcast_in_dim3A_405 : vector<16xi1>, vector<16xi32>
    %reduce_sum3A_407 = arith.constant true
    %reduce_sum3A_408 = vector.broadcast %reduce_sum3A_407 : i1 to vector<16xi1>
    %reduce_sum3A_409 = tpu.scan <sum>, %select_n3A_406 masked %reduce_sum3A_408 : vector<16xi32>, vector<16xi1> -> vector<16xi32>
    %reduce_sum3A_410 = vector.extract %reduce_sum3A_409[15] : i32 from vector<16xi32>
    %min3A = arith.constant 15 : i32
    %min3A_411 = arith.minsi %reduce_sum3A_410, %min3A : i32
    %swap3A_412 = arith.constant 0 : index
    %swap3A_413 = tpu.vector_load %arg15[%swap3A_412] {strides = array<i32>} : memref<16xf32, #tpu.memory_space<vmem>>, vector<16xf32>,
    tpu.vector_store %arg15[%swap3A_412], %masked_cumsum3A {strides = array<i32>} : memref<16xf32, #tpu.memory_space<vmem>>, vector<16xf32>,
    %swap3A_414 = arith.constant 0 : index
    %swap3A_415 = tpu.vector_load %arg16[%swap3A_414] {strides = array<i32>} : memref<16xf32, #tpu.memory_space<vmem>>, vector<16xf32>,
    tpu.vector_store %arg16[%swap3A_414], %gather3A {strides = array<i32>} : memref<16xf32, #tpu.memory_space<vmem>>, vector<16xf32>,
    %add3A_416 = vector.broadcast %min3A_411 : i32 to vector<16xi32>
    %add3A_417 = arith.addi %broadcast_in_dim3A_2, %add3A_416 : vector<16xi32>
    %gather3A_418 = tpu.vector_load_idx %arg15[%add3A_417] : memref<16xf32, #tpu.memory_space<vmem>>[vector<16xi32>], vector<16xf32>,
    %slice3A_419 = vector.extract_strided_slice %gather3A_418 {offsets = [0], sizes = [1], strides = [1]} : vector<16xf32> to vector<1xf32>
    %squeeze3A_420 = vector.extract %slice3A_419[0] : f32 from vector<1xf32>
    %add3A_421 = vector.broadcast %min3A_411 : i32 to vector<16xi32>
    %add3A_422 = arith.addi %broadcast_in_dim3A_2, %add3A_421 : vector<16xi32>
    %gather3A_423 = tpu.vector_load_idx %arg16[%add3A_422] : memref<16xf32, #tpu.memory_space<vmem>>[vector<16xi32>], vector<16xf32>,
    %slice3A_424 = vector.extract_strided_slice %gather3A_423 {offsets = [0], sizes = [1], strides = [1]} : vector<16xf32> to vector<1xf32>
    %squeeze3A_425 = vector.extract %slice3A_424[0] : f32 from vector<1xf32>
    %sub3A_426 = arith.subf %squeeze3A_420, %squeeze3A_425 : f32
    %eq3A_427 = arith.cmpi eq, %arg1, %min3A_411 : i32
    %convert_element_type3A_428 = arith.extui %eq3A_427 : i1 to i32
    %cond3A_429 = arith.constant 0 : i32
    %cond3A_430 = arith.cmpi ne, %convert_element_type3A_428, %cond3A_429 : i32
    scf.if %cond3A_430 {
      "tpu.region"() ({
        %run_scoped3A = tpu.sem_alloc : memref<!tpu.dma_semaphore, #tpu.memory_space<semaphore_mem>>
        %dma_start3A = arith.constant 0 : i32
        %dma_start3A_516 = tpu.memref_slice %arg11[%sub3A_34, %dma_start3A] : memref<8x6272xf32, #tpu.memory_space<vmem>> -> memref<1x6272xf32, #tpu.memory_space<vmem>>
        %dma_start3A_517 = tpu.memref_squeeze %dma_start3A_516 : memref<1x6272xf32, #tpu.memory_space<vmem>> -> memref<6272xf32, #tpu.memory_space<vmem>>
        %dma_start3A_518 = arith.constant 0 : i32
        %dma_start3A_519 = tpu.memref_slice %arg21[%dma_start3A_518] : memref<6672xf32, #tpu.memory_space<vmem_shared>> -> memref<6272xf32, #tpu.memory_space<vmem_shared>>
        %dma_start3A_520 = arith.constant 0 : i32
        %dma_start3A_521 = tpu.memref_slice %arg21[%dma_start3A_520] : memref<6672xf32, #tpu.memory_space<vmem_shared>> -> memref<6272xf32, #tpu.memory_space<vmem_shared>>
        %dma_start3A_522 = arith.constant 0 : i32
        %dma_start3A_523 = tpu.memref_slice %arg11[%sub3A_34, %dma_start3A_522] : memref<8x6272xf32, #tpu.memory_space<vmem>> -> memref<1x6272xf32, #tpu.memory_space<vmem>>
        %dma_start3A_524 = tpu.memref_squeeze %dma_start3A_523 : memref<1x6272xf32, #tpu.memory_space<vmem>> -> memref<6272xf32, #tpu.memory_space<vmem>>
        tpu.enqueue_dma source(%dma_start3A_524 : memref<6272xf32, #tpu.memory_space<vmem>>) target(%dma_start3A_521 : memref<6272xf32, #tpu.memory_space<vmem_shared>>) target_semaphore(%run_scoped3A : memref<!tpu.dma_semaphore, #tpu.memory_space<semaphore_mem>>)
        %dma_wait3A = arith.constant 0 : i32
        %dma_wait3A_525 = tpu.memref_slice %arg11[%sub3A_34, %dma_wait3A] : memref<8x6272xf32, #tpu.memory_space<vmem>> -> memref<1x6272xf32, #tpu.memory_space<vmem>>
        %dma_wait3A_526 = tpu.memref_squeeze %dma_wait3A_525 : memref<1x6272xf32, #tpu.memory_space<vmem>> -> memref<6272xf32, #tpu.memory_space<vmem>>
        %dma_wait3A_527 = arith.constant 0 : i32
        %dma_wait3A_528 = tpu.memref_slice %arg21[%dma_wait3A_527] : memref<6672xf32, #tpu.memory_space<vmem_shared>> -> memref<6272xf32, #tpu.memory_space<vmem_shared>>
        %dma_wait3A_529 = arith.constant 0 : i32
        %dma_wait3A_530 = tpu.memref_slice %arg21[%dma_wait3A_529] : memref<6672xf32, #tpu.memory_space<vmem_shared>> -> memref<6272xf32, #tpu.memory_space<vmem_shared>>
        %dma_wait3A_531 = arith.constant 0 : i32
        %dma_wait3A_532 = tpu.memref_slice %arg11[%sub3A_34, %dma_wait3A_531] : memref<8x6272xf32, #tpu.memory_space<vmem>> -> memref<1x6272xf32, #tpu.memory_space<vmem>>
        %dma_wait3A_533 = tpu.memref_squeeze %dma_wait3A_532 : memref<1x6272xf32, #tpu.memory_space<vmem>> -> memref<6272xf32, #tpu.memory_space<vmem>>
        tpu.wait_dma2 semaphore(%run_scoped3A : memref<!tpu.dma_semaphore, #tpu.memory_space<semaphore_mem>>) src(%dma_wait3A_533 : memref<6272xf32, #tpu.memory_space<vmem>>) dst(%dma_wait3A_530 : memref<6272xf32, #tpu.memory_space<vmem_shared>>)
        tpu.yield
      }) : () -> ()
    } else {
    }
    %barrier3A_431 = arith.constant 0 : index
    tpu.barrier barrier_id(%barrier3A_431)
    %ge3A_432 = arith.constant 15 : i32
    %ge3A_433 = arith.cmpi sge, %min3A_411, %ge3A_432 : i32
    %jit3A_434 = arith.constant 370 : i32
    %jit3A_435 = arith.constant 392 : i32
    %select_n3A_436 = arith.select %ge3A_433, %jit3A_434, %jit3A_435 : i32
    %ge3A_437 = arith.constant 15 : i32
    %ge3A_438 = arith.cmpi sge, %min3A_411, %ge3A_437 : i32
    %jit3A_439 = arith.constant 22 : i32
    %jit3A_440 = arith.constant 0 : i32
    %select_n3A_441 = arith.select %ge3A_438, %jit3A_439, %jit3A_440 : i32
    %mul3A_442 = arith.constant 25 : i32
    %mul3A_443 = arith.muli %arg1, %mul3A_442 : i32
    %sub3A_444 = arith.subi %select_n3A_436, %mul3A_443 : i32
    %min3A_445 = arith.constant 25 : i32
    %min3A_446 = arith.minsi %min3A_445, %sub3A_444 : i32
    %max3A = arith.constant 0 : i32
    %max3A_447 = arith.maxsi %min3A_446, %max3A : i32
    %add3A_448 = arith.addi %select_n3A_441, %mul3A_443 : i32
    %mul3A_449 = arith.constant 16 : i32
    %mul3A_450 = arith.muli %add3A_448, %mul3A_449 : i32
    "tpu.region"() ({
      %run_scoped3A = tpu.sem_alloc : memref<!tpu.dma_semaphore, #tpu.memory_space<semaphore_mem>>
      %dma_start3A = arith.constant 0 : i32
      %dma_start3A_516 = tpu.memref_slice %arg12[%dma_start3A] : memref<432xf32, #tpu.memory_space<vmem>> -> memref<400xf32, #tpu.memory_space<vmem>>
      %dma_start3A_517 = tpu.memref_slice %arg21[%mul3A_450] : memref<6672xf32, #tpu.memory_space<vmem_shared>> -> memref<400xf32, #tpu.memory_space<vmem_shared>>
      %dma_start3A_518 = arith.constant 0 : i32
      %dma_start3A_519 = tpu.memref_slice %arg12[%dma_start3A_518] : memref<432xf32, #tpu.memory_space<vmem>> -> memref<400xf32, #tpu.memory_space<vmem>>
      %dma_start3A_520 = tpu.memref_slice %arg21[%mul3A_450] : memref<6672xf32, #tpu.memory_space<vmem_shared>> -> memref<400xf32, #tpu.memory_space<vmem_shared>>
      tpu.enqueue_dma source(%dma_start3A_520 : memref<400xf32, #tpu.memory_space<vmem_shared>>) target(%dma_start3A_519 : memref<400xf32, #tpu.memory_space<vmem>>) target_semaphore(%run_scoped3A : memref<!tpu.dma_semaphore, #tpu.memory_space<semaphore_mem>>)
      %dma_wait3A = arith.constant 0 : i32
      %dma_wait3A_521 = tpu.memref_slice %arg12[%dma_wait3A] : memref<432xf32, #tpu.memory_space<vmem>> -> memref<400xf32, #tpu.memory_space<vmem>>
      %dma_wait3A_522 = tpu.memref_slice %arg21[%mul3A_450] : memref<6672xf32, #tpu.memory_space<vmem_shared>> -> memref<400xf32, #tpu.memory_space<vmem_shared>>
      %dma_wait3A_523 = arith.constant 0 : i32
      %dma_wait3A_524 = tpu.memref_slice %arg12[%dma_wait3A_523] : memref<432xf32, #tpu.memory_space<vmem>> -> memref<400xf32, #tpu.memory_space<vmem>>
      %dma_wait3A_525 = tpu.memref_slice %arg21[%mul3A_450] : memref<6672xf32, #tpu.memory_space<vmem_shared>> -> memref<400xf32, #tpu.memory_space<vmem_shared>>
      tpu.wait_dma2 semaphore(%run_scoped3A : memref<!tpu.dma_semaphore, #tpu.memory_space<semaphore_mem>>) src(%dma_wait3A_525 : memref<400xf32, #tpu.memory_space<vmem_shared>>) dst(%dma_wait3A_524 : memref<400xf32, #tpu.memory_space<vmem>>)
      tpu.yield
    }) : () -> ()
    %parallel_loop3A_451 = arith.constant 0 : i32
    %parallel_loop3A_452 = arith.constant 1 : i32
    %parallel_loop3A_453 = arith.constant 0.000000e+00 : f32
    %parallel_loop3A_454 = scf.for %parallel_loop3A_516 = %parallel_loop3A_451 to %max3A_447 step %parallel_loop3A_452 iter_args(%parallel_loop3A_517 = %parallel_loop3A_453) -> (f32)  : i32 {
      %parallel_loop3A_518 = arith.constant 16 : i32
      %parallel_loop3A_519 = arith.muli %parallel_loop3A_516, %parallel_loop3A_518 : i32
      %parallel_loop3A_520 = arith.index_cast %parallel_loop3A_519 : i32 to index
      %parallel_loop3A_521 = tpu.vector_load %arg12[%parallel_loop3A_520] {strides = array<i32>} : memref<432xf32, #tpu.memory_space<vmem>>, vector<16xf32>,
      %parallel_loop3A_522 = arith.constant true
      %parallel_loop3A_523 = vector.broadcast %parallel_loop3A_522 : i1 to vector<16xi1>
      %parallel_loop3A_524 = tpu.scan <sum>, %parallel_loop3A_521 masked %parallel_loop3A_523 : vector<16xf32>, vector<16xi1> -> vector<16xf32>
      %parallel_loop3A_525 = arith.constant true
      %parallel_loop3A_526 = vector.broadcast %parallel_loop3A_525 : i1 to vector<16xi1>
      %parallel_loop3A_527 = tpu.scan <max>, %parallel_loop3A_524 masked %parallel_loop3A_526 : vector<16xf32>, vector<16xi1> -> vector<16xf32>
      %parallel_loop3A_528 = vector.extract %parallel_loop3A_527[15] : f32 from vector<16xf32>
      %parallel_loop3A_529 = vector.broadcast %parallel_loop3A_516 : i32 to vector<16xi32>
      %parallel_loop3A_530 = arith.addi %broadcast_in_dim3A_2, %parallel_loop3A_529 : vector<16xi32>
      %parallel_loop3A_531 = vector.broadcast %parallel_loop3A_528 : f32 to vector<16xf32>
      %parallel_loop3A_532 = arith.addf %broadcast_in_dim3A_0, %parallel_loop3A_531 : vector<16xf32>
      tpu.vector_store_idx %arg13[%parallel_loop3A_530], %parallel_loop3A_532 masked %eq3A_4 : memref<32xf32, #tpu.memory_space<vmem>>[vector<16xi32>], vector<16xf32>, vector<16xi1>
      %parallel_loop3A_533 = arith.addf %parallel_loop3A_517, %parallel_loop3A_528 : f32
      scf.yield %parallel_loop3A_533 : f32
    } {sc.loop_unroll_factor = 4 : i64, sc.parallel_access}
    %add3A_455 = vector.broadcast %parallel_loop3A_454 : f32 to vector<16xf32>
    %add3A_456 = arith.addf %broadcast_in_dim3A_0, %add3A_455 : vector<16xf32>
    %swap3A_457 = arith.constant 0 : index
    %swap3A_458 = tpu.vector_load %arg15[%swap3A_457] {strides = array<i32>} : memref<16xf32, #tpu.memory_space<vmem>>, vector<16xf32>,
    tpu.vector_store %arg15[%swap3A_457], %add3A_456 {strides = array<i32>} : memref<16xf32, #tpu.memory_space<vmem>>, vector<16xf32>,
    "tpu.region"() ({
      %run_scoped3A = tpu.sem_alloc : memref<!tpu.dma_semaphore, #tpu.memory_space<semaphore_mem>>
      %dma_start3A = arith.constant 0 : i32
      %dma_start3A_516 = tpu.memref_slice %arg19[%arg1, %dma_start3A] : memref<16x16xf32, #tpu.memory_space<vmem_shared>> -> memref<1x16xf32, #tpu.memory_space<vmem_shared>>
      %dma_start3A_517 = tpu.memref_squeeze %dma_start3A_516 : memref<1x16xf32, #tpu.memory_space<vmem_shared>> -> memref<16xf32, #tpu.memory_space<vmem_shared>>
      %dma_start3A_518 = arith.constant 0 : i32
      %dma_start3A_519 = tpu.memref_slice %arg19[%arg1, %dma_start3A_518] : memref<16x16xf32, #tpu.memory_space<vmem_shared>> -> memref<1x16xf32, #tpu.memory_space<vmem_shared>>
      %dma_start3A_520 = tpu.memref_squeeze %dma_start3A_519 : memref<1x16xf32, #tpu.memory_space<vmem_shared>> -> memref<16xf32, #tpu.memory_space<vmem_shared>>
      tpu.enqueue_dma source(%arg15 : memref<16xf32, #tpu.memory_space<vmem>>) target(%dma_start3A_520 : memref<16xf32, #tpu.memory_space<vmem_shared>>) target_semaphore(%run_scoped3A : memref<!tpu.dma_semaphore, #tpu.memory_space<semaphore_mem>>)
      %dma_wait3A = arith.constant 0 : i32
      %dma_wait3A_521 = tpu.memref_slice %arg19[%arg1, %dma_wait3A] : memref<16x16xf32, #tpu.memory_space<vmem_shared>> -> memref<1x16xf32, #tpu.memory_space<vmem_shared>>
      %dma_wait3A_522 = tpu.memref_squeeze %dma_wait3A_521 : memref<1x16xf32, #tpu.memory_space<vmem_shared>> -> memref<16xf32, #tpu.memory_space<vmem_shared>>
      %dma_wait3A_523 = arith.constant 0 : i32
      %dma_wait3A_524 = tpu.memref_slice %arg19[%arg1, %dma_wait3A_523] : memref<16x16xf32, #tpu.memory_space<vmem_shared>> -> memref<1x16xf32, #tpu.memory_space<vmem_shared>>
      %dma_wait3A_525 = tpu.memref_squeeze %dma_wait3A_524 : memref<1x16xf32, #tpu.memory_space<vmem_shared>> -> memref<16xf32, #tpu.memory_space<vmem_shared>>
      tpu.wait_dma2 semaphore(%run_scoped3A : memref<!tpu.dma_semaphore, #tpu.memory_space<semaphore_mem>>) src(%arg15 : memref<16xf32, #tpu.memory_space<vmem>>) dst(%dma_wait3A_525 : memref<16xf32, #tpu.memory_space<vmem_shared>>)
      tpu.yield
    }) : () -> ()
    %barrier3A_459 = arith.constant 0 : index
    tpu.barrier barrier_id(%barrier3A_459)
    "tpu.region"() ({
      %run_scoped3A = tpu.sem_alloc : memref<!tpu.dma_semaphore, #tpu.memory_space<semaphore_mem>>
      tpu.enqueue_dma source(%arg19 : memref<16x16xf32, #tpu.memory_space<vmem_shared>>) target(%arg14 : memref<16x16xf32, #tpu.memory_space<vmem>>) target_semaphore(%run_scoped3A : memref<!tpu.dma_semaphore, #tpu.memory_space<semaphore_mem>>)
      tpu.wait_dma2 semaphore(%run_scoped3A : memref<!tpu.dma_semaphore, #tpu.memory_space<semaphore_mem>>) src(%arg19 : memref<16x16xf32, #tpu.memory_space<vmem_shared>>) dst(%arg14 : memref<16x16xf32, #tpu.memory_space<vmem>>)
      tpu.yield
    }) : () -> ()
    %gather3A_460 = tpu.vector_load_idx %arg14[%iota3A, %broadcast_in_dim3A_2] : memref<16x16xf32, #tpu.memory_space<vmem>>[vector<16xi32>, vector<16xi32>], vector<16xf32>,
    %barrier3A_461 = arith.constant 0 : index
    tpu.barrier barrier_id(%barrier3A_461)
    %broadcast_in_dim3A_462 = arith.constant true
    %broadcast_in_dim3A_463 = vector.broadcast %broadcast_in_dim3A_462 : i1 to vector<16xi1>
    %masked_cumsum3A_464 = tpu.scan <sum>, %gather3A_460 masked %broadcast_in_dim3A_463 : vector<16xf32>, vector<16xi1> -> vector<16xf32>
    %add3A_465 = vector.broadcast %sub3A_426 : f32 to vector<16xf32>
    %add3A_466 = arith.addf %add3A_465, %masked_cumsum3A_464 : vector<16xf32>
    %lt3A_467 = vector.broadcast %mul3A_400 : f32 to vector<16xf32>
    %lt3A_468 = arith.cmpf olt, %add3A_466, %lt3A_467 : vector<16xf32>
    %jit3A_469 = arith.constant 1 : i32
    %jit3A_470 = arith.constant 0 : i32
    %broadcast_in_dim3A_471 = vector.broadcast %jit3A_469 : i32 to vector<16xi32>
    %broadcast_in_dim3A_472 = vector.broadcast %jit3A_470 : i32 to vector<16xi32>
    %select_n3A_473 = arith.select %lt3A_468, %broadcast_in_dim3A_471, %broadcast_in_dim3A_472 : vector<16xi1>, vector<16xi32>
    %reduce_sum3A_474 = arith.constant true
    %reduce_sum3A_475 = vector.broadcast %reduce_sum3A_474 : i1 to vector<16xi1>
    %reduce_sum3A_476 = tpu.scan <sum>, %select_n3A_473 masked %reduce_sum3A_475 : vector<16xi32>, vector<16xi1> -> vector<16xi32>
    %reduce_sum3A_477 = vector.extract %reduce_sum3A_476[15] : i32 from vector<16xi32>
    %sub3A_478 = arith.constant 1 : i32
    %sub3A_479 = arith.subi %select_n3A_436, %sub3A_478 : i32
    %jit3A_480 = arith.constant 25 : i32
    %div3A_481 = arith.divsi %sub3A_479, %jit3A_480 : i32
    %sign3A_482 = arith.constant 0 : i32
    %sign3A_483 = arith.cmpi sgt, %sub3A_479, %sign3A_482 : i32
    %sign3A_484 = arith.extui %sign3A_483 : i1 to i32
    %sign3A_485 = arith.constant 0 : i32
    %sign3A_486 = arith.cmpi slt, %sub3A_479, %sign3A_485 : i32
    %sign3A_487 = arith.extui %sign3A_486 : i1 to i32
    %sign3A_488 = arith.subi %sign3A_484, %sign3A_487 : i32
    %sign3A_489 = arith.constant 0 : i32
    %sign3A_490 = arith.cmpi sgt, %jit3A_480, %sign3A_489 : i32
    %sign3A_491 = arith.extui %sign3A_490 : i1 to i32
    %sign3A_492 = arith.constant 0 : i32
    %sign3A_493 = arith.cmpi slt, %jit3A_480, %sign3A_492 : i32
    %sign3A_494 = arith.extui %sign3A_493 : i1 to i32
    %sign3A_495 = arith.subi %sign3A_491, %sign3A_494 : i32
    %ne3A_496 = arith.cmpi ne, %sign3A_488, %sign3A_495 : i32
    %rem3A_497 = arith.remsi %sub3A_479, %jit3A_480 : i32
    %ne3A_498 = arith.constant 0 : i32
    %ne3A_499 = arith.cmpi ne, %rem3A_497, %ne3A_498 : i32
    %and3A_500 = arith.andi %ne3A_496, %ne3A_499 : i1
    %sub3A_501 = arith.constant 1 : i32
    %sub3A_502 = arith.subi %div3A_481, %sub3A_501 : i32
    %select_n3A_503 = arith.select %and3A_500, %sub3A_502, %div3A_481 : i32
    %min3A_504 = arith.minsi %reduce_sum3A_477, %select_n3A_503 : i32
    %swap3A_505 = arith.constant 0 : index
    %swap3A_506 = tpu.vector_load %arg15[%swap3A_505] {strides = array<i32>} : memref<16xf32, #tpu.memory_space<vmem>>, vector<16xf32>,
    tpu.vector_store %arg15[%swap3A_505], %masked_cumsum3A_464 {strides = array<i32>} : memref<16xf32, #tpu.memory_space<vmem>>, vector<16xf32>,
    %swap3A_507 = arith.constant 0 : index
    %swap3A_508 = tpu.vector_load %arg16[%swap3A_507] {strides = array<i32>} : memref<16xf32, #tpu.memory_space<vmem>>, vector<16xf32>,
    tpu.vector_store %arg16[%swap3A_507], %gather3A_460 {strides = array<i32>} : memref<16xf32, #tpu.memory_space<vmem>>, vector<16xf32>,
    %eq3A_509 = arith.cmpi eq, %arg1, %min3A_504 : i32
    %eq3A_510 = arith.constant 0 : i32
    %eq3A_511 = arith.cmpi eq, %arg0, %eq3A_510 : i32
    %and3A_512 = arith.andi %eq3A_509, %eq3A_511 : i1
    %convert_element_type3A_513 = arith.extui %and3A_512 : i1 to i32
    %cond3A_514 = arith.constant 0 : i32
    %cond3A_515 = arith.cmpi ne, %convert_element_type3A_513, %cond3A_514 : i32
    scf.if %cond3A_515 {
      %add3A_516 = vector.broadcast %min3A_504 : i32 to vector<16xi32>
      %add3A_517 = arith.addi %broadcast_in_dim3A_2, %add3A_516 : vector<16xi32>
      %gather3A_518 = tpu.vector_load_idx %arg15[%add3A_517] : memref<16xf32, #tpu.memory_space<vmem>>[vector<16xi32>], vector<16xf32>,
      %slice3A_519 = vector.extract_strided_slice %gather3A_518 {offsets = [0], sizes = [1], strides = [1]} : vector<16xf32> to vector<1xf32>
      %squeeze3A_520 = vector.extract %slice3A_519[0] : f32 from vector<1xf32>
      %add3A_521 = vector.broadcast %min3A_504 : i32 to vector<16xi32>
      %add3A_522 = arith.addi %broadcast_in_dim3A_2, %add3A_521 : vector<16xi32>
      %gather3A_523 = tpu.vector_load_idx %arg16[%add3A_522] : memref<16xf32, #tpu.memory_space<vmem>>[vector<16xi32>], vector<16xf32>,
      %slice3A_524 = vector.extract_strided_slice %gather3A_523 {offsets = [0], sizes = [1], strides = [1]} : vector<16xf32> to vector<1xf32>
      %squeeze3A_525 = vector.extract %slice3A_524[0] : f32 from vector<1xf32>
      %sub3A_526 = arith.subf %squeeze3A_520, %squeeze3A_525 : f32
      %add3A_527 = arith.addf %sub3A_426, %sub3A_526 : f32
      %while3A = arith.constant 0 : i32
      %while3A_528 = arith.constant 0 : i32
      %while3A_529 = arith.subi %max3A_447, %while3A : i32
      %while3A_530 = arith.addi %while3A, %while3A_529 : i32
      %while3A_531 = arith.constant 1 : i32
      %while3A_532 = arith.divsi %while3A_529, %while3A_531 : i32
      %while3A_533 = arith.muli %while3A_532, %while3A_531 : i32
      %while3A_534 = arith.addi %while3A, %while3A_533 : i32
      %while3A_535 = arith.constant 1 : i32
      %while3A_536:2 = scf.for %while3A_588 = %while3A to %while3A_534 step %while3A_535 iter_args(%while3A_589 = %add3A_527, %while3A_590 = %while3A_528) -> (f32, i32)  : i32 {
        %add3A_591 = vector.broadcast %while3A_588 : i32 to vector<16xi32>
        %add3A_592 = arith.addi %broadcast_in_dim3A_2, %add3A_591 : vector<16xi32>
        %gather3A_593 = tpu.vector_load_idx %arg13[%add3A_592] : memref<32xf32, #tpu.memory_space<vmem>>[vector<16xi32>], vector<16xf32>,
        %slice3A_594 = vector.extract_strided_slice %gather3A_593 {offsets = [0], sizes = [1], strides = [1]} : vector<16xf32> to vector<1xf32>
        %squeeze3A_595 = vector.extract %slice3A_594[0] : f32 from vector<1xf32>
        %add3A_596 = arith.addf %while3A_589, %squeeze3A_595 : f32
        %add3A_597 = arith.constant 400 : i32
        %add3A_598 = arith.addi %add3A_597, %while3A_588 : i32
        %add3A_599 = vector.broadcast %add3A_598 : i32 to vector<16xi32>
        %add3A_600 = arith.addi %broadcast_in_dim3A_2, %add3A_599 : vector<16xi32>
        %add3A_601 = vector.broadcast %add3A_596 : f32 to vector<16xf32>
        %add3A_602 = arith.addf %broadcast_in_dim3A_0, %add3A_601 : vector<16xf32>
        tpu.vector_store_idx %arg12[%add3A_600], %add3A_602 masked %eq3A_4 : memref<432xf32, #tpu.memory_space<vmem>>[vector<16xi32>], vector<16xf32>, vector<16xi1>
        %lt3A_603 = arith.cmpf olt, %add3A_596, %mul3A_400 : f32
        %jit3A_604 = arith.constant 1 : i32
        %jit3A_605 = arith.constant 0 : i32
        %select_n3A_606 = arith.select %lt3A_603, %jit3A_604, %jit3A_605 : i32
        %add3A_607 = arith.addi %while3A_590, %select_n3A_606 : i32
        scf.yield %add3A_596, %add3A_607 : f32, i32
      }
      %while3A_537 = arith.constant 1 : i32
      %while3A_538:2 = scf.for %while3A_588 = %while3A_534 to %while3A_530 step %while3A_537 iter_args(%while3A_589 = %while3A_536#0, %while3A_590 = %while3A_536#1) -> (f32, i32)  : i32 {
        %add3A_591 = vector.broadcast %while3A_588 : i32 to vector<16xi32>
        %add3A_592 = arith.addi %broadcast_in_dim3A_2, %add3A_591 : vector<16xi32>
        %gather3A_593 = tpu.vector_load_idx %arg13[%add3A_592] : memref<32xf32, #tpu.memory_space<vmem>>[vector<16xi32>], vector<16xf32>,
        %slice3A_594 = vector.extract_strided_slice %gather3A_593 {offsets = [0], sizes = [1], strides = [1]} : vector<16xf32> to vector<1xf32>
        %squeeze3A_595 = vector.extract %slice3A_594[0] : f32 from vector<1xf32>
        %add3A_596 = arith.addf %while3A_589, %squeeze3A_595 : f32
        %add3A_597 = arith.constant 400 : i32
        %add3A_598 = arith.addi %add3A_597, %while3A_588 : i32
        %add3A_599 = vector.broadcast %add3A_598 : i32 to vector<16xi32>
        %add3A_600 = arith.addi %broadcast_in_dim3A_2, %add3A_599 : vector<16xi32>
        %add3A_601 = vector.broadcast %add3A_596 : f32 to vector<16xf32>
        %add3A_602 = arith.addf %broadcast_in_dim3A_0, %add3A_601 : vector<16xf32>
        tpu.vector_store_idx %arg12[%add3A_600], %add3A_602 masked %eq3A_4 : memref<432xf32, #tpu.memory_space<vmem>>[vector<16xi32>], vector<16xf32>, vector<16xi1>
        %lt3A_603 = arith.cmpf olt, %add3A_596, %mul3A_400 : f32
        %jit3A_604 = arith.constant 1 : i32
        %jit3A_605 = arith.constant 0 : i32
        %select_n3A_606 = arith.select %lt3A_603, %jit3A_604, %jit3A_605 : i32
        %add3A_607 = arith.addi %while3A_590, %select_n3A_606 : i32
        scf.yield %add3A_596, %add3A_607 : f32, i32
      }
      %sub3A_539 = arith.constant 1 : i32
      %sub3A_540 = arith.subi %max3A_447, %sub3A_539 : i32
      %min3A_541 = arith.minsi %while3A_538#1, %sub3A_540 : i32
      %add3A_542 = arith.constant 400 : i32
      %add3A_543 = arith.addi %add3A_542, %min3A_541 : i32
      %add3A_544 = vector.broadcast %add3A_543 : i32 to vector<16xi32>
      %add3A_545 = arith.addi %broadcast_in_dim3A_2, %add3A_544 : vector<16xi32>
      %gather3A_546 = tpu.vector_load_idx %arg12[%add3A_545] : memref<432xf32, #tpu.memory_space<vmem>>[vector<16xi32>], vector<16xf32>,
      %slice3A_547 = vector.extract_strided_slice %gather3A_546 {offsets = [0], sizes = [1], strides = [1]} : vector<16xf32> to vector<1xf32>
      %squeeze3A_548 = vector.extract %slice3A_547[0] : f32 from vector<1xf32>
      %add3A_549 = vector.broadcast %min3A_541 : i32 to vector<16xi32>
      %add3A_550 = arith.addi %broadcast_in_dim3A_2, %add3A_549 : vector<16xi32>
      %gather3A_551 = tpu.vector_load_idx %arg13[%add3A_550] : memref<32xf32, #tpu.memory_space<vmem>>[vector<16xi32>], vector<16xf32>,
      %slice3A_552 = vector.extract_strided_slice %gather3A_551 {offsets = [0], sizes = [1], strides = [1]} : vector<16xf32> to vector<1xf32>
      %squeeze3A_553 = vector.extract %slice3A_552[0] : f32 from vector<1xf32>
      %sub3A_554 = arith.subf %squeeze3A_548, %squeeze3A_553 : f32
      %mul3A_555 = arith.constant 16 : i32
      %mul3A_556 = arith.muli %min3A_541, %mul3A_555 : i32
      %get3A_557 = arith.index_cast %mul3A_556 : i32 to index
      %get3A_558 = tpu.vector_load %arg12[%get3A_557] {strides = array<i32>} : memref<432xf32, #tpu.memory_space<vmem>>, vector<16xf32>,
      %broadcast_in_dim3A_559 = arith.constant true
      %broadcast_in_dim3A_560 = vector.broadcast %broadcast_in_dim3A_559 : i1 to vector<16xi1>
      %masked_cumsum3A_561 = tpu.scan <sum>, %get3A_558 masked %broadcast_in_dim3A_560 : vector<16xf32>, vector<16xi1> -> vector<16xf32>
      %add3A_562 = vector.broadcast %sub3A_554 : f32 to vector<16xf32>
      %add3A_563 = arith.addf %masked_cumsum3A_561, %add3A_562 : vector<16xf32>
      %lt3A_564 = vector.broadcast %mul3A_400 : f32 to vector<16xf32>
      %lt3A_565 = arith.cmpf olt, %add3A_563, %lt3A_564 : vector<16xf32>
      %jit3A_566 = arith.constant 1 : i32
      %jit3A_567 = arith.constant 0 : i32
      %broadcast_in_dim3A_568 = vector.broadcast %jit3A_566 : i32 to vector<16xi32>
      %broadcast_in_dim3A_569 = vector.broadcast %jit3A_567 : i32 to vector<16xi32>
      %select_n3A_570 = arith.select %lt3A_565, %broadcast_in_dim3A_568, %broadcast_in_dim3A_569 : vector<16xi1>, vector<16xi32>
      %reduce_sum3A_571 = arith.constant true
      %reduce_sum3A_572 = vector.broadcast %reduce_sum3A_571 : i1 to vector<16xi1>
      %reduce_sum3A_573 = tpu.scan <sum>, %select_n3A_570 masked %reduce_sum3A_572 : vector<16xi32>, vector<16xi1> -> vector<16xi32>
      %reduce_sum3A_574 = vector.extract %reduce_sum3A_573[15] : i32 from vector<16xi32>
      %mul3A_575 = arith.constant 6272 : i32
      %mul3A_576 = arith.muli %min3A_411, %mul3A_575 : i32
      %add3A_577 = arith.addi %mul3A_443, %min3A_541 : i32
      %mul3A_578 = arith.constant 16 : i32
      %mul3A_579 = arith.muli %add3A_577, %mul3A_578 : i32
      %add3A_580 = arith.addi %mul3A_576, %mul3A_579 : i32
      %add3A_581 = arith.addi %add3A_580, %reduce_sum3A_574 : i32
      %min3A_582 = arith.constant 99999 : i32
      %min3A_583 = arith.minsi %add3A_581, %min3A_582 : i32
      %add3A_584 = vector.broadcast %min3A_583 : i32 to vector<16xi32>
      %add3A_585 = arith.addi %broadcast_in_dim3A_2, %add3A_584 : vector<16xi32>
      %swap3A_586 = arith.constant 0 : index
      %swap3A_587 = tpu.vector_load %arg18[%swap3A_586] {strides = array<i32>} : memref<16xi32, #tpu.memory_space<vmem>>, vector<16xi32>,
      tpu.vector_store %arg18[%swap3A_586], %add3A_585 {strides = array<i32>} : memref<16xi32, #tpu.memory_space<vmem>>, vector<16xi32>,
      "tpu.region"() ({
        %run_scoped3A = tpu.sem_alloc : memref<!tpu.dma_semaphore, #tpu.memory_space<semaphore_mem>>
        tpu.enqueue_dma source(%arg18 : memref<16xi32, #tpu.memory_space<vmem>>) target(%arg7 : memref<16xi32, #tpu.memory_space<hbm>>) target_semaphore(%run_scoped3A : memref<!tpu.dma_semaphore, #tpu.memory_space<semaphore_mem>>)
        tpu.wait_dma2 semaphore(%run_scoped3A : memref<!tpu.dma_semaphore, #tpu.memory_space<semaphore_mem>>) src(%arg18 : memref<16xi32, #tpu.memory_space<vmem>>) dst(%arg7 : memref<16xi32, #tpu.memory_space<hbm>>)
        tpu.yield
      }) : () -> ()
    } else {
    }
    return
  }
}

</mosaic_0001>

<sc_bundles>
// kernel: kernel.3.cloned.1.call-start
scs
__scs_entry_jumppad:
0x0: {  	(pc) =	sbr.rel $0x88, $3  }
0x1: {  	(tag) =	ssettag $0x0;
	lr =	simm.s32 $0x1  }
0x2: {  	[smem:$0x3F9C] =	sst lr;
	_ =	strace $0xD0000000  }
0x3: {  	_ = 	snop  }
0x4: {  	_ = 	snop  }
0x5: {  	_ = 	snop  }
0x6: {  	_ = 	snop  }
0x7: {  	_ = 	snop  }
__scs_overlays_trampoline_lowered:
0x8: {  	[smem:$0x3FAB] =	sst s0  }
0x9: {  	[smem:$0x3FAC] =	sst s1  }
0xa: {  	[smem:$0x3FAD] =	sst s2  }
0xb: {  	[smem:$0x3FAE] =	sst s3  }
0xc: {  	[smem:$0x3FAF] =	sst s4  }
0xd: {  	[smem:$0x3FB0] =	sst s5  }
0xe: {  	[smem:$0x3FB1] =	sst s6  }
0xf: {  	[smem:$0x3FB2] =	sst s7  }
0x10: {  	[smem:$0x3FB3] =	sst s8  }
0x11: {  	[smem:$0x3FB4] =	sst s9;
	s0 =	simm.s32 @!p0 $0x0  }
0x12: {  	s1 =	sld [smem:$0x3F9A];
	s0 =	simm.s32 @p0 $0x1  }
0x13: {  	[smem:$0x3FB5] =	sst s0;
	s0 =	simm.s32 @!p1 $0x0  }
0x14: {  	s2 =	sld [smem:$0x3F99];
	s0 =	simm.s32 @p1 $0x1  }
0x15: {  	[smem:$0x3FB6] =	sst s0;
	s0 =	simm.s32 @!p2 $0x0  }
0x16: {  	s3 =	sld [smem:$0x3FDB];
	s0 =	simm.s32 @p2 $0x1  }
0x17: {  	s4 =	simm.s32 $0x1BF5;
	[smem:$0x3FB8] =	sst s0  }
0x18: {  	s0 =	sld [smem:$0x3F9B];
	_ =	swait.ge [sflag:s4], $0x0  }
0x19: {  	s7 =	sld [smem:$0x3F9C]  }
0x1a: {  	s8 =	sadd.s32 $0xFFFFE003, lr  }
0x1b: {  	s9 =	sadd.s32 $0xFFFFFEF7, lr;
	s5 =	simm.s32 $0xFFFFFFFF;
	p2 =	slt.u32 s8, $0xFFFFF086  }
0x1c: {  	p1 =	slt.u32 s9, $0xF7A;
	s5 =	simm.s32 @!p2 $0x0  }
0x1d: {  	s5 =	simm.s32 @p1 $0x1;
	p0 =	seq.s32 s7, s2  }
0x1e: {  	s7 =	smul.u32 @!p0 $0xF7A, s2;
	p2 =	seq.s32 @!p0 s5, $0x0  }
0x1f: {  	s9 =	smul.u32 $0xF7A, s1;
	s8 =	simm.s32 @!p0 $0x1BF5;
	p2 =	por !p2, p0  }
0x20: {  	[sflag:s8] =	ssyncset.s32 @!p0 $0xFFFFF086;
	s6 =	sadd.s32 @!p0 s3, s7;
	s7 =	simm.s32 @!p0 $0x108  }
0x21: {  	s3 =	sadd.s32 s3, s9;
	s6 =	sadd.s32 @!p0 $0x88, s6;
	s7 =	simm.s32 @p2 $0x1082  }
0x22: {  	[simem:s7], [sflag:s8] =	dma.local @!p0 [hbm:s6], $0xF7A  }
0x23: {  	s9 =	sor.u32 $0xD0000000, s2;
	s6 =	simm.s32 $0x108;
	_ =	swait.ge @!p0 [sflag:s8], $0x0  }
0x24: {  	s3 =	sadd.s32 $0x88, s3;
	s6 =	simm.s32 @!p1 $0x1082;
	[sflag:s4] =	ssyncset.s32 $0xFFFFF086  }
0x25: {  	[simem:s6], [sflag:s4] =	dma.local [hbm:s3], $0xF7A  }
0x26: {  	[smem:$0x3F9C] =	sst s1;
	(tag) =	ssettag s2;
	_ =	strace s9  }
0x27: {  	s1 =	sld [smem:$0x3FAC]  }
0x28: {  	s2 =	sld [smem:$0x3FAD]  }
0x29: {  	s4 =	sld [smem:$0x3FAF]  }
0x2a: {  	p0 =	seq.s32 s5, $0x0;
	s5 =	sld [smem:$0x3FB0]  }
0x2b: {  	s6 =	sld [smem:$0x3FB1]  }
0x2c: {  	s7 =	sld [smem:$0x3FB2]  }
0x2d: {  	s3 =	simm.s32 $0x108;
	s8 =	sld [smem:$0x3FB3]  }
0x2e: {  	s3 =	simm.s32 @!p0 $0x1082;
	s9 =	sld [smem:$0x3FB4]  }
0x2f: {  	lr =	sadd.s32 s0, s3;
	s0 =	sld [smem:$0x3FAB]  }
0x30: {  	s3 =	sld [smem:$0x3FAE]  }
0x31: {  	[smem:$0x3FB7] =	sst s10  }
0x32: {  	s10 =	sld [smem:$0x3FB5];
	_ =	sdelay $0x3  }
0x33: {  	p0 =	seq.s32 s10, $0x1;
	s10 =	sld [smem:$0x3FB7];
	_ =	sdelay $0x3  }
0x34: {  	[smem:$0x3FB7] =	sst s10  }
0x35: {  	s10 =	sld [smem:$0x3FB6];
	_ =	sdelay $0x3  }
0x36: {  	p1 =	seq.s32 s10, $0x1;
	s10 =	sld [smem:$0x3FB7];
	_ =	sdelay $0x3  }
0x37: {  	[smem:$0x3FB7] =	sst s10  }
0x38: {  	s10 =	sld [smem:$0x3FB8]  }
0x39: {  	_ = 	snop;
	(pc) =	sbr.ind lr, $3  }
0x3a: {  	_ = 	snop  }
0x3b: {  	_ = 	snop  }
0x3c: {  	p2 =	seq.s32 s10, $0x1;
	s10 =	sld [smem:$0x3FB7]  }
0x3d: {  	_ =	shalt  }
0x3e: {  	_ =	shalt  }
0x3f: {  	_ =	shalt  }
0x40: {  	_ =	shalt  }
0x41: {  	_ =	shalt  }
0x42: {  	_ =	shalt  }
0x43: {  	_ =	shalt  }
0x44: {  	_ =	shalt  }
0x45: {  	_ =	shalt  }
0x46: {  	_ =	shalt  }
0x47: {  	_ =	shalt  }
0x48: {  	_ =	shalt  }
0x49: {  	_ =	shalt  }
0x4a: {  	_ =	shalt  }
0x4b: {  	_ =	shalt  }
0x4c: {  	_ =	shalt  }
0x4d: {  	_ =	shalt  }
0x4e: {  	_ =	shalt  }
0x4f: {  	_ =	shalt  }
0x50: {  	_ =	shalt  }
0x51: {  	_ =	shalt  }
0x52: {  	_ =	shalt  }
0x53: {  	_ =	shalt  }
0x54: {  	_ =	shalt  }
0x55: {  	_ =	shalt  }
0x56: {  	_ =	shalt  }
0x57: {  	_ =	shalt  }
0x58: {  	_ =	shalt  }
0x59: {  	_ =	shalt  }
0x5a: {  	_ =	shalt  }
0x5b: {  	_ =	shalt  }
0x5c: {  	_ =	shalt  }
0x5d: {  	_ =	shalt  }
0x5e: {  	_ =	shalt  }
0x5f: {  	_ =	shalt  }
0x60: {  	_ =	shalt  }
0x61: {  	_ =	shalt  }
0x62: {  	_ =	shalt  }
0x63: {  	_ =	shalt  }
0x64: {  	_ =	shalt  }
0x65: {  	_ =	shalt  }
0x66: {  	_ =	shalt  }
0x67: {  	_ =	shalt  }
0x68: {  	_ =	shalt  }
0x69: {  	_ =	shalt  }
0x6a: {  	_ =	shalt  }
0x6b: {  	_ =	shalt  }
0x6c: {  	_ =	shalt  }
0x6d: {  	_ =	shalt  }
0x6e: {  	_ =	shalt  }
0x6f: {  	_ =	shalt  }
0x70: {  	_ =	shalt  }
0x71: {  	_ =	shalt  }
0x72: {  	_ =	shalt  }
0x73: {  	_ =	shalt  }
0x74: {  	_ =	shalt  }
0x75: {  	_ =	shalt  }
0x76: {  	_ =	shalt  }
0x77: {  	_ =	shalt  }
0x78: {  	_ =	shalt  }
0x79: {  	_ =	shalt  }
0x7a: {  	_ =	shalt  }
0x7b: {  	_ =	shalt  }
0x7c: {  	_ =	shalt  }
0x7d: {  	_ =	shalt  }
0x7e: {  	_ =	shalt  }
0x7f: {  	_ =	shalt  }
0x80: {  	_ =	shalt  }
0x81: {  	_ =	shalt  }
0x82: {  	_ =	shalt  }
0x83: {  	_ =	shalt  }
0x84: {  	_ =	shalt  }
0x85: {  	_ =	shalt  }
0x86: {  	_ =	shalt  }
0x87: {  	_ =	shalt  }
.Lfunc_end0:
.L_simem_size_0:
called_computation_lowered:
.L_overlay_start_0:
0x88: {  	s0 =	sld [smem:$0x3FD9]  }
0x89: {  	s1 =	sld [smem:$0x3FFE];
	_ =	sdelay $0x3  }
0x8a: {  	s0 =	sadd.s32 s1, s0  }
0x8b: {  	[smem:$0x3FC3] =	sst s0  }
0x8c: {  	_ = 	snop  }
0x8d: {  	s0 =	sld [smem:$0x3FD0];
	_ =	sdelay $0x1  }
0x8e: {  	s13 =	sld [smem:$0x3FC7]  }
0x8f: {  	s3 =	simm.s32 $0xA;
	s4 =	simm.s32 $0x10;
	s2 =	sld [smem:$0x3FC6]  }
0x90: {  	[smem:s4], [sflag:s3] =	dma.local [hbm:s0], $0x1  }
0x91: {  	_ =	swait.eq [sflag:s3], $0x1  }
0x92: {  	s14 =	sld [smem:$0x10];
	[sflag:s3] =	ssyncset.done $0x0  }
0x93: {  	s15 =	sld [smem:$0x11];
	[sflag:s3] =	ssyncadd.s32 $0xFFFFFFFF  }
0x94: {  	s16 =	sld [smem:$0x12];
	(tm) =	ssettm $0x1  }
0x95: {  	s5 =	sld [smem:$0x3FFB];
	_ =	sdelay $0x3  }
0x96: {  	_ =	strace s5  }
0x97: {  	s5 =	sld [smem:$0x3FFC];
	_ =	sdelay $0x3  }
0x98: {  	_ =	strace s5  }
0x99: {  	s5 =	sld [smem:$0x3FFD];
	_ =	sdelay $0x3  }
0x9a: {  	_ =	strace s5  }
0x9b: {  	_ =	strace $0x8FFFFFFF  }
0x9c: {  	s17 =	sld [smem:$0x3FDB];
	_ =	sdelay $0x1  }
0x9d: {  	s6 =	simm.s32 $_scs_section_size  }
0x9e: {  	s7 =	simm.s32 $_size__tile_overlayer_lowered;
	s8 =	simm.s32 $_tile_overlayer_lowered  }
0x9f: {  	s20 =	simm.s32 $0x1BFF;
	s19 =	sshll.u32 s8, $0x1;
	s5 =	sadd.s32 s6, s17  }
0xa0: {  	s9 =	simm.s32 $0x0;
	s18 =	sshll.u32 s7, $0x1;
	s7 =	sadd.s32 s19, s5  }
0xa1: {  	[timem:s9], [sflag:s20] =	dma.local [hbm:s7], s18  }
0xa2: {  	_ =	swait.ge [sflag:s20], s18  }
0xa3: {  	s6 =	ssub.s32 $0x0, s18;
	[sflag:s20] =	ssyncset.done $0x0  }
0xa4: {  	[sflag:s20] =	ssyncadd.s32 s6;
	_ =	sdelay $0x1  }
0xa5: {  	s21 =	simm.s32 $0x1B8B  }
0xa6: {  	_ =	swait.ge [sflag:s21], $0x1  }
0xa7: {  	[sflag:s21] =	ssyncset.done $0x0  }
0xa8: {  	s23 =	simm.s32 $0x1B8E;
	s22 =	sld [smem:$0x3FFE];
	[sflag:s21] =	ssyncadd.s32 $0xFFFFFFFF  }
0xa9: {  	s24 =	simm.s32 $execute0_lowered;
	[smem:$0x3FD2] =	sst s23  }
0xaa: {  	s7 =	sshll.u32 s24, $0x1;
	_ =	strace $0x80000046;
	[dreg:$0x1] =	wrdreg $0xFFFFFFFF  }
0xab: {  	s25 =	simm.s32 $_size_execute0_lowered;
	s5 =	sadd.s32 s5, s7;
	[dreg:$0x0] =	wrdreg $0x0  }
0xac: {  	s7 =	sshll.u32 s25, $0x1;
	[dreg:$0x2] =	wrdreg s5  }
0xad: {  	[dreg:$0x3] =	wrdreg s7  }
0xae: {  	[dreg:$0x4] =	wrdreg $0xC0  }
0xaf: {  	_ =	task [dreg:s9], $0x5FFFF  }
0xb0: {  	[dreg:$0x1] =	wrdreg $0xFFFFFFFF  }
0xb1: {  	[dreg:$0x0] =	wrdreg $0x60  }
0xb2: {  	[dreg:$0x2] =	wrdreg s22  }
0xb3: {  	[dreg:$0x3] =	wrdreg s13  }
0xb4: {  	[dreg:$0x4] =	wrdreg s2  }
0xb5: {  	[dreg:$0x5] =	wrdreg s14  }
0xb6: {  	[dreg:$0x6] =	wrdreg s15  }
0xb7: {  	[dreg:$0x7] =	wrdreg s16  }
0xb8: {  	[dreg:$0x8] =	wrdreg $0xF1800  }
0xb9: {  	[dreg:$0x9] =	wrdreg $0xF1900  }
0xba: {  	[dreg:$0xa] =	wrdreg $0xF1980  }
0xbb: {  	[dreg:$0xb] =	wrdreg $0x9  }
0xbc: {  	_ =	task.clear_ibuf [dreg:s9], $0xCFFFF;
	_ =	strace $0x90000046  }
0xbd: {  	s26 =	simm.s32 $0x9;
	_ =	strace $0x80000048  }
0xbe: {  	_ =	swait.ge [sflag:s26], $0x1  }
0xbf: {  	[sflag:s26] =	ssyncadd.s32 $0xFFFFFFFF  }
0xc0: {  	_ =	strace $0x90000048  }
0xc1: {  	_ =	sfence  }
0xc2: {  	s28 =	sld [smem:$0x0];
	_ =	sdelay $0x1  }
0xc3: {  	s29 =	srdreg.scid  }
0xc4: {  	s30 =	sshll.u32 s29, $0xD;
	s31 =	sshrl.u32 s29, $0x2  }
0xc5: {  	s1 =	sand.u32 $0x1, s29;
	s2 =	sand.u32 $0x4000, s30;
	s0 =	sadd.s32 s31, s28  }
0xc6: {  	s1 =	sor.u32 s2, s1;
	s0 =	sshll.u32 s0, $0x11  }
0xc7: {  	s0 =	sor.u32 s0, s1  }
0xc8: {  	s0 =	sadd.s32 $0x8F2B, s0  }
0xc9: {  	[sflag:s0] =	ssyncadd.remote.s32 $0x1  }
0xca: {  	_ =	sfence.sel $0xFFFF  }
0xcb: {  	[dreg:$0x0] =	wrdreg $0xFFFFFFFF;
	(pc) =	sbr.abs _section_cstart, $3  }
0xcc: {  	[dreg:$0x1] =	wrdreg $0xFFFFFFFF  }
0xcd: {  	_ =	task.clear_ibuf [dreg:s9], $0x2FFFF;
	_ =	strace $0x9FFFFFFF  }
0xce: {  	(tm) =	ssettm $0x7FFFFFFF  }
0xcf: {  	_ =	shalt  }
tec
execute0_lowered:
.L_overlay_start_1:
0x0: {  	(tag) =	ssettag $0x1  }
0x1: {  	s2 =	rddreg [dreg:$0x0]  }
0x2: {  	s23 =	rddreg [dreg:$0x1]  }
0x3: {  	s4 =	rddreg [dreg:$0x2]  }
0x4: {  	s16 =	rddreg [dreg:$0x3]  }
0x5: {  	s15 =	rddreg [dreg:$0x4]  }
0x6: {  	s1 =	rddreg [dreg:$0x5]  }
0x7: {  	s3 =	rddreg [dreg:$0x6]  }
0x8: {  	s14 =	rddreg [dreg:$0x7]  }
0x9: {  	s6 =	rddreg [dreg:$0x8]  }
0xa: {  	s0 =	rddreg [dreg:$0x9];
	s5 =	simm.s32 $0x0  }
0xb: {  	[smem:$0x7FF] =	sst s5  }
0xc: {  	s11 =	simm.s32 $0x1;
	s2 =	sadd.s32 $0x800, s2;
	_ =	strace $0x80000047  }
0xd: {  	[tilespmem:s5], [sflag:$0x1] =	stream.linear.gather [hbm4b:s2+s5], $0x80, $0x38;
	[tilespmem:$0xF340] =	vst v63  }
0xe: {  	_ =	swait.ge [sflag:s11], $0x80  }
0xf: {  	[sflag:s11] =	ssyncset.done $0x0  }
0x10: {  	[sflag:s11] =	ssyncadd.s32 $0xFFFFFF80  }
0x11: {  	v0 =	vld [tilespmem:$0x0];
	_ =	sdelay $0x4  }
0x12: {  	(v2sf) =	vpush v0, $0x8  }
0x13: {  	(v2sf) =	vpush v0, $0x9;
	_ =	sdelay $0x8  }
0x14: {  	s2 =	stileid.u32  }
0x15: {  	p0 =	sne.s32 s2, $0x0  }
.Ltmp0:
0x16: {  	_ = 	snop;
	(pc) =	sbr.rel @p0 .LBB2_2-.Ltmp0, $4  }
0x17: {  	_ = 	snop  }
0x18: {  	s10 =	simm.s32 $0x16;
	s9 =	simm.s32 $0x186;
	s12 =	smul.u32 $0xC400, s2  }
0x19: {  	p1 =	seq.s32 s2, $0xF;
	s13 =	sshll.u32 s2, $0x7;
	s7 =	spop (v2sf)  }
0x1a: {  	s10 =	simm.s32 @!p1 $0x0;
	s12 =	simm.s32 @p1 $0xB7400;
	s8 =	spop (v2sf)  }
0x1b: {  	s17 =	sshrl.u32 s8, $0x13;
	s18 =	sshll.u32 s8, $0xD  }
0x1c: {  	s19 =	sadd.s32 s8, s7;
	s17 =	sor.u32 s17, s18  }
0x1d: {  	s17 =	sxor.u32 s19, s17  }
0x1e: {  	s29 =	sshrl.u32 s17, $0x11;
	s20 =	sshll.u32 s17, $0xF  }
0x1f: {  	s17 =	sadd.s32 s19, s17;
	s18 =	sor.u32 s29, s20  }
0x20: {  	s18 =	sxor.u32 s17, s18  }
0x21: {  	s30 =	sshrl.u32 s18, $0x6;
	s31 =	sshll.u32 s18, $0x1A  }
0x22: {  	s18 =	sadd.s32 s17, s18;
	s21 =	sor.u32 s30, s31  }
0x23: {  	s19 =	sxor.u32 s18, s21  }
0x24: {  	s22 =	sxor.u32 s7, s8;
	s24 =	sshrl.u32 s19, $0x1A;
	s21 =	sshll.u32 s19, $0x6  }
0x25: {  	s17 =	sxor.u32 $0x1BD11BDA, s22;
	s18 =	sadd.s32 s18, s19;
	s25 =	sor.u32 s24, s21  }
0x26: {  	s19 =	sxor.u32 s18, s25;
	s25 =	sadd.s32 $0x1, s17  }
0x27: {  	s19 =	sadd.s32 s19, s25  }
0x28: {  	s18 =	sadd.s32 s8, s18;
	s26 =	sshrl.u32 s19, $0xF;
	s28 =	sshll.u32 s19, $0x11  }
0x29: {  	s18 =	sadd.s32 s19, s18;
	s29 =	sor.u32 s26, s28  }
0x2a: {  	s19 =	sxor.u32 s18, s29  }
0x2b: {  	s30 =	sshrl.u32 s19, $0x3;
	s31 =	sshll.u32 s19, $0x1D  }
0x2c: {  	s18 =	sadd.s32 s18, s19;
	s20 =	sor.u32 s30, s31  }
0x2d: {  	s19 =	sxor.u32 s18, s20  }
0x2e: {  	s21 =	sshrl.u32 s19, $0x10;
	s22 =	sshll.u32 s19, $0x10  }
0x2f: {  	s18 =	sadd.s32 s18, s19;
	s24 =	sor.u32 s21, s22  }
0x30: {  	s19 =	sxor.u32 s18, s24  }
0x31: {  	s26 =	sshrl.u32 s19, $0x8;
	s28 =	sshll.u32 s19, $0x18  }
0x32: {  	s18 =	sadd.s32 s18, s19;
	s29 =	sor.u32 s26, s28  }
0x33: {  	s24 =	sadd.s32 $0x2, s7;
	s19 =	sxor.u32 s18, s29  }
0x34: {  	s19 =	sadd.s32 s19, s24  }
0x35: {  	s18 =	sadd.s32 s17, s18;
	s30 =	sshrl.u32 s19, $0x13;
	s31 =	sshll.u32 s19, $0xD  }
0x36: {  	s18 =	sadd.s32 s19, s18;
	s22 =	sor.u32 s30, s31  }
0x37: {  	s19 =	sxor.u32 s18, s22  }
0x38: {  	s26 =	sshrl.u32 s19, $0x11;
	s28 =	sshll.u32 s19, $0xF  }
0x39: {  	s18 =	sadd.s32 s18, s19;
	s29 =	sor.u32 s26, s28  }
0x3a: {  	s19 =	sxor.u32 s18, s29  }
0x3b: {  	s30 =	sshrl.u32 s19, $0x6;
	s31 =	sshll.u32 s19, $0x1A  }
0x3c: {  	s18 =	sadd.s32 s18, s19;
	s22 =	sor.u32 s30, s31  }
0x3d: {  	s19 =	sxor.u32 s18, s22  }
0x3e: {  	s26 =	sshrl.u32 s19, $0x1A;
	s28 =	sshll.u32 s19, $0x6  }
0x3f: {  	s18 =	sadd.s32 s18, s19;
	s29 =	sor.u32 s26, s28  }
0x40: {  	s22 =	sadd.s32 $0x3, s8;
	s19 =	sxor.u32 s18, s29  }
0x41: {  	s19 =	sadd.s32 s19, s22  }
0x42: {  	s18 =	sadd.s32 s7, s18;
	s30 =	sshrl.u32 s19, $0xF;
	s31 =	sshll.u32 s19, $0x11  }
0x43: {  	s18 =	sadd.s32 s19, s18;
	s21 =	sor.u32 s30, s31  }
0x44: {  	s19 =	sxor.u32 s18, s21  }
0x45: {  	s26 =	sshrl.u32 s19, $0x3;
	s28 =	sshll.u32 s19, $0x1D  }
0x46: {  	s18 =	sadd.s32 s18, s19;
	s29 =	sor.u32 s26, s28  }
0x47: {  	s19 =	sxor.u32 s18, s29  }
0x48: {  	s30 =	sshrl.u32 s19, $0x10;
	s31 =	sshll.u32 s19, $0x10  }
0x49: {  	s18 =	sadd.s32 s18, s19;
	s26 =	sor.u32 s30, s31  }
0x4a: {  	s19 =	sxor.u32 s18, s26  }
0x4b: {  	s28 =	sshrl.u32 s19, $0x8;
	s29 =	sshll.u32 s19, $0x18  }
0x4c: {  	s18 =	sadd.s32 s18, s19;
	s30 =	sor.u32 s28, s29  }
0x4d: {  	s21 =	sadd.s32 $0x4, s17;
	s19 =	sxor.u32 s18, s30  }
0x4e: {  	s19 =	sadd.s32 s19, s21  }
0x4f: {  	s18 =	sadd.s32 s8, s18;
	s31 =	sshrl.u32 s19, $0x13;
	s26 =	sshll.u32 s19, $0xD  }
0x50: {  	s18 =	sadd.s32 s19, s18;
	s20 =	sor.u32 s31, s26  }
0x51: {  	v0 =	vld [tilespmem:$0x0];
	s19 =	sxor.u32 s18, s20  }
0x52: {  	s26 =	sshrl.u32 s19, $0x11;
	s28 =	sshll.u32 s19, $0xF  }
0x53: {  	s18 =	sadd.s32 s18, s19;
	s29 =	sor.u32 s26, s28  }
0x54: {  	s19 =	sxor.u32 s18, s29  }
0x55: {  	vm0 =	vmmov $0xff;
	s30 =	sshrl.u32 s19, $0x6;
	s31 =	sshll.u32 s19, $0x1A  }
0x56: {  	v0 =	vnsel vm0, $0xFF800000, v0;
	s18 =	sadd.s32 s18, s19;
	s20 =	sor.u32 s30, s31  }
0x57: {  	(xrf0) =	vmax.scan.msk.f32 $0xffff, v0;
	s19 =	sxor.u32 s18, s20  }
0x58: {  	s26 =	sshrl.u32 s19, $0x1A;
	s28 =	sshll.u32 s19, $0x6  }
0x59: {  	s18 =	sadd.s32 s18, s19;
	s29 =	sor.u32 s26, s28  }
0x5a: {  	s20 =	sadd.s32 $0x5, s7;
	s19 =	sxor.u32 s18, s29  }
0x5b: {  	s19 =	sadd.s32 s19, s20  }
0x5c: {  	s18 =	sadd.s32 s17, s18;
	s30 =	sshrl.u32 s19, $0x13;
	s28 =	sshll.u32 s19, $0xD  }
0x5d: {  	v1, _, _ =	vpop (xrf0);
	s29 =	sadd.s32 s18, s19;
	s26 =	sor.u32 s30, s28  }
0x5e: {  	v1 =	vbroadcast v1, $0xF;
	s26 =	sxor.u32 s29, s26  }
0x5f: {  	s31 =	sshrl.u32 s26, $0x11;
	s30 =	sshll.u32 s26, $0xF  }
0x60: {  	v0 =	vsub.f32 v0, v1;
	s26 =	sadd.s32 s29, s26;
	s28 =	sor.u32 s31, s30  }
0x61: {  	s28 =	sxor.u32 s26, s28  }
0x62: {  	v0 =	vmul.f32 $1.442695020e+00, v0;
	s29 =	sshrl.u32 s28, $0x6;
	s31 =	sshll.u32 s28, $0x1A  }
0x63: {  	s26 =	sadd.s32 s26, s28;
	s30 =	sor.u32 s29, s31  }
0x64: {  	(erf) = vpow2.f32 v0;
	s28 =	sxor.u32 s26, s30  }
0x65: {  	s29 =	sshrl.u32 s28, $0x1A;
	s30 =	sshll.u32 s28, $0x6  }
0x66: {  	s31 =	sxor.u32 s19, s18;
	s28 =	sadd.s32 s26, s28;
	s29 =	sor.u32 s29, s30  }
0x67: {  	s26 =	sxor.u32 $0x1BD11BDA, s31;
	s29 =	sxor.u32 s28, s29  }
0x68: {  	s29 =	sadd.s32 s29, s26  }
0x69: {  	s29 =	sadd.s32 $0x1, s29  }
0x6a: {  	s28 =	sadd.s32 s19, s28;
	s30 =	sshrl.u32 s29, $0xF;
	s31 =	sshll.u32 s29, $0x11  }
0x6b: {  	s28 =	sadd.s32 s29, s28;
	s31 =	sor.u32 s30, s31  }
0x6c: {  	s29 =	sxor.u32 s28, s31  }
0x6d: {  	v0 =	vpop (erf);
	s30 =	sshrl.u32 s29, $0x3;
	s31 =	sshll.u32 s29, $0x1D  }
0x6e: {  	(xrf2) =	vadd.scan.msk.f32 $0xffff, v0;
	s28 =	sadd.s32 s28, s29;
	s30 =	sor.u32 s30, s31  }
0x6f: {  	s29 =	sxor.u32 s28, s30  }
0x70: {  	s30 =	sshrl.u32 s29, $0x10;
	s31 =	sshll.u32 s29, $0x10  }
0x71: {  	s28 =	sadd.s32 s28, s29;
	s31 =	sor.u32 s30, s31  }
0x72: {  	s29 =	sxor.u32 s28, s31  }
0x73: {  	s30 =	sshrl.u32 s29, $0x8;
	s31 =	sshll.u32 s29, $0x18  }
0x74: {  	s28 =	sadd.s32 s28, s29;
	s30 =	sor.u32 s30, s31  }
0x75: {  	s29 =	sxor.u32 s28, s30  }
0x76: {  	s29 =	sadd.s32 s29, s18  }
0x77: {  	s29 =	sadd.s32 $0x2, s29  }
0x78: {  	v29, _, _ =	vpop (xrf2);
	s28 =	sadd.s32 s26, s28;
	s30 =	sshrl.u32 s29, $0x13;
	s31 =	sshll.u32 s29, $0xD  }
0x79: {  	v1 =	vbroadcast v29, $0xF;
	s28 =	sadd.s32 s29, s28;
	s31 =	sor.u32 s30, s31  }
0x7a: {  	s29 =	sxor.u32 s28, s31  }
0x7b: {  	(erf) = vrcp.f32 v1;
	s30 =	sshrl.u32 s29, $0x11;
	s31 =	sshll.u32 s29, $0xF  }
0x7c: {  	s28 =	sadd.s32 s28, s29;
	s30 =	sor.u32 s30, s31  }
0x7d: {  	s29 =	sxor.u32 s28, s30  }
0x7e: {  	s30 =	sshrl.u32 s29, $0x6;
	s31 =	sshll.u32 s29, $0x1A  }
0x7f: {  	s28 =	sadd.s32 s28, s29;
	s31 =	sor.u32 s30, s31  }
0x80: {  	s29 =	sxor.u32 s28, s31  }
0x81: {  	s30 =	sshrl.u32 s29, $0x1A;
	s31 =	sshll.u32 s29, $0x6  }
0x82: {  	s28 =	sadd.s32 s28, s29;
	s30 =	sor.u32 s30, s31  }
0x83: {  	s29 =	sxor.u32 s28, s30  }
0x84: {  	v1 =	vpop (erf);
	s29 =	sadd.s32 s29, s19  }
0x85: {  	v0 =	vmul.f32 v1, v0;
	s29 =	sadd.s32 $0x3, s29  }
0x86: {  	s28 =	sadd.s32 s18, s28;
	s30 =	sshrl.u32 s29, $0xF;
	s31 =	sshll.u32 s29, $0x11  }
0x87: {  	(xrf2) =	vadd.scan.msk.f32 $0xffff, v0;
	s28 =	sadd.s32 s29, s28;
	s31 =	sor.u32 s30, s31  }
0x88: {  	s29 =	sxor.u32 s28, s31  }
0x89: {  	s30 =	sshrl.u32 s29, $0x3;
	s31 =	sshll.u32 s29, $0x1D  }
0x8a: {  	s28 =	sadd.s32 s28, s29;
	s30 =	sor.u32 s30, s31  }
0x8b: {  	s29 =	sxor.u32 s28, s30  }
0x8c: {  	s30 =	sshrl.u32 s29, $0x10;
	s31 =	sshll.u32 s29, $0x10  }
0x8d: {  	s28 =	sadd.s32 s28, s29;
	s31 =	sor.u32 s30, s31  }
0x8e: {  	s29 =	sxor.u32 s28, s31  }
0x8f: {  	s30 =	sshrl.u32 s29, $0x8;
	s31 =	sshll.u32 s29, $0x18  }
0x90: {  	s28 =	sadd.s32 s28, s29;
	s30 =	sor.u32 s30, s31  }
0x91: {  	v0, _, _ =	vpop (xrf2);
	s29 =	sxor.u32 s28, s30  }
0x92: {  	(xrf0) =	vmax.scan.msk.f32 $0xffff, v0;
	s29 =	sadd.s32 s29, s26  }
0x93: {  	s29 =	sadd.s32 $0x4, s29  }
0x94: {  	s19 =	sadd.s32 s19, s28;
	s28 =	sshrl.u32 s29, $0x13;
	s31 =	sshll.u32 s29, $0xD  }
0x95: {  	s19 =	sadd.s32 s29, s19;
	s28 =	sor.u32 s28, s31  }
0x96: {  	s28 =	sxor.u32 s19, s28  }
0x97: {  	s29 =	sshrl.u32 s28, $0x11;
	s31 =	sshll.u32 s28, $0xF  }
0x98: {  	v30, _, _ =	vpop (xrf0);
	s19 =	sadd.s32 s19, s28;
	s30 =	sor.u32 s29, s31  }
0x99: {  	(v2sf) =	vpush v30, $0xF;
	s28 =	sxor.u32 s19, s30  }
0x9a: {  	s29 =	sshrl.u32 s28, $0x6;
	s31 =	sshll.u32 s28, $0x1A  }
0x9b: {  	s19 =	sadd.s32 s19, s28;
	s30 =	sor.u32 s29, s31  }
0x9c: {  	s28 =	sxor.u32 s19, s30  }
0x9d: {  	s29 =	sshrl.u32 s28, $0x1A;
	s31 =	sshll.u32 s28, $0x6  }
0x9e: {  	s19 =	sadd.s32 s19, s28;
	s31 =	sor.u32 s29, s31  }
0x9f: {  	s28 =	sxor.u32 s19, s31  }
0xa0: {  	s18 =	sadd.s32 s28, s18  }
0xa1: {  	s19 =	sadd.s32 s26, s19;
	s18 =	sadd.s32 $0x5, s18  }
0xa2: {  	s18 =	sxor.u32 s19, s18  }
0xa3: {  	s18 =	sshrl.u32 s18, $0x9  }
0xa4: {  	s18 =	sor.u32 $0x3F800000, s18  }
0xa5: {  	s18 =	sadd.f32 $-1.000000000e+00, s18;
	_ =	sdelay $0x1  }
0xa6: {  	s18 =	ssub.f32 $1.000000000e+00, s18  }
0xa7: {  	s28 =	spop (v2sf)  }
0xa8: {  	s18 =	smul.f32 s28, s18;
	_ =	sdelay $0x1  }
0xa9: {  	v31 =	vimm.s32 $0x0;
	vm9 =	vlt.f32 v0, s18  }
0xaa: {  	v0 =	vsel vm9, $0x1, v31  }
0xab: {  	(xrf0) =	vadd.scan.msk.s32 $0xffff, v0;
	_ =	sdelay $0x5  }
0xac: {  	v0, _, _ =	vpop (xrf0)  }
0xad: {  	(v2sf) =	vpush v0, $0xF;
	_ =	sdelay $0xe  }
0xae: {  	s19 =	spop (v2sf)  }
0xaf: {  	p2 =	slt.s32 s19, $0x7  }
0xb0: {  	v2 =	vld [tilespmem:$0x10];
	s19 =	simm.s32 @!p2 $0x7  }
0xb1: {  	v32 =	vmov s19;
	_ =	sdelay $0x3  }
0xb2: {  	[tilespmem:$0x80] =	vst v2;
	s18 =	simm.s32 $0x80  }
0xb3: {  	v2 =	vld.idx.msk [tilespmem:v32+s18+$0x0], $0xffff;
	_ =	sdelay $0x4  }
0xb4: {  	(v2sf) =	vpush v2, $0x0;
	_ =	sdelay $0xa  }
0xb5: {  	s29 =	sshll.u32 s19, $0xA  }
0xb6: {  	s26 =	sand.u32 $0x1FFFFC00, s29  }
0xb7: {  	s31 =	simm.s32 $0x100;
	s23 =	sadd.s32 s23, s26  }
0xb8: {  	[tilespmem:s31], [sflag:$0x1] =	stream.linear.gather [hbm4b:s23+s5], $0x2000, $0x38;
	[tilespmem:$0xF340] =	vst v63  }
0xb9: {  	s30 =	spop (v2sf)  }
0xba: {  	_ =	swait.ge [sflag:s11], $0x2000  }
0xbb: {  	s29 =	sshll.u32 s30, $0x9;
	[sflag:s11] =	ssyncset.done $0x0  }
0xbc: {  	s23 =	sshra.s32 s29, $0x2;
	[sflag:s11] =	ssyncadd.s32 $0xFFFFE000  }
0xbd: {  	v33 =	vld [tilespmem:s23+$0x100]  }
0xbe: {  	v3 =	vld [tilespmem:s23+$0x110]  }
0xbf: {  	v4 =	vld [tilespmem:s23+$0x120]  }
0xc0: {  	v5 =	vld [tilespmem:s23+$0x130];
	_ =	sdelay $0x3  }
0xc1: {  	s30 =	sadd.s32 $0x1, s8  }
0xc2: {  	s31 =	sshrl.u32 s30, $0x13;
	s29 =	sshll.u32 s30, $0xD;
	v6 =	vmax.f32 v33, v3;
	v7 =	vmax.f32 v4, v5  }
0xc3: {  	s26 =	sor.u32 s31, s29;
	s23 =	sadd.s32 s7, s30;
	v6 =	vmax.f32 v6, v7  }
0xc4: {  	s26 =	sxor.u32 s23, s26;
	(xrf0) =	vmax.scan.msk.f32 $0xffff, v6  }
0xc5: {  	s30 =	sshrl.u32 s26, $0x11;
	s31 =	sshll.u32 s26, $0xF  }
0xc6: {  	s23 =	sadd.s32 s23, s26;
	s29 =	sor.u32 s30, s31  }
0xc7: {  	s26 =	sxor.u32 s23, s29  }
0xc8: {  	s30 =	sshrl.u32 s26, $0x6;
	s31 =	sshll.u32 s26, $0x1A  }
0xc9: {  	s23 =	sadd.s32 s23, s26;
	s29 =	sor.u32 s30, s31  }
0xca: {  	s26 =	sxor.u32 s23, s29;
	v6, _, _ =	vpop (xrf0)  }
0xcb: {  	s30 =	sshrl.u32 s26, $0x1A;
	s31 =	sshll.u32 s26, $0x6;
	v6 =	vbroadcast v6, $0xF  }
0xcc: {  	s23 =	sadd.s32 s23, s26;
	s28 =	sor.u32 s30, s31  }
0xcd: {  	s26 =	sxor.u32 s23, s28;
	v2 =	vsub.f32 v33, v6  }
0xce: {  	s25 =	sadd.s32 s26, s25  }
0xcf: {  	s23 =	sadd.s32 s8, s23;
	s26 =	sshrl.u32 s25, $0xF;
	s29 =	sshll.u32 s25, $0x11;
	v3 =	vsub.f32 v3, v6;
	v2 =	vmul.f32 $1.442695020e+00, v2  }
0xd0: {  	s23 =	sadd.s32 s25, s23;
	s30 =	sor.u32 s26, s29  }
0xd1: {  	s25 =	sxor.u32 s23, s30;
	v35 =	vsub.f32 v4, v6;
	v34 =	vmul.f32 $1.442695020e+00, v3;
	(erf) = vpow2.f32 v2  }
0xd2: {  	s31 =	sshrl.u32 s25, $0x3;
	s29 =	sshll.u32 s25, $0x1D  }
0xd3: {  	s23 =	sadd.s32 s23, s25;
	v37 =	vsub.f32 v5, v6;
	s30 =	sor.u32 s31, s29;
	v36 =	vmul.f32 $1.442695020e+00, v35;
	(erf) = vpow2.f32 v34  }
0xd4: {  	s25 =	sxor.u32 s23, s30  }
0xd5: {  	v38 =	vmul.f32 $1.442695020e+00, v37;
	s31 =	sshrl.u32 s25, $0x10;
	s29 =	sshll.u32 s25, $0x10;
	(erf) = vpow2.f32 v36  }
0xd6: {  	s23 =	sadd.s32 s23, s25;
	s30 =	sor.u32 s31, s29  }
0xd7: {  	s25 =	sxor.u32 s23, s30;
	(erf) = vpow2.f32 v38  }
0xd8: {  	s31 =	sshrl.u32 s25, $0x8;
	s29 =	sshll.u32 s25, $0x18  }
0xd9: {  	s23 =	sadd.s32 s23, s25;
	s30 =	sor.u32 s31, s29  }
0xda: {  	s25 =	sxor.u32 s23, s30;
	v39 =	vpop (erf)  }
0xdb: {  	s24 =	sadd.s32 s25, s24;
	(xrf2) =	vadd.scan.msk.f32 $0xffff, v39  }
0xdc: {  	s23 =	sadd.s32 s17, s23;
	s25 =	sshrl.u32 s24, $0x13;
	s31 =	sshll.u32 s24, $0xD;
	v40 =	vpop (erf)  }
0xdd: {  	s23 =	sadd.s32 s24, s23;
	s25 =	sor.u32 s25, s31;
	(xrf2) =	vadd.scan.msk.f32 $0xffff, v40  }
0xde: {  	s24 =	sxor.u32 s23, s25;
	v41 =	vpop (erf)  }
0xdf: {  	s26 =	sshrl.u32 s24, $0x11;
	s28 =	sshll.u32 s24, $0xF;
	(xrf2) =	vadd.scan.msk.f32 $0xffff, v41  }
0xe0: {  	s23 =	sadd.s32 s23, s24;
	s29 =	sor.u32 s26, s28;
	v2 =	vpop (erf)  }
0xe1: {  	s24 =	sxor.u32 s23, s29;
	(xrf2) =	vadd.scan.msk.f32 $0xffff, v2  }
0xe2: {  	s30 =	sshrl.u32 s24, $0x6;
	s31 =	sshll.u32 s24, $0x1A  }
0xe3: {  	s23 =	sadd.s32 s23, s24;
	s26 =	sor.u32 s30, s31  }
0xe4: {  	s24 =	sxor.u32 s23, s26  }
0xe5: {  	s28 =	sshrl.u32 s24, $0x1A;
	s29 =	sshll.u32 s24, $0x6;
	v42, _, _ =	vpop (xrf2)  }
0xe6: {  	s23 =	sadd.s32 s23, s24;
	s30 =	sor.u32 s28, s29;
	(v2sf) =	vpush v42, $0xF  }
0xe7: {  	s24 =	sxor.u32 s23, s30;
	v43, _, _ =	vpop (xrf2)  }
0xe8: {  	s22 =	sadd.s32 s24, s22;
	(v2sf) =	vpush v43, $0xF  }
0xe9: {  	s23 =	sadd.s32 s7, s23;
	s24 =	sshrl.u32 s22, $0xF;
	s31 =	sshll.u32 s22, $0x11;
	v44, _, _ =	vpop (xrf2)  }
0xea: {  	s22 =	sadd.s32 s22, s23;
	s25 =	sor.u32 s24, s31;
	(v2sf) =	vpush v44, $0xF  }
0xeb: {  	s23 =	sxor.u32 s22, s25;
	v45, _, _ =	vpop (xrf2)  }
0xec: {  	s26 =	sshrl.u32 s23, $0x3;
	s28 =	sshll.u32 s23, $0x1D;
	(v2sf) =	vpush v45, $0xF  }
0xed: {  	s22 =	sadd.s32 s22, s23;
	s29 =	sor.u32 s26, s28  }
0xee: {  	s23 =	sxor.u32 s22, s29  }
0xef: {  	s30 =	sshrl.u32 s23, $0x10;
	s31 =	sshll.u32 s23, $0x10  }
0xf0: {  	s22 =	sadd.s32 s22, s23;
	s24 =	sor.u32 s30, s31  }
0xf1: {  	s23 =	sxor.u32 s22, s24  }
0xf2: {  	s25 =	sshrl.u32 s23, $0x8;
	s26 =	sshll.u32 s23, $0x18  }
0xf3: {  	s22 =	sadd.s32 s22, s23;
	s28 =	sor.u32 s25, s26  }
0xf4: {  	s23 =	sxor.u32 s22, s28  }
0xf5: {  	s22 =	sadd.s32 s8, s22;
	s21 =	sadd.s32 s23, s21;
	s29 =	spop (v2sf)  }
0xf6: {  	s23 =	sshrl.u32 s21, $0x13;
	s30 =	sshll.u32 s21, $0xD;
	s24 =	sadd.f32 $0.0e+00, s29  }
0xf7: {  	s21 =	sadd.s32 s21, s22;
	s25 =	sor.u32 s23, s30;
	s31 =	spop (v2sf)  }
0xf8: {  	s22 =	sxor.u32 s21, s25;
	s28 =	sadd.f32 s24, s31  }
0xf9: {  	s30 =	sshrl.u32 s22, $0x11;
	s29 =	spop (v2sf);
	s31 =	sshll.u32 s22, $0xF  }
0xfa: {  	s21 =	sadd.s32 s21, s22;
	s26 =	sor.u32 s30, s31;
	s23 =	sadd.f32 s28, s29  }
0xfb: {  	s28 =	spop (v2sf);
	s22 =	sxor.u32 s21, s26  }
0xfc: {  	s29 =	sshrl.u32 s22, $0x6;
	s30 =	sshll.u32 s22, $0x1A;
	s23 =	sadd.f32 s23, s28  }
0xfd: {  	s21 =	sadd.s32 s21, s22;
	s31 =	sor.u32 s29, s30  }
0xfe: {  	s22 =	sxor.u32 s21, s31;
	v46 =	vmov s23  }
0xff: {  	s24 =	sshrl.u32 s22, $0x1A;
	s25 =	sshll.u32 s22, $0x6;
	(erf) = vrcp.f32 v46  }
0x100: {  	s21 =	sadd.s32 s21, s22;
	s26 =	sor.u32 s24, s25  }
0x101: {  	s22 =	sxor.u32 s21, s26  }
0x102: {  	s20 =	sadd.s32 s22, s20  }
0x103: {  	s17 =	sadd.s32 s17, s21;
	s28 =	sshrl.u32 s20, $0x13;
	s22 =	sshll.u32 s20, $0xD  }
0x104: {  	s29 =	sadd.s32 s17, s20;
	s21 =	sor.u32 s28, s22  }
0x105: {  	s21 =	sxor.u32 s29, s21  }
0x106: {  	s30 =	sshrl.u32 s21, $0x11;
	s31 =	sshll.u32 s21, $0xF  }
0x107: {  	s21 =	sadd.s32 s29, s21;
	s22 =	sor.u32 s30, s31  }
0x108: {  	s22 =	sxor.u32 s21, s22;
	v6 =	vpop (erf)  }
0x109: {  	s25 =	sshrl.u32 s22, $0x6;
	s26 =	sshll.u32 s22, $0x1A;
	v4 =	vmul.f32 v6, v39  }
0x10a: {  	s21 =	sadd.s32 s21, s22;
	s28 =	sor.u32 s25, s26  }
0x10b: {  	s22 =	sxor.u32 s21, s28;
	(xrf2) =	vadd.scan.msk.f32 $0xffff, v4  }
0x10c: {  	s29 =	sshrl.u32 s22, $0x1A;
	s30 =	sshll.u32 s22, $0x6  }
0x10d: {  	s31 =	sxor.u32 s20, s17;
	s22 =	sadd.s32 s21, s22;
	s23 =	sor.u32 s29, s30  }
0x10e: {  	s21 =	sxor.u32 $0x1BD11BDA, s31;
	s23 =	sxor.u32 s22, s23  }
0x10f: {  	s23 =	sadd.s32 s23, s21  }
0x110: {  	s23 =	sadd.s32 $0x1, s23  }
0x111: {  	s22 =	sadd.s32 s20, s22;
	s26 =	sshrl.u32 s23, $0xF;
	s28 =	sshll.u32 s23, $0x11  }
0x112: {  	s22 =	sadd.s32 s23, s22;
	s29 =	sor.u32 s26, s28  }
0x113: {  	s23 =	sxor.u32 s22, s29  }
0x114: {  	v47 =	vmul.f32 v6, v40;
	s30 =	sshrl.u32 s23, $0x3;
	s31 =	sshll.u32 s23, $0x1D  }
0x115: {  	s22 =	sadd.s32 s22, s23;
	s25 =	sor.u32 s30, s31;
	v48, _, _ =	vpop (xrf2)  }
0x116: {  	(xrf2) =	vadd.scan.msk.f32 $0xffff, v47;
	s23 =	sxor.u32 s22, s25;
	v49 =	vadd.f32 $0.0e+00, v48  }
0x117: {  	s26 =	sshrl.u32 s23, $0x10;
	s28 =	sshll.u32 s23, $0x10  }
0x118: {  	s22 =	sadd.s32 s22, s23;
	s29 =	sor.u32 s26, s28;
	(xrf0) =	vmax.scan.msk.f32 $0xffff, v49  }
0x119: {  	s23 =	sxor.u32 s22, s29  }
0x11a: {  	s30 =	sshrl.u32 s23, $0x8;
	s31 =	sshll.u32 s23, $0x18  }
0x11b: {  	s22 =	sadd.s32 s22, s23;
	s25 =	sor.u32 s30, s31  }
0x11c: {  	s23 =	sxor.u32 s22, s25  }
0x11d: {  	s23 =	sadd.s32 s23, s17  }
0x11e: {  	s23 =	sadd.s32 $0x2, s23;
	v50, _, _ =	vpop (xrf0)  }
0x11f: {  	v3 =	vmul.f32 v6, v41;
	s22 =	sadd.s32 s21, s22;
	s26 =	sshrl.u32 s23, $0x13;
	s28 =	sshll.u32 s23, $0xD;
	v4 =	vbroadcast v50, $0xF  }
0x120: {  	s22 =	sadd.s32 s23, s22;
	v51, _, _ =	vpop (xrf2);
	s29 =	sor.u32 s26, s28  }
0x121: {  	(xrf2) =	vadd.scan.msk.f32 $0xffff, v3;
	s23 =	sxor.u32 s22, s29;
	v4 =	vadd.f32 v4, v51  }
0x122: {  	s30 =	sshrl.u32 s23, $0x11;
	s31 =	sshll.u32 s23, $0xF  }
0x123: {  	s22 =	sadd.s32 s22, s23;
	s25 =	sor.u32 s30, s31;
	(xrf0) =	vmax.scan.msk.f32 $0xffff, v4  }
0x124: {  	s23 =	sxor.u32 s22, s25  }
0x125: {  	s26 =	sshrl.u32 s23, $0x6;
	s28 =	sshll.u32 s23, $0x1A  }
0x126: {  	s22 =	sadd.s32 s22, s23;
	s29 =	sor.u32 s26, s28  }
0x127: {  	s23 =	sxor.u32 s22, s29  }
0x128: {  	s30 =	sshrl.u32 s23, $0x1A;
	s31 =	sshll.u32 s23, $0x6  }
0x129: {  	s22 =	sadd.s32 s22, s23;
	s25 =	sor.u32 s30, s31;
	v52, _, _ =	vpop (xrf0)  }
0x12a: {  	v2 =	vmul.f32 v6, v2;
	s23 =	sxor.u32 s22, s25;
	v3 =	vbroadcast v52, $0xF  }
0x12b: {  	v53, _, _ =	vpop (xrf2);
	s23 =	sadd.s32 s23, s20  }
0x12c: {  	(xrf2) =	vadd.scan.msk.f32 $0xffff, v2;
	s23 =	sadd.s32 $0x3, s23;
	v3 =	vadd.f32 v3, v53  }
0x12d: {  	s22 =	sadd.s32 s17, s22;
	s26 =	sshrl.u32 s23, $0xF;
	s28 =	sshll.u32 s23, $0x11  }
0x12e: {  	s22 =	sadd.s32 s23, s22;
	s29 =	sor.u32 s26, s28;
	(xrf0) =	vmax.scan.msk.f32 $0xffff, v3  }
0x12f: {  	s23 =	sxor.u32 s22, s29  }
0x130: {  	s30 =	sshrl.u32 s23, $0x3;
	s31 =	sshll.u32 s23, $0x1D  }
0x131: {  	s22 =	sadd.s32 s22, s23;
	s25 =	sor.u32 s30, s31  }
0x132: {  	s23 =	sxor.u32 s22, s25  }
0x133: {  	s26 =	sshrl.u32 s23, $0x10;
	s28 =	sshll.u32 s23, $0x10  }
0x134: {  	s22 =	sadd.s32 s22, s23;
	s29 =	sor.u32 s26, s28;
	v54, _, _ =	vpop (xrf0)  }
0x135: {  	s23 =	sxor.u32 s22, s29;
	v2 =	vbroadcast v54, $0xF  }
0x136: {  	v55, _, _ =	vpop (xrf2);
	s30 =	sshrl.u32 s23, $0x8;
	s31 =	sshll.u32 s23, $0x18  }
0x137: {  	s22 =	sadd.s32 s22, s23;
	s26 =	sor.u32 s30, s31;
	v2 =	vadd.f32 v2, v55  }
0x138: {  	s23 =	sxor.u32 s22, s26  }
0x139: {  	s23 =	sadd.s32 s23, s21;
	(xrf0) =	vmax.scan.msk.f32 $0xffff, v2  }
0x13a: {  	s23 =	sadd.s32 $0x4, s23  }
0x13b: {  	s20 =	sadd.s32 s20, s22;
	s28 =	sshrl.u32 s23, $0x13;
	s29 =	sshll.u32 s23, $0xD  }
0x13c: {  	s20 =	sadd.s32 s23, s20;
	s22 =	sor.u32 s28, s29  }
0x13d: {  	s22 =	sxor.u32 s20, s22  }
0x13e: {  	s30 =	sshrl.u32 s22, $0x11;
	s31 =	sshll.u32 s22, $0xF  }
0x13f: {  	s20 =	sadd.s32 s20, s22;
	s25 =	sor.u32 s30, s31;
	v56, _, _ =	vpop (xrf0)  }
0x140: {  	s22 =	sxor.u32 s20, s25;
	(v2sf) =	vpush v56, $0xF  }
0x141: {  	s26 =	sshrl.u32 s22, $0x6;
	s28 =	sshll.u32 s22, $0x1A  }
0x142: {  	s20 =	sadd.s32 s20, s22;
	s29 =	sor.u32 s26, s28  }
0x143: {  	s22 =	sxor.u32 s20, s29  }
0x144: {  	s30 =	sshrl.u32 s22, $0x1A;
	s31 =	sshll.u32 s22, $0x6  }
0x145: {  	s20 =	sadd.s32 s20, s22;
	s24 =	sor.u32 s30, s31  }
0x146: {  	s22 =	sxor.u32 s20, s24  }
0x147: {  	s17 =	sadd.s32 s22, s17  }
0x148: {  	s20 =	sadd.s32 s21, s20;
	s17 =	sadd.s32 $0x5, s17  }
0x149: {  	s17 =	sxor.u32 s20, s17  }
0x14a: {  	s17 =	sshrl.u32 s17, $0x9  }
0x14b: {  	s17 =	sor.u32 $0x3F800000, s17  }
0x14c: {  	s17 =	sadd.f32 $-1.000000000e+00, s17;
	_ =	sdelay $0x1  }
0x14d: {  	s17 =	ssub.f32 $1.000000000e+00, s17  }
0x14e: {  	s25 =	spop (v2sf)  }
0x14f: {  	s17 =	smul.f32 s25, s17;
	_ =	sdelay $0x1  }
0x150: {  	vm10 =	vlt.f32 v48, s17  }
0x151: {  	vm11 =	vlt.f32 v4, s17;
	v5 =	vsel vm10, $0x1, v31  }
0x152: {  	vm12 =	vlt.f32 v3, s17;
	v4 =	vsel vm11, $0x1, v31;
	(xrf0) =	vadd.scan.msk.s32 $0xffff, v5  }
0x153: {  	vm13 =	vlt.f32 v2, s17;
	v3 =	vsel vm12, $0x1, v31;
	(xrf0) =	vadd.scan.msk.s32 $0xffff, v4  }
0x154: {  	v1 =	vsel vm13, $0x1, v31;
	(xrf0) =	vadd.scan.msk.s32 $0xffff, v3  }
0x155: {  	(xrf0) =	vadd.scan.msk.s32 $0xffff, v1;
	_ =	sdelay $0x2  }
0x156: {  	v57, _, _ =	vpop (xrf0)  }
0x157: {  	v58, _, _ =	vpop (xrf0);
	(v2sf) =	vpush v57, $0xF  }
0x158: {  	v59, _, _ =	vpop (xrf0);
	(v2sf) =	vpush v58, $0xF  }
0x159: {  	(v2sf) =	vpush v59, $0xF;
	v60, _, _ =	vpop (xrf0)  }
0x15a: {  	(v2sf) =	vpush v60, $0xF;
	_ =	sdelay $0xb  }
0x15b: {  	s26 =	spop (v2sf)  }
0x15c: {  	s28 =	spop (v2sf)  }
0x15d: {  	s29 =	spop (v2sf);
	s17 =	sadd.s32 s28, s26  }
0x15e: {  	v61 =	vld [tilespmem:$0x80];
	s17 =	sadd.s32 s29, s17;
	s30 =	spop (v2sf)  }
0x15f: {  	s17 =	sadd.s32 s30, s17  }
0x160: {  	p2 =	slt.s32 s17, $0x3F  }
0x161: {  	v62 =	vlaneseq.u32;
	s17 =	simm.s32 @!p2 $0x3F  }
0x162: {  	vm1 =	vcmask $0x704;
	vm14 =	veq.s32 v32, v62;
	v63 =	vmov s17  }
0x163: {  	vm15 =	veq.s32 v62, $0x0;
	v1 =	vsel vm14, s17, v61;
	v0 =	vnsel vm1, $0x0, v63  }
0x164: {  	[tilespmem:$0x80] =	vst v1;
	v0 =	vsel vm15, s19, v0  }
0x165: {  	s31 =	simm.s32 $0xF080;
	[tilespmem:$0xF080] =	vst v0  }
0x166: {  	[spmem:s14] =	stream.linear.scatter [tilespmem:s31], [sflag:$0x1], $0x80, $0x38;
	[tilespmem:$0xF340] =	vst v63  }
0x167: {  	_ =	swait.ge [sflag:s11], $0x80  }
0x168: {  	[sflag:s11] =	ssyncset.done $0x0  }
0x169: {  	[sflag:s11] =	ssyncadd.s32 $0xFFFFFF80  }
0x16a: {  	[hbm4b:s16+s5] =	stream.linear.scatter [tilespmem:s18], [sflag:$0x1], $0x80, $0x38;
	[tilespmem:$0xF340] =	vst v63  }
0x16b: {  	_ =	swait.ge [sflag:s11], $0x80  }
0x16c: {  	[sflag:s11] =	ssyncset.done $0x0  }
0x16d: {  	[sflag:s11] =	ssyncadd.s32 $0xFFFFFF80  }
0x16e: {  	[hbm4b:s15+s5] =	stream.linear.scatter [tilespmem:s31], [sflag:$0x1], $0x80, $0x38;
	[tilespmem:$0xF340] =	vst v63  }
0x16f: {  	_ =	swait.ge [sflag:s11], $0x80  }
0x170: {  	[sflag:s11] =	ssyncset.done $0x0  }
0x171: {  	[sflag:s11] =	ssyncadd.s32 $0xFFFFFF80  }
.LBB2_2:
0x172: {  	[bflag:$0x0] =	sbarrier.arrive $0xFFFF;
	s15 =	simm.s32 $0xF080  }
0x173: {  	[tilespmem:s15], [sflag:$0x1] =	stream.linear.gather [spmem:s14], $0x80, $0x38;
	[tilespmem:$0xF340] =	vst v63  }
0x174: {  	_ =	swait.ge [sflag:s11], $0x80  }
0x175: {  	[sflag:s11] =	ssyncset.done $0x0  }
0x176: {  	[sflag:s11] =	ssyncadd.s32 $0xFFFFFF80  }
0x177: {  	v0 =	vld [tilespmem:$0xF080];
	_ =	sdelay $0x4  }
0x178: {  	(v2sf) =	vpush v0, $0x1;
	_ =	sdelay $0x4  }
0x179: {  	(v2sf) =	vpush v0, $0x0;
	_ =	sdelay $0x9  }
0x17a: {  	s26 =	spop (v2sf)  }
0x17b: {  	s28 =	sand.u32 $0x7, s26  }
0x17c: {  	s16 =	sshra.s32 s26, $0x1F;
	p2 =	slt.s32 s26, $0x1;
	p3 =	sne.s32 s28, $0x0  }
0x17d: {  	s16 =	sshrl.u32 s16, $0x1D;
	p2 =	por !p2, !p3  }
0x17e: {  	s17 =	simm.s32 $0x1;
	s16 =	sadd.s32 s16, s26;
	p2 =	por !p2, !p2  }
0x17f: {  	s18 =	spop (v2sf);
	s16 =	sshra.s32 s16, $0x3;
	s17 =	simm.s32 @!p2 $0x0  }
0x180: {  	s29 =	smul.u32 $0x61C000, s18;
	s16 =	ssub.s32 s16, s17  }
0x181: {  	s30 =	smul.u32 $0xC3800, s16  }
0x182: {  	s31 =	simm.s32 $0x2100;
	s23 =	sshll.u32 s10, $0x6;
	s12 =	sadd.s32 s12, s29  }
0x183: {  	s20 =	sadd.s32 $0x80, s23;
	s18 =	sshll.u32 s10, $0x9;
	s12 =	sadd.s32 s30, s12  }
0x184: {  	s20 =	sand.u32 $0x180, s20;
	s22 =	sadd.s32 $0x800, s18;
	s12 =	sshrl.u32 s12, $0x3  }
0x185: {  	s17 =	sshll.u32 s10, $0x4;
	s16 =	sshll.u32 s16, $0x3;
	s4 =	sadd.s32 s4, s12  }
0x186: {  	[tilespmem:s31], [sflag:$0x1] =	stream.linear.gather [hbm4b:s4+s5], $0xC400, $0x38;
	[tilespmem:$0xF340] =	vst v63  }
0x187: {  	s30 =	sadd.s32 $0x180, s23;
	s5 =	sadd.s32 s13, s3;
	s13 =	ssub.s32 s26, s16  }
0x188: {  	s16 =	sshll.u32 s26, $0x7;
	s26 =	sadd.s32 $0x400, s18;
	_ =	swait.ge [sflag:s11], $0xC400  }
0x189: {  	s12 =	sshrl.u32 s13, $0x3;
	s13 =	sand.u32 $0x60, s17;
	s17 =	sand.u32 $0x7000, s22  }
0x18a: {  	s22 =	sand.u32 $0x180, s23;
	[sflag:s11] =	ssyncset.done $0x0;
	s12 =	smul.u32 $0x31000, s12  }
0x18b: {  	s13 =	sxor.u32 $0x50, s13;
	[sflag:s11] =	ssyncadd.s32 $0xFFFF3C00;
	s11 =	sand.u32 $0x380, s16  }
0x18c: {  	s24 =	sshll.u32 s13, $0x2;
	s13 =	sshll.u32 s28, $0x9;
	s16 =	sadd.s32 $0xC00, s18  }
0x18d: {  	s21 =	sshra.s32 s12, $0x2;
	s19 =	sadd.s32 s17, s12;
	s17 =	sand.u32 $0x7000, s26  }
0x18e: {  	s31 =	sshrl.u32 s13, $0x2;
	s14 =	sadd.s32 $0x2100, s21;
	s21 =	sand.u32 $0x3000, s18  }
0x18f: {  	s16 =	sand.u32 $0x7000, s16;
	s25 =	sor.u32 s24, s19;
	v0 =	vmov s31;
	s21 =	sadd.s32 s21, s12  }
0x190: {  	s17 =	sadd.s32 s17, s12;
	s16 =	sadd.s32 s16, s12;
	s21 =	sor.u32 s22, s21  }
0x191: {  	s15 =	sshra.s32 s25, $0x2;
	s20 =	sor.u32 s20, s17;
	s29 =	sor.u32 $0x40, s21  }
0x192: {  	s17 =	sadd.s32 $0x2100, s15;
	s21 =	sand.u32 $0x180, s30;
	s15 =	sshra.s32 s29, $0x2  }
0x193: {  	s16 =	sor.u32 s21, s16;
	s21 =	sadd.s32 $0x2100, s15  }
0x194: {  	s18 =	sadd.s32 $0x100, s23;
	s28 =	sshra.s32 s20, $0x2;
	v2 =	vld.idx.msk [tilespmem:v0+s21+$0xFFFFFFF0 ss:$0x1], $0xffff  }
0x195: {  	s18 =	sand.u32 $0x180, s18;
	s20 =	sadd.s32 $0x2100, s28;
	v3 =	vld.idx.msk [tilespmem:v0+s21+$0x0 ss:$0x1], $0xffff  }
0x196: {  	s18 =	sor.u32 s18, s19;
	v4 =	vld.idx.msk [tilespmem:v0+s20+$0x0 ss:$0x1], $0xffff  }
0x197: {  	s18 =	sshra.s32 s18, $0x2;
	v5 =	vld.idx.msk [tilespmem:v0+s20+$0x10 ss:$0x1], $0xffff  }
0x198: {  	s9 =	simm.s32 @!p1 $0x188;
	s23 =	sadd.s32 $0x8, s10;
	s22 =	sadd.s32 $0x2100, s18  }
0x199: {  	p2 =	slt.u32 s23, s9;
	v6 =	vld.idx.msk [tilespmem:v0+s22+$0x0 ss:$0x1], $0xffff;
	v2 =	vmul.f32 $1.442695020e+00, v2  }
.Ltmp1:
0x19a: {  	v7 =	vmul.f32 $1.442695020e+00, v3;
	(pc) =	sbr.rel @!p2 .LBB2_3-.Ltmp1, $4  }
0x19b: {  	s16 =	sshra.s32 s16, $0x2;
	v4 =	vmul.f32 $1.442695020e+00, v4;
	(erf) = vpow2.f32 v2  }
0x19c: {  	s15 =	sadd.s32 $0x2100, s16;
	v3 =	vld.idx.msk [tilespmem:v0+s17+$0x0 ss:$0x1], $0xffff;
	(erf) = vpow2.f32 v7;
	v7 =	vmul.f32 $1.442695020e+00, v5  }
0x19d: {  	v2 =	vld.idx.msk [tilespmem:v0+s15+$0x0 ss:$0x1], $0xffff;
	(erf) = vpow2.f32 v4  }
0x19e: {  	v1 =	vimm.f32 $0.0e+00;
	p1 =	por $0x0, $0x0;
	s4 =	smul.u32 $0x19, s2;
	s10 =	sadd.s32 $0x400, s21;
	v5 =	vmul.f32 $1.442695020e+00, v6;
	v4 =	vld.idx.msk [tilespmem:v0+s15+$0x10 ss:$0x1], $0xffff;
	(erf) = vpow2.f32 v7  }
0x19f: {  	_ =	sdelay $0x2  }
0x1a0: {  	v3 =	vmul.f32 $1.442695020e+00, v3  }
0x1a1: {  	(erf) = vpow2.f32 v5  }
0x1a2: {  	v7 =	vld.idx.msk [tilespmem:v0+s10+$0xFFFFFFF0 ss:$0x1], $0xffff;
	v2 =	vmul.f32 $1.442695020e+00, v2;
	v5 =	vpop (erf)  }
0x1a3: {  	(erf) = vpow2.f32 v3;
	v6 =	vadd.f32 v5, v1  }
0x1a4: {  	v4 =	vmul.f32 $1.442695020e+00, v4;
	(erf) = vpow2.f32 v2;
	v2 =	vld.idx.msk [tilespmem:v0+s10+$0x0 ss:$0x1], $0xffff;
	v3 =	vpop (erf)  }
0x1a5: {  	s16 =	sadd.s32 $0x400, s20;
	v6 =	vadd.f32 v3, v6  }
0x1a6: {  	(erf) = vpow2.f32 v4;
	v4 =	vld.idx.msk [tilespmem:v0+s16+$0x0 ss:$0x1], $0xffff;
	v8 =	vpop (erf)  }
0x1a7: {  	[tilespmem:v0+s21+$0x0 ss:$0x1] =	vst.idx.msk $0xffff, v3;
	v3 =	vmul.f32 $1.442695020e+00, v7;
	v6 =	vadd.f32 v8, v6  }
0x1a8: {  	v9 =	vld.idx.msk [tilespmem:v0+s16+$0x10 ss:$0x1], $0xffff;
	v10 =	vpop (erf)  }
0x1a9: {  	s18 =	sadd.s32 $0x400, s22;
	[tilespmem:v0+s21+$0xFFFFFFF0 ss:$0x1] =	vst.idx.msk $0xffff, v5;
	v2 =	vmul.f32 $1.442695020e+00, v2;
	(erf) = vpow2.f32 v3;
	v5 =	vadd.f32 v10, v6  }
0x1aa: {  	s21 =	sadd.s32 $0x8, s23;
	v7 =	vpop (erf);
	v6 =	vld.idx.msk [tilespmem:v0+s18+$0x0 ss:$0x1], $0xffff  }
0x1ab: {  	s19 =	sadd.s32 $0x400, s17;
	[tilespmem:v0+s20+$0x0 ss:$0x1] =	vst.idx.msk $0xffff, v8;
	p2 =	slt.u32 s21, s9;
	v4 =	vmul.f32 $1.442695020e+00, v4;
	(erf) = vpow2.f32 v2;
	v5 =	vadd.f32 v7, v5  }
.Ltmp2:
0x1ac: {  	[tilespmem:v0+s20+$0x10 ss:$0x1] =	vst.idx.msk $0xffff, v10;
	v3 =	vld.idx.msk [tilespmem:v0+s19+$0x0 ss:$0x1], $0xffff;
	v8 =	vpop (erf);
	(pc) =	sbr.rel @!p2 .LBB2_43-.Ltmp2, $4  }
0x1ad: {  	s20 =	sadd.s32 $0x400, s15;
	[tilespmem:v0+s22+$0x0 ss:$0x1] =	vst.idx.msk $0xffff, v7;
	(erf) = vpow2.f32 v4;
	v7 =	vmul.f32 $1.442695020e+00, v9;
	v63 =	vadd.f32 v8, v5  }
0x1ae: {  	v2 =	vld.idx.msk [tilespmem:v0+s20+$0x0 ss:$0x1], $0xffff;
	[tilespmem:v0+s17+$0x0 ss:$0x1] =	vst.idx.msk $0xffff, v8;
	v8 =	vpop (erf)  }
0x1af: {  	(erf) = vpow2.f32 v7;
	v5 =	vmul.f32 $1.442695020e+00, v6;
	v7 =	vadd.f32 v8, v63  }
0x1b0: {  	p1 =	por $0x1, $0x1;
	v4 =	vld.idx.msk [tilespmem:v0+s20+$0x10 ss:$0x1], $0xffff;
	s17 =	sadd.s32 $0x400, s10;
	[tilespmem:v0+s15+$0x0 ss:$0x1] =	vst.idx.msk $0xffff, v8;
	v6 =	vpop (erf)  }
0x1b1: {  	s22 =	smov.u32 s16;
	s23 =	smov.u32 s18;
	s24 =	smov.u32 s19  }
.LBB2_25:
0x1b2: {  	v8 =	vld.idx.msk [tilespmem:v0+s17+$0xFFFFFFF0 ss:$0x1], $0xffff;
	s21 =	sadd.s32 $0x8, s21;
	v9 =	vmul.f32 $1.442695020e+00, v3;
	(erf) = vpow2.f32 v5;
	[tilespmem:v0+s15+$0x10 ss:$0x1] =	vst.idx.msk $0xffff, v6;
	v5 =	vadd.f32 v6, v7;
	s15 =	smov.u32 s20  }
0x1b3: {  	p2 =	slt.u32 s21, s9;
	v6 =	vpop (erf)  }
0x1b4: {  	v10 =	vmul.f32 $1.442695020e+00, v2;
	v7 =	vld.idx.msk [tilespmem:v0+s17+$0x0 ss:$0x1], $0xffff;
	[tilespmem:v0+s10+$0xFFFFFFF0 ss:$0x1] =	vst.idx.msk $0xffff, v6;
	v5 =	vadd.f32 v6, v5;
	(erf) = vpow2.f32 v9  }
0x1b5: {  	s22 =	sadd.s32 $0x400, s22;
	v3 =	vpop (erf)  }
0x1b6: {  	v4 =	vmul.f32 $1.442695020e+00, v4;
	v6 =	vld.idx.msk [tilespmem:v0+s22+$0x0 ss:$0x1], $0xffff;
	[tilespmem:v0+s10+$0x0 ss:$0x1] =	vst.idx.msk $0xffff, v3;
	v9 =	vadd.f32 v3, v5;
	(erf) = vpow2.f32 v10;
	s10 =	smov.u32 s17  }
0x1b7: {  	v2 =	vpop (erf)  }
0x1b8: {  	v10 =	vmul.f32 $1.442695020e+00, v8;
	v8 =	vld.idx.msk [tilespmem:v0+s22+$0x10 ss:$0x1], $0xffff;
	[tilespmem:v0+s16+$0x0 ss:$0x1] =	vst.idx.msk $0xffff, v2;
	v2 =	vadd.f32 v2, v9;
	(erf) = vpow2.f32 v4  }
0x1b9: {  	s23 =	sadd.s32 $0x400, s23;
	v3 =	vpop (erf)  }
0x1ba: {  	v4 =	vmul.f32 $1.442695020e+00, v7;
	v7 =	vld.idx.msk [tilespmem:v0+s23+$0x0 ss:$0x1], $0xffff;
	(erf) = vpow2.f32 v10;
	[tilespmem:v0+s16+$0x10 ss:$0x1] =	vst.idx.msk $0xffff, v3;
	v2 =	vadd.f32 v3, v2;
	s16 =	smov.u32 s22  }
0x1bb: {  	s24 =	sadd.s32 $0x400, s24;
	v5 =	vpop (erf)  }
0x1bc: {  	v6 =	vmul.f32 $1.442695020e+00, v6;
	v3 =	vld.idx.msk [tilespmem:v0+s24+$0x0 ss:$0x1], $0xffff;
	(erf) = vpow2.f32 v4;
	[tilespmem:v0+s18+$0x0 ss:$0x1] =	vst.idx.msk $0xffff, v5;
	v4 =	vadd.f32 v5, v2;
	s18 =	smov.u32 s23  }
.Ltmp3:
0x1bd: {  	s20 =	sadd.s32 $0x400, s20;
	v5 =	vpop (erf);
	(pc) =	sbr.rel @p2 .LBB2_25-.Ltmp3, $4  }
0x1be: {  	v8 =	vmul.f32 $1.442695020e+00, v8;
	v2 =	vld.idx.msk [tilespmem:v0+s20+$0x0 ss:$0x1], $0xffff;
	(erf) = vpow2.f32 v6;
	[tilespmem:v0+s19+$0x0 ss:$0x1] =	vst.idx.msk $0xffff, v5;
	v10 =	vadd.f32 v5, v4;
	s19 =	smov.u32 s24  }
0x1bf: {  	v9 =	vpop (erf)  }
0x1c0: {  	v5 =	vmul.f32 $1.442695020e+00, v7;
	v4 =	vld.idx.msk [tilespmem:v0+s20+$0x10 ss:$0x1], $0xffff;
	(erf) = vpow2.f32 v8;
	[tilespmem:v0+s15+$0x0 ss:$0x1] =	vst.idx.msk $0xffff, v9;
	v7 =	vadd.f32 v9, v10  }
0x1c1: {  	s17 =	sadd.s32 $0x400, s17;
	v6 =	vpop (erf)  }
0x1c2: {  	s9 =	smov.u32 s15;
	s15 =	smov.u32 s20;
	s21 =	smov.u32 s10  }
0x1c3: {  	s20 =	smov.u32 s16;
	s22 =	smov.u32 s18;
	s17 =	smov.u32 s19  }
.LBB2_27:
0x1c4: {  	v7 =	vadd.f32 @p1 v6, v7;
	v3 =	vmul.f32 $1.442695020e+00, v3  }
0x1c5: {  	(erf) = vpow2.f32 v5  }
0x1c6: {  	v61 =	vpop (erf);
	v2 =	vmul.f32 $1.442695020e+00, v2;
	v1 =	vpsel p1, v7, v1  }
0x1c7: {  	(erf) = vpow2.f32 v3;
	v1 =	vadd.f32 v61, v1  }
0x1c8: {  	v3 =	vpop (erf)  }
0x1c9: {  	v4 =	vmul.f32 $1.442695020e+00, v4;
	(erf) = vpow2.f32 v2;
	v1 =	vadd.f32 v3, v1  }
0x1ca: {  	v2 =	vpop (erf)  }
0x1cb: {  	(erf) = vpow2.f32 v4;
	v1 =	vadd.f32 v2, v1  }
0x1cc: {  	v62 =	vpop (erf)  }
0x1cd: {  	[tilespmem:v0+s9+$0x10 ss:$0x1] =	vst.idx.msk @p1 $0xffff, v6;
	v1 =	vadd.f32 v62, v1  }
0x1ce: {  	[tilespmem:v0+s21+$0xFFFFFFF0 ss:$0x1] =	vst.idx.msk $0xffff, v61;
	v63 =	vpop (erf)  }
0x1cf: {  	[tilespmem:v0+s21+$0x0 ss:$0x1] =	vst.idx.msk $0xffff, v3;
	v1 =	vadd.f32 v63, v1  }
0x1d0: {  	[tilespmem:v0+s20+$0x0 ss:$0x1] =	vst.idx.msk $0xffff, v2;
	v2 =	vpop (erf)  }
0x1d1: {  	[tilespmem:v0+s20+$0x10 ss:$0x1] =	vst.idx.msk $0xffff, v62;
	v1 =	vadd.f32 v2, v1  }
0x1d2: {  	[tilespmem:v0+s22+$0x0 ss:$0x1] =	vst.idx.msk $0xffff, v63;
	v3 =	vpop (erf)  }
0x1d3: {  	[tilespmem:v0+s17+$0x0 ss:$0x1] =	vst.idx.msk $0xffff, v2;
	v1 =	vadd.f32 v3, v1  }
0x1d4: {  	[tilespmem:v0+s15+$0x0 ss:$0x1] =	vst.idx.msk $0xffff, v3;
	v2 =	vpop (erf)  }
0x1d5: {  	[tilespmem:v0+s15+$0x10 ss:$0x1] =	vst.idx.msk $0xffff, v2;
	v0 =	vadd.f32 v2, v1  }
0x1d6: {  	s9 =	sadd.s32 $0x2, s8  }
0x1d7: {  	s10 =	sshrl.u32 s9, $0x13;
	s15 =	sshll.u32 s9, $0xD  }
0x1d8: {  	s9 =	sadd.s32 s7, s9;
	s10 =	sor.u32 s10, s15  }
0x1d9: {  	s10 =	sxor.u32 s9, s10  }
0x1da: {  	s22 =	sshrl.u32 s10, $0x11;
	s16 =	sshll.u32 s10, $0xF  }
0x1db: {  	s9 =	sadd.s32 s9, s10;
	s23 =	sor.u32 s22, s16  }
0x1dc: {  	s10 =	sxor.u32 s9, s23  }
0x1dd: {  	s24 =	sshrl.u32 s10, $0x6;
	s25 =	sshll.u32 s10, $0x1A  }
0x1de: {  	s9 =	sadd.s32 s9, s10;
	s26 =	sor.u32 s24, s25  }
0x1df: {  	s10 =	sxor.u32 s9, s26  }
0x1e0: {  	s28 =	sshrl.u32 s10, $0x1A;
	s29 =	sshll.u32 s10, $0x6  }
0x1e1: {  	s17 =	sxor.u32 s7, s8;
	s10 =	sadd.s32 s9, s10;
	s15 =	sor.u32 s28, s29  }
0x1e2: {  	s9 =	sxor.u32 $0x1BD11BDA, s17;
	s15 =	sxor.u32 s10, s15  }
0x1e3: {  	s15 =	sadd.s32 s15, s9  }
0x1e4: {  	s15 =	sadd.s32 $0x1, s15  }
0x1e5: {  	s10 =	sadd.s32 s8, s10;
	s30 =	sshrl.u32 s15, $0xF;
	s31 =	sshll.u32 s15, $0x11  }
0x1e6: {  	s10 =	sadd.s32 s15, s10;
	s16 =	sor.u32 s30, s31  }
0x1e7: {  	s15 =	sxor.u32 s10, s16  }
0x1e8: {  	s17 =	sshrl.u32 s15, $0x3;
	s18 =	sshll.u32 s15, $0x1D  }
0x1e9: {  	s10 =	sadd.s32 s10, s15;
	s19 =	sor.u32 s17, s18  }
0x1ea: {  	s15 =	sxor.u32 s10, s19  }
0x1eb: {  	s20 =	sshrl.u32 s15, $0x10;
	s21 =	sshll.u32 s15, $0x10  }
0x1ec: {  	s10 =	sadd.s32 s10, s15;
	s22 =	sor.u32 s20, s21  }
0x1ed: {  	s15 =	sxor.u32 s10, s22  }
0x1ee: {  	s23 =	sshrl.u32 s15, $0x8;
	s24 =	sshll.u32 s15, $0x18  }
0x1ef: {  	s10 =	sadd.s32 s10, s15;
	s25 =	sor.u32 s23, s24  }
0x1f0: {  	s15 =	sxor.u32 s10, s25  }
0x1f1: {  	s15 =	sadd.s32 s15, s7  }
0x1f2: {  	s15 =	sadd.s32 $0x2, s15  }
0x1f3: {  	s10 =	sadd.s32 s9, s10;
	s26 =	sshrl.u32 s15, $0x13;
	s28 =	sshll.u32 s15, $0xD  }
0x1f4: {  	s10 =	sadd.s32 s15, s10;
	s29 =	sor.u32 s26, s28  }
0x1f5: {  	s15 =	sxor.u32 s10, s29  }
0x1f6: {  	s30 =	sshrl.u32 s15, $0x11;
	s31 =	sshll.u32 s15, $0xF  }
0x1f7: {  	s10 =	sadd.s32 s10, s15;
	s16 =	sor.u32 s30, s31  }
0x1f8: {  	s15 =	sxor.u32 s10, s16  }
0x1f9: {  	s17 =	sshrl.u32 s15, $0x6;
	s18 =	sshll.u32 s15, $0x1A  }
0x1fa: {  	s10 =	sadd.s32 s10, s15;
	s19 =	sor.u32 s17, s18  }
0x1fb: {  	s15 =	sxor.u32 s10, s19  }
0x1fc: {  	s20 =	sshrl.u32 s15, $0x1A;
	s21 =	sshll.u32 s15, $0x6  }
0x1fd: {  	s10 =	sadd.s32 s10, s15;
	s22 =	sor.u32 s20, s21  }
0x1fe: {  	s15 =	sxor.u32 s10, s22  }
0x1ff: {  	s15 =	sadd.s32 s15, s8  }
0x200: {  	s15 =	sadd.s32 $0x3, s15  }
0x201: {  	s10 =	sadd.s32 s7, s10;
	s23 =	sshrl.u32 s15, $0xF;
	s24 =	sshll.u32 s15, $0x11  }
0x202: {  	s10 =	sadd.s32 s15, s10;
	s25 =	sor.u32 s23, s24  }
0x203: {  	s15 =	sxor.u32 s10, s25  }
0x204: {  	s26 =	sshrl.u32 s15, $0x3;
	s28 =	sshll.u32 s15, $0x1D  }
0x205: {  	s10 =	sadd.s32 s10, s15;
	s29 =	sor.u32 s26, s28  }
0x206: {  	s15 =	sxor.u32 s10, s29  }
0x207: {  	s30 =	sshrl.u32 s15, $0x10;
	s31 =	sshll.u32 s15, $0x10  }
0x208: {  	s10 =	sadd.s32 s10, s15;
	s16 =	sor.u32 s30, s31  }
0x209: {  	s15 =	sxor.u32 s10, s16  }
0x20a: {  	s17 =	sshrl.u32 s15, $0x8;
	s18 =	sshll.u32 s15, $0x18  }
0x20b: {  	s10 =	sadd.s32 s10, s15;
	s19 =	sor.u32 s17, s18  }
0x20c: {  	s15 =	sxor.u32 s10, s19  }
0x20d: {  	s15 =	sadd.s32 s15, s9  }
0x20e: {  	s15 =	sadd.s32 $0x4, s15  }
0x20f: {  	s20 =	sadd.s32 s8, s10;
	s21 =	sshrl.u32 s15, $0x13;
	s22 =	sshll.u32 s15, $0xD  }
0x210: {  	s8 =	sadd.s32 s15, s20;
	s10 =	sor.u32 s21, s22  }
0x211: {  	s10 =	sxor.u32 s8, s10  }
0x212: {  	s23 =	sshrl.u32 s10, $0x11;
	s24 =	sshll.u32 s10, $0xF  }
0x213: {  	s8 =	sadd.s32 s8, s10;
	s25 =	sor.u32 s23, s24  }
0x214: {  	s10 =	sxor.u32 s8, s25  }
0x215: {  	s26 =	sshrl.u32 s10, $0x6;
	s28 =	sshll.u32 s10, $0x1A  }
0x216: {  	s8 =	sadd.s32 s8, s10;
	s29 =	sor.u32 s26, s28  }
0x217: {  	s10 =	sxor.u32 s8, s29  }
0x218: {  	s30 =	sshrl.u32 s10, $0x1A;
	s31 =	sshll.u32 s10, $0x6  }
0x219: {  	s10 =	sadd.s32 s8, s10;
	s16 =	sor.u32 s30, s31  }
0x21a: {  	s8 =	sxor.u32 s10, s16  }
0x21b: {  	s17 =	sadd.s32 s8, s7  }
0x21c: {  	s8 =	sadd.s32 $0x5, s17  }
0x21d: {  	s7 =	sadd.s32 s9, s10;
	s18 =	sshrl.u32 s8, $0x13;
	s19 =	sshll.u32 s8, $0xD  }
0x21e: {  	s20 =	sadd.s32 s7, s8;
	s9 =	sor.u32 s18, s19  }
0x21f: {  	s9 =	sxor.u32 s20, s9  }
0x220: {  	s21 =	sshrl.u32 s9, $0x11;
	s22 =	sshll.u32 s9, $0xF  }
0x221: {  	s9 =	sadd.s32 s20, s9;
	s10 =	sor.u32 s21, s22  }
0x222: {  	s10 =	sxor.u32 s9, s10  }
0x223: {  	s23 =	sshrl.u32 s10, $0x6;
	s24 =	sshll.u32 s10, $0x1A  }
0x224: {  	s9 =	sadd.s32 s9, s10;
	s25 =	sor.u32 s23, s24  }
0x225: {  	s10 =	sxor.u32 s9, s25  }
0x226: {  	s26 =	sshrl.u32 s10, $0x1A;
	s28 =	sshll.u32 s10, $0x6  }
0x227: {  	s29 =	sxor.u32 s8, s7;
	s10 =	sadd.s32 s9, s10;
	s15 =	sor.u32 s26, s28  }
0x228: {  	s9 =	sxor.u32 $0x1BD11BDA, s29;
	s15 =	sxor.u32 s10, s15  }
0x229: {  	s15 =	sadd.s32 s15, s9  }
0x22a: {  	s15 =	sadd.s32 $0x1, s15  }
0x22b: {  	s10 =	sadd.s32 s8, s10;
	s30 =	sshrl.u32 s15, $0xF;
	s31 =	sshll.u32 s15, $0x11  }
0x22c: {  	s10 =	sadd.s32 s15, s10;
	s16 =	sor.u32 s30, s31  }
0x22d: {  	s15 =	sxor.u32 s10, s16  }
0x22e: {  	s17 =	sshrl.u32 s15, $0x3;
	s18 =	sshll.u32 s15, $0x1D  }
0x22f: {  	s10 =	sadd.s32 s10, s15;
	s19 =	sor.u32 s17, s18  }
0x230: {  	s15 =	sxor.u32 s10, s19  }
0x231: {  	s20 =	sshrl.u32 s15, $0x10;
	s21 =	sshll.u32 s15, $0x10  }
0x232: {  	s10 =	sadd.s32 s10, s15;
	s22 =	sor.u32 s20, s21  }
0x233: {  	s15 =	sxor.u32 s10, s22  }
0x234: {  	s23 =	sshrl.u32 s15, $0x8;
	s24 =	sshll.u32 s15, $0x18  }
0x235: {  	s10 =	sadd.s32 s10, s15;
	s25 =	sor.u32 s23, s24  }
0x236: {  	s15 =	sxor.u32 s10, s25  }
0x237: {  	s15 =	sadd.s32 s15, s7  }
0x238: {  	s15 =	sadd.s32 $0x2, s15  }
0x239: {  	s10 =	sadd.s32 s9, s10;
	s26 =	sshrl.u32 s15, $0x13;
	s28 =	sshll.u32 s15, $0xD  }
0x23a: {  	s10 =	sadd.s32 s15, s10;
	s29 =	sor.u32 s26, s28  }
0x23b: {  	s15 =	sxor.u32 s10, s29  }
0x23c: {  	s30 =	sshrl.u32 s15, $0x11;
	s31 =	sshll.u32 s15, $0xF  }
0x23d: {  	s10 =	sadd.s32 s10, s15;
	s16 =	sor.u32 s30, s31  }
0x23e: {  	s15 =	sxor.u32 s10, s16  }
0x23f: {  	s17 =	sshrl.u32 s15, $0x6;
	s18 =	sshll.u32 s15, $0x1A  }
0x240: {  	s10 =	sadd.s32 s10, s15;
	s19 =	sor.u32 s17, s18  }
0x241: {  	s15 =	sxor.u32 s10, s19  }
0x242: {  	s20 =	sshrl.u32 s15, $0x1A;
	s21 =	sshll.u32 s15, $0x6  }
0x243: {  	s10 =	sadd.s32 s10, s15;
	s22 =	sor.u32 s20, s21  }
0x244: {  	s15 =	sxor.u32 s10, s22  }
0x245: {  	s15 =	sadd.s32 s15, s8  }
0x246: {  	s15 =	sadd.s32 $0x3, s15  }
0x247: {  	s10 =	sadd.s32 s7, s10;
	s23 =	sshrl.u32 s15, $0xF;
	s24 =	sshll.u32 s15, $0x11  }
0x248: {  	s10 =	sadd.s32 s15, s10;
	s25 =	sor.u32 s23, s24  }
0x249: {  	s15 =	sxor.u32 s10, s25  }
0x24a: {  	s26 =	sshrl.u32 s15, $0x3;
	s28 =	sshll.u32 s15, $0x1D  }
0x24b: {  	s10 =	sadd.s32 s10, s15;
	s29 =	sor.u32 s26, s28  }
0x24c: {  	s15 =	sxor.u32 s10, s29  }
0x24d: {  	s30 =	sshrl.u32 s15, $0x10;
	s31 =	sshll.u32 s15, $0x10  }
0x24e: {  	s10 =	sadd.s32 s10, s15;
	s16 =	sor.u32 s30, s31  }
0x24f: {  	s15 =	sxor.u32 s10, s16  }
0x250: {  	s17 =	sshrl.u32 s15, $0x8;
	s18 =	sshll.u32 s15, $0x18  }
0x251: {  	s10 =	sadd.s32 s10, s15;
	s19 =	sor.u32 s17, s18  }
0x252: {  	s15 =	sxor.u32 s10, s19  }
0x253: {  	s15 =	sadd.s32 s15, s9  }
0x254: {  	s15 =	sadd.s32 $0x4, s15  }
0x255: {  	s8 =	sadd.s32 s8, s10;
	s20 =	sshrl.u32 s15, $0x13;
	s21 =	sshll.u32 s15, $0xD  }
0x256: {  	s8 =	sadd.s32 s15, s8;
	s10 =	sor.u32 s20, s21  }
0x257: {  	s10 =	sxor.u32 s8, s10  }
0x258: {  	s22 =	sshrl.u32 s10, $0x11;
	s23 =	sshll.u32 s10, $0xF  }
0x259: {  	s8 =	sadd.s32 s8, s10;
	s24 =	sor.u32 s22, s23  }
0x25a: {  	s10 =	sxor.u32 s8, s24  }
0x25b: {  	s25 =	sshrl.u32 s10, $0x6;
	s26 =	sshll.u32 s10, $0x1A  }
0x25c: {  	s8 =	sadd.s32 s8, s10;
	s28 =	sor.u32 s25, s26  }
0x25d: {  	s10 =	sxor.u32 s8, s28  }
0x25e: {  	s29 =	sshrl.u32 s10, $0x1A;
	s30 =	sshll.u32 s10, $0x6  }
0x25f: {  	s8 =	sadd.s32 s8, s10;
	s31 =	sor.u32 s29, s30  }
0x260: {  	s10 =	sxor.u32 s8, s31  }
0x261: {  	p1 =	sne.s32 s2, $0xF;
	s7 =	sadd.s32 s10, s7  }
.Ltmp4:
0x262: {  	s8 =	sadd.s32 s9, s8;
	s7 =	sadd.s32 $0x5, s7;
	(pc) =	sbr.rel @p1 .LBB2_7-.Ltmp4, $4  }
0x263: {  	s7 =	sxor.u32 s8, s7  }
0x264: {  	s7 =	sshrl.u32 s7, $0x9  }
0x265: {  	s7 =	sor.u32 $0x3F800000, s7  }
0x266: {  	s7 =	sadd.f32 $-1.000000000e+00, s7  }
0x267: {  	s8 =	sadd.s32 s13, s12  }
0x268: {  	s8 =	sadd.s32 $0x30180, s8  }
0x269: {  	s8 =	sshra.s32 s8, $0x2  }
0x26a: {  	s9 =	sadd.s32 $0x2100, s8  }
0x26b: {  	v1 =	vmov s9;
	_ =	sdelay $0x2  }
0x26c: {  	s8 =	simm.s32 $0x0  }
.LBB2_6:
0x26d: {  	s9 =	sshra.s32 s8, $0x2  }
0x26e: {  	v2 =	vld.idx.msk [tilespmem:v1+s9+$0x0 ss:$0x1], $0xffff;
	_ =	sdelay $0x4  }
0x26f: {  	v2 =	vmul.f32 $1.442695020e+00, v2;
	_ =	sdelay $0x1  }
0x270: {  	(erf) = vpow2.f32 v2;
	_ =	sdelay $0x4  }
0x271: {  	p1 =	sne.s32 s8, $0x40  }
.Ltmp5:
0x272: {  	_ = 	snop;
	(pc) =	sbr.rel @p1 .LBB2_6-.Ltmp5, $3  }
0x273: {  	_ =	sdelay $0x1  }
0x274: {  	v2 =	vpop (erf)  }
0x275: {  	s8 =	sadd.s32 $0x40, s8;
	[tilespmem:v1+s9+$0x0 ss:$0x1] =	vst.idx.msk $0xffff, v2;
	v0 =	vadd.f32 v2, v0  }
.LBB2_7:
0x276: {  	_ = 	snop  }
0x277: {  	(xrf2) =	vadd.scan.msk.f32 $0xffff, v0;
	_ =	sdelay $0x9  }
0x278: {  	v0, _, _ =	vpop (xrf2)  }
0x279: {  	v0 =	vadd.f32 $0.0e+00, v0;
	_ =	sdelay $0x1  }
0x27a: {  	v0 =	vbroadcast v0, $0xF;
	_ =	sdelay $0x1  }
0x27b: {  	s10 =	simm.s32 $0xEF80;
	s15 =	simm.s32 $0x1;
	[tilespmem:$0xEF80] =	vst v0  }
0x27c: {  	[spmem:s5] =	stream.linear.scatter [tilespmem:s10], [sflag:$0x1], $0x80, $0x38;
	[tilespmem:$0xF340] =	vst v63  }
0x27d: {  	_ =	swait.ge [sflag:s15], $0x80  }
0x27e: {  	v61 =	vlaneseq.u32;
	[sflag:s15] =	ssyncset.done $0x0  }
0x27f: {  	v0 =	vmul.u32 $0x80, v61;
	[sflag:s15] =	ssyncadd.s32 $0xFFFFFF80  }
0x280: {  	s8 =	simm.s32 $0xE780;
	[bflag:$0x0] =	sbarrier.arrive $0xFFFF  }
0x281: {  	[tilespmem:s8], [sflag:$0x1] =	stream.linear.gather [spmem:s3], $0x800, $0x38;
	[tilespmem:$0xF340] =	vst v63  }
0x282: {  	_ =	swait.ge [sflag:s15], $0x800  }
0x283: {  	[sflag:s15] =	ssyncset.done $0x0  }
0x284: {  	[sflag:s15] =	ssyncadd.s32 $0xFFFFF800  }
0x285: {  	v0 =	vld.idx.msk [tilespmem:v0+s8+$0x0], $0xffff;
	_ =	sdelay $0x3  }
0x286: {  	[bflag:$0x0] =	sbarrier.arrive $0xFFFF  }
0x287: {  	(xrf2) =	vadd.scan.msk.f32 $0xffff, v0;
	_ =	sdelay $0x9  }
0x288: {  	v1, _, _ =	vpop (xrf2)  }
0x289: {  	(xrf0) =	vmax.scan.msk.f32 $0xffff, v1;
	_ =	sdelay $0x5  }
0x28a: {  	v2, _, _ =	vpop (xrf0)  }
0x28b: {  	(v2sf) =	vpush v2, $0xF;
	_ =	sdelay $0xd  }
0x28c: {  	s7 =	ssub.f32 $1.000000000e+00, s7  }
0x28d: {  	s30 =	spop (v2sf)  }
0x28e: {  	s8 =	smul.f32 s30, s7;
	_ =	sdelay $0x1  }
0x28f: {  	v62 =	vimm.s32 $0x0;
	vm0 =	vlt.f32 v1, s8  }
0x290: {  	v2 =	vsel vm0, $0x1, v62  }
0x291: {  	(xrf0) =	vadd.scan.msk.s32 $0xffff, v2;
	_ =	sdelay $0x5  }
0x292: {  	v2, _, _ =	vpop (xrf0)  }
0x293: {  	(v2sf) =	vpush v2, $0xF;
	_ =	sdelay $0xe  }
0x294: {  	s9 =	spop (v2sf)  }
0x295: {  	p1 =	slt.s32 s9, $0xF;
	s7 =	smov.u32 s9  }
0x296: {  	s7 =	simm.s32 @!p1 $0xF  }
0x297: {  	v63 =	vmov s7;
	_ =	sdelay $0x2  }
0x298: {  	[tilespmem:$0xF000] =	vst v0  }
0x299: {  	[tilespmem:$0xEF80] =	vst v1  }
0x29a: {  	s31 =	simm.s32 $0xF000;
	v0 =	vld.idx.msk [tilespmem:v63+s10+$0x0], $0xffff  }
0x29b: {  	v1 =	vld.idx.msk [tilespmem:v63+s31+$0x0], $0xffff;
	_ =	sdelay $0x3  }
0x29c: {  	(v2sf) =	vpush v0, $0x0  }
0x29d: {  	(v2sf) =	vpush v1, $0x0;
	_ =	sdelay $0x9  }
0x29e: {  	p1 =	sne.s32 s2, s7  }
.Ltmp6:
0x29f: {  	_ = 	snop;
	(pc) =	sbr.rel @p1 .LBB2_11-.Ltmp6, $3  }
0x2a0: {  	_ =	sdelay $0x1  }
0x2a1: {  	s12 =	spop (v2sf)  }
0x2a2: {  	s13 =	spop (v2sf)  }
0x2a3: {  	s10 =	sadd.s32 s11, s14;
	s31 =	sadd.s32 $0x0, s6;
	s11 =	simm.s32 $0x200  }
0x2a4: {  	[spmem:s31] =	stream.linear.scatter [tilespmem:s10], [sflag:$0x1], $0x80, $0x38;
	[tilespmem:$0xF340] =	vst v63  }
.LBB2_9:
0x2a5: {  	p1 =	sne.s32 s11, $0x6000  }
.Ltmp7:
0x2a6: {  	_ = 	snop;
	(pc) =	sbr.rel @p1 .LBB2_9-.Ltmp7, $4  }
0x2a7: {  	_ = 	snop  }
0x2a8: {  	s14 =	sshra.s32 s11, $0x2;
	s11 =	sadd.s32 $0x200, s11  }
0x2a9: {  	s10 =	sadd.s32 $0x400, s10;
	s14 =	sadd.s32 s14, s6  }
0x2aa: {  	[spmem:s14] =	stream.linear.scatter [tilespmem:s10], [sflag:$0x1], $0x80, $0x38;
	[tilespmem:$0xF340] =	vst v63  }
0x2ab: {  	s10 =	simm.s32 $0x1  }
0x2ac: {  	_ =	swait.ge [sflag:s10], $0x1880  }
0x2ad: {  	[sflag:s10] =	ssyncset.done $0x0  }
0x2ae: {  	[sflag:s10] =	ssyncadd.s32 $0xFFFFE780  }
.LBB2_11:
0x2af: {  	p1 =	sgt.s32 s9, $0xE;
	s11 =	simm.s32 $0x172  }
0x2b0: {  	s9 =	simm.s32 $0x16;
	s11 =	simm.s32 @!p1 $0x188  }
0x2b1: {  	s9 =	simm.s32 @!p1 $0x0;
	s10 =	ssub.s32 s11, s4  }
0x2b2: {  	s9 =	sadd.s32 s4, s9;
	p1 =	sgt.s32 s10, $0x0;
	s14 =	smov.u32 s10  }
0x2b3: {  	[bflag:$0x0] =	sbarrier.arrive $0xFFFF;
	s16 =	sshll.u32 s9, $0x4;
	s14 =	simm.s32 @!p1 $0x0  }
0x2b4: {  	s31 =	simm.s32 $0xE500;
	s6 =	sadd.s32 s16, s6;
	s9 =	smin.u32 s14, $0x19  }
0x2b5: {  	[tilespmem:s31], [sflag:$0x1] =	stream.linear.gather [spmem:s6], $0x190, $0x38;
	[tilespmem:$0xF340] =	vst v63  }
0x2b6: {  	s6 =	sand.u32 $0x1C, s9  }
0x2b7: {  	p1 =	seq.s32 s6, $0x0  }
.Ltmp8:
0x2b8: {  	_ = 	snop;
	(pc) =	sbr.rel @p1 .LBB2_12-.Ltmp8, $4  }
0x2b9: {  	_ = 	snop  }
0x2ba: {  	_ =	swait.ge [sflag:s15], $0x190  }
0x2bb: {  	[sflag:s15] =	ssyncset.done $0x0  }
0x2bc: {  	[sflag:s15] =	ssyncadd.s32 $0xFFFFFE70  }
0x2bd: {  	p6 =	sgt.u32 s6, $0x4  }
.Ltmp9:
0x2be: {  	_ = 	snop;
	(pc) =	sbr.rel @!p6 .LBB2_29-.Ltmp9, $4  }
0x2bf: {  	s19 =	simm.s32 $0xE520  }
0x2c0: {  	s16 =	simm.s32 $0x0;
	s15 =	simm.f32 $0.0e+00;
	s14 =	simm.s32 $0xE700;
	v17 =	vld [tilespmem:s19+$0xFFFFFFE0]  }
0x2c1: {  	s18 =	simm.s32 $0x4;
	p1 =	por $0x0, $0x0;
	p2 =	por $0x0, $0x0;
	v3 =	vld [tilespmem:s19+$0xFFFFFFF0]  }
0x2c2: {  	p3 =	por $0x0, $0x0;
	p4 =	por $0x0, $0x0;
	p5 =	por $0x0, $0x0;
	v0 =	vld [tilespmem:s19+$0x0]  }
0x2c3: {  	p6 =	sgt.u32 s6, $0x8  }
.Ltmp10:
0x2c4: {  	_ = 	snop;
	(pc) =	sbr.rel @!p6 .LBB2_31-.Ltmp10, $4  }
0x2c5: {  	v13 =	vld [tilespmem:s19+$0x10];
	s19 =	simm.s32 $0xE560  }
0x2c6: {  	v2 =	vld [tilespmem:s19+$0xFFFFFFE0]  }
0x2c7: {  	v1 =	vld [tilespmem:s19+$0xFFFFFFF0]  }
0x2c8: {  	s20 =	simm.s32 $0x8;
	p1 =	por $0x1, $0x1;
	v5 =	vld [tilespmem:s19+$0x0];
	(xrf2) =	vadd.scan.msk.f32 $0xffff, v17  }
0x2c9: {  	_ =	sdelay $0x3  }
0x2ca: {  	p6 =	sgt.u32 s6, $0xC  }
.Ltmp11:
0x2cb: {  	_ = 	snop;
	(pc) =	sbr.rel @!p6 .LBB2_33-.Ltmp11, $4  }
0x2cc: {  	v4 =	vld [tilespmem:s19+$0x10];
	s19 =	simm.s32 $0xE5A0  }
0x2cd: {  	(xrf2) =	vadd.scan.msk.f32 $0xffff, v3;
	v17 =	vld [tilespmem:s19+$0xFFFFFFE0]  }
0x2ce: {  	v3 =	vld [tilespmem:s19+$0xFFFFFFF0];
	(xrf2) =	vadd.scan.msk.f32 $0xffff, v13  }
0x2cf: {  	s17 =	simm.s32 $0xC;
	p2 =	por $0x1, $0x1;
	v10 =	vld [tilespmem:s19+$0x0];
	v16, _, _ =	vpop (xrf2);
	(xrf2) =	vadd.scan.msk.f32 $0xffff, v2  }
0x2d0: {  	_ =	sdelay $0x1  }
0x2d1: {  	(xrf0) =	vmax.scan.msk.f32 $0xffff, v16  }
0x2d2: {  	(xrf2) =	vadd.scan.msk.f32 $0xffff, v0;
	_ =	sdelay $0x3  }
0x2d3: {  	v0, _, _ =	vpop (xrf2);
	(xrf2) =	vadd.scan.msk.f32 $0xffff, v1  }
0x2d4: {  	v1, _, _ =	vpop (xrf0);
	(xrf0) =	vmax.scan.msk.f32 $0xffff, v0  }
0x2d5: {  	v13 =	vld [tilespmem:s19+$0x10];
	s19 =	simm.s32 $0xE5E0;
	p6 =	sgt.u32 s6, $0x10;
	v0, _, _ =	vpop (xrf2);
	(xrf2) =	vadd.scan.msk.f32 $0xffff, v4  }
.Ltmp12:
0x2d6: {  	v4 =	vadd.f32 $0.0e+00, v1;
	(xrf0) =	vmax.scan.msk.f32 $0xffff, v0;
	v0 =	vld [tilespmem:s19+$0x0];
	(pc) =	sbr.rel @!p6 .LBB2_35-.Ltmp12, $4  }
0x2d7: {  	_ = 	snop  }
0x2d8: {  	v2 =	vmov s16;
	v16, _, _ =	vpop (xrf2)  }
0x2d9: {  	v11 =	vld [tilespmem:s19+$0xFFFFFFE0];
	v2 =	vand.u32 $0xFFFFFFFC, v2;
	(xrf2) =	vadd.scan.msk.f32 $0xffff, v17;
	v6, _, _ =	vpop (xrf2)  }
0x2da: {  	s21 =	simm.s32 $0x10;
	p3 =	por $0x1, $0x1;
	v18 =	vld [tilespmem:s19+$0xFFFFFFF0];
	v2 =	vbroadcast v2, $0x0;
	(v2sf) =	vpush v1, $0xF;
	v1 =	vbroadcast v4, $0xF;
	v4, _, _ =	vpop (xrf0);
	(xrf0) =	vmax.scan.msk.f32 $0xffff, v6  }
0x2db: {  	_ = 	snop  }
0x2dc: {  	(xrf0) =	vmax.scan.msk.f32 $0xffff, v16;
	_ =	sdelay $0x1  }
0x2dd: {  	v7, _, _ =	vpop (xrf0)  }
0x2de: {  	v6, _, _ =	vpop (xrf2)  }
0x2df: {  	(xrf2) =	vadd.scan.msk.f32 $0xffff, v5;
	(v2sf) =	vpush v4, $0xF;
	v9, _, _ =	vpop (xrf0)  }
0x2e0: {  	(xrf2) =	vadd.scan.msk.f32 $0xffff, v3;
	v3, _, _ =	vpop (xrf2);
	(v2sf) =	vpush v9, $0xF  }
0x2e1: {  	(xrf2) =	vadd.scan.msk.f32 $0xffff, v13;
	v13, _, _ =	vpop (xrf0);
	(v2sf) =	vpush v7, $0xF  }
0x2e2: {  	(v2sf) =	vpush v13, $0xF;
	_ =	sdelay $0x4  }
0x2e3: {  	s22 =	simm.s32 $0x2  }
0x2e4: {  	v5 =	vmov s22  }
0x2e5: {  	s31 =	simm.s32 $0x3;
	v5 =	vand.u32 $0xFFFFFFFE, v5  }
0x2e6: {  	(xrf0) =	vmax.scan.msk.f32 $0xffff, v6;
	v5 =	vbroadcast v5, $0x0;
	v6 =	vmov s31  }
0x2e7: {  	v23 =	vld [tilespmem:s19+$0x10];
	s19 =	simm.s32 $0xE620;
	p6 =	sgt.u32 s6, $0x14;
	v8 =	vadd.f32 $0.0e+00, v7  }
.Ltmp13:
0x2e8: {  	v21 =	vld [tilespmem:s19+$0x0];
	v15 =	vadd.f32 $0.0e+00, v9;
	(pc) =	sbr.rel @!p6 .LBB2_37-.Ltmp13, $4  }
0x2e9: {  	v12 =	vmov s18;
	v8 =	vbroadcast v8, $0xF  }
0x2ea: {  	[tilespmem:v2+s14+$0x0] =	vst.idx.msk $0x1, v1;
	(xrf0) =	vmax.scan.msk.f32 $0xffff, v3;
	v16 =	vadd.f32 $0.0e+00, v13;
	v14, _, _ =	vpop (xrf2);
	v19 =	vbroadcast v15, $0xF  }
0x2eb: {  	v12 =	vand.u32 $0xFFFFFFFC, v12;
	v3 =	vld [tilespmem:s19+$0xFFFFFFF0];
	(xrf2) =	vadd.scan.msk.f32 $0xffff, v11;
	[tilespmem:v6+s14+$0x0] =	vst.idx.msk $0x1, v8;
	v7, _, _ =	vpop (xrf2)  }
0x2ec: {  	s26 =	simm.s32 $0x14;
	p4 =	por $0x1, $0x1;
	v17 =	vld [tilespmem:s19+$0xFFFFFFE0];
	v9 =	vbroadcast v12, $0x0;
	v11 =	vbroadcast v16, $0xF;
	v15, _, _ =	vpop (xrf0);
	[tilespmem:v5+s14+$0x0] =	vst.idx.msk $0x1, v19;
	(xrf0) =	vmax.scan.msk.f32 $0xffff, v7  }
0x2ed: {  	(xrf2) =	vadd.scan.msk.f32 $0xffff, v10  }
0x2ee: {  	(xrf0) =	vmax.scan.msk.f32 $0xffff, v14;
	(v2sf) =	vpush v15, $0xF  }
0x2ef: {  	s22 =	simm.s32 $0x6  }
0x2f0: {  	v7, _, _ =	vpop (xrf2);
	v12 =	vmov s20;
	v5 =	vmov s22  }
0x2f1: {  	s24 =	simm.s32 $0x1;
	v12 =	vand.u32 $0xFFFFFFFC, v12;
	(xrf2) =	vadd.scan.msk.f32 $0xffff, v18;
	v5 =	vand.u32 $0xFFFFFFFE, v5;
	v6, _, _ =	vpop (xrf0)  }
0x2f2: {  	s25 =	simm.s32 $0x7;
	v18, _, _ =	vpop (xrf2);
	v19 =	vbroadcast v5, $0x0;
	v5 =	vmov s24;
	v8 =	vadd.f32 $0.0e+00, v6  }
0x2f3: {  	(xrf0) =	vmax.scan.msk.f32 $0xffff, v7;
	v7 =	vmov s25;
	v22 =	vand.u32 $0xFFFFFFFD, v5;
	v5 =	vbroadcast v12, $0x0;
	v16, _, _ =	vpop (xrf0)  }
0x2f4: {  	s23 =	spop (v2sf);
	v13 =	vld [tilespmem:s19+$0x10];
	s19 =	simm.s32 $0xE660;
	p6 =	sgt.u32 s6, $0x18;
	(xrf2) =	vadd.scan.msk.f32 $0xffff, v23;
	v20 =	vbroadcast v8, $0xF;
	v8 =	vadd.f32 $0.0e+00, v16;
	(v2sf) =	vpush v16, $0xF;
	v12, _, _ =	vpop (xrf0)  }
.Ltmp14:
0x2f5: {  	s29 =	sadd.f32 s23, s15;
	(v2sf) =	vpush v6, $0xF;
	v6 =	vadd.f32 $0.0e+00, v12;
	v16, _, _ =	vpop (xrf2);
	(xrf2) =	vadd.scan.msk.f32 $0xffff, v17;
	v17 =	vld [tilespmem:s19+$0x0];
	(pc) =	sbr.rel @!p6 .LBB2_44-.Ltmp14, $4  }
0x2f6: {  	s30 =	spop (v2sf);
	(xrf0) =	vmax.scan.msk.f32 $0xffff, v18;
	v25 =	vbroadcast v8, $0xF;
	v8 =	vbroadcast v22, $0x0;
	(v2sf) =	vpush v12, $0xF  }
0x2f7: {  	s28 =	simm.s32 $0x18;
	[tilespmem:v9+s14+$0x0] =	vst.idx.msk $0x1, v11;
	s22 =	sadd.f32 s30, s29;
	v18 =	vadd.f32 $0.0e+00, v4  }
0x2f8: {  	p5 =	por $0x1, $0x1;
	v24 =	vld [tilespmem:s19+$0xFFFFFFF0];
	s23 =	simm.s32 $0x4;
	s31 =	spop (v2sf);
	[tilespmem:v7+s14+$0x0] =	vst.idx.msk $0x1, v20;
	v12, _, _ =	vpop (xrf2)  }
0x2f9: {  	v23 =	vld [tilespmem:s19+$0xFFFFFFE0];
	s25 =	spop (v2sf);
	s24 =	sadd.f32 s31, s22;
	s22 =	simm.s32 $0x8;
	v7 =	vbroadcast v6, $0xF;
	[tilespmem:v19+s14+$0x0] =	vst.idx.msk $0x1, v25;
	v6, _, _ =	vpop (xrf0);
	(xrf0) =	vmax.scan.msk.f32 $0xffff, v12;
	v12 =	vbroadcast v18, $0xF  }
0x2fa: {  	v18 =	vmov v15  }
.LBB2_40:
0x2fb: {  	v19 =	vld [tilespmem:s19+$0x10];
	(xrf2) =	vadd.scan.msk.f32 $0xffff, v0;
	(v2sf) =	vpush v6, $0xF;
	s29 =	spop (v2sf);
	v0 =	vmov v21;
	v21 =	vmov v17;
	s30 =	smov.u32 s28;
	s28 =	sadd.s32 $0x4, s28  }
0x2fc: {  	p6 =	slt.u32 s28, s6;
	v17, _, _ =	vpop (xrf2);
	[tilespmem:v5+s14+$0x0] =	vst.idx.msk $0x1, v7;
	s24 =	sadd.f32 s25, s24  }
0x2fd: {  	s19 =	sadd.s32 $0x40, s19;
	s25 =	sadd.s32 $0x2, s22;
	(xrf0) =	vmax.scan.msk.f32 $0xffff, v16;
	v7, _, _ =	vpop (xrf0);
	[tilespmem:v8+s14+$0x0] =	vst.idx.msk $0x1, v12  }
0x2fe: {  	s23 =	sadd.s32 $0x1, s23;
	v5 =	vmov s25;
	v12 =	vld [tilespmem:s19+$0xFFFFFFE0];
	(xrf2) =	vadd.scan.msk.f32 $0xffff, v3;
	s24 =	sadd.f32 s29, s24;
	s25 =	spop (v2sf);
	v3 =	vmov v24  }
0x2ff: {  	v20 =	vmov s23;
	s23 =	smov.u32 s22;
	v5 =	vand.u32 $0xFFFFFFFE, v5;
	s29 =	sadd.s32 $0x3, s22;
	v28 =	vadd.f32 $0.0e+00, v7;
	s22 =	smov.u32 s17;
	v8, _, _ =	vpop (xrf2)  }
0x300: {  	s17 =	smov.u32 s21;
	s21 =	smov.u32 s26;
	v22 =	vmov s22;
	v25 =	vbroadcast v5, $0x0;
	v26 =	vmov s29;
	v24 =	vld [tilespmem:s19+$0xFFFFFFF0];
	(xrf0) =	vmax.scan.msk.f32 $0xffff, v17;
	v27, _, _ =	vpop (xrf0);
	s24 =	sadd.f32 s25, s24  }
0x301: {  	v20 =	vand.u32 $0xFFFFFFFD, v20;
	s26 =	smov.u32 s30;
	v5 =	vand.u32 $0xFFFFFFFC, v22;
	v22 =	vbroadcast v28, $0xF;
	(xrf2) =	vadd.scan.msk.f32 $0xffff, v13;
	v13 =	vmovc v19  }
.Ltmp15:
0x302: {  	v5 =	vbroadcast v5, $0x0;
	v19 =	vadd.f32 $0.0e+00, v27;
	v17 =	vld [tilespmem:s19+$0x0];
	v16, _, _ =	vpop (xrf2);
	(v2sf) =	vpush v27, $0xF;
	(pc) =	sbr.rel @p6 .LBB2_40-.Ltmp15, $4  }
0x303: {  	v28 =	vadd.f32 $0.0e+00, v18;
	v27, _, _ =	vpop (xrf0);
	(xrf0) =	vmax.scan.msk.f32 $0xffff, v8;
	(v2sf) =	vpush v7, $0xF;
	v8 =	vbroadcast v20, $0x0  }
0x304: {  	v19 =	vbroadcast v19, $0xF;
	(xrf2) =	vadd.scan.msk.f32 $0xffff, v23;
	v7 =	vadd.f32 $0.0e+00, v27;
	(v2sf) =	vpush v27, $0xF;
	v23 =	vmovc v12  }
0x305: {  	v18 =	vmov v6;
	v12, _, _ =	vpop (xrf2);
	[tilespmem:v26+s14+$0x0] =	vst.idx.msk $0x1, v22;
	s25 =	spop (v2sf)  }
0x306: {  	v7 =	vbroadcast v7, $0xF;
	v6, _, _ =	vpop (xrf0);
	(xrf0) =	vmax.scan.msk.f32 $0xffff, v12;
	[tilespmem:v25+s14+$0x0] =	vst.idx.msk $0x1, v19;
	v12 =	vbroadcast v28, $0xF;
	s24 =	sadd.f32 s25, s24;
	s25 =	spop (v2sf)  }
0x307: {  	v20 =	vmov v0  }
0x308: {  	v22 =	vmovc v3;
	s28 =	smov.u32 s17;
	v19 =	vmovc v21;
	v0 =	vmov v17;
	v3 =	vmov v24;
	s17 =	smov.u32 s26;
	v17 =	vmov v23  }
.LBB2_42:
0x309: {  	(xrf2) =	vadd.scan.msk.f32 @p2 $0xffff, v20;
	_ =	sdelay $0x3  }
0x30a: {  	v20, _, _ =	vpop @p2 (xrf2);
	(xrf0) =	vmax.scan.msk.f32 @p2 $0xffff, v16  }
0x30b: {  	v16, _, _ =	vpop @p3 (xrf0);
	(xrf2) =	vadd.scan.msk.f32 @p1 $0xffff, v22  }
0x30c: {  	(v2sf) =	vpush @p3 v6, $0xF;
	(xrf0) =	vmax.scan.msk.f32 @p2 $0xffff, v20;
	v21, _, _ =	vpop @p2 (xrf2)  }
0x30d: {  	s24 =	sadd.f32 @p5 s25, s24;
	(xrf2) =	vadd.scan.msk.f32 @p1 $0xffff, v13;
	v13 =	vmov @p1 v19;
	v20, _, _ =	vpop @p3 (xrf0)  }
0x30e: {  	s25 =	simm.f32 $0.0e+00;
	(xrf0) =	vmax.scan.msk.f32 @p2 $0xffff, v21;
	(v2sf) =	vpush @p3 v20, $0xF  }
0x30f: {  	s25 =	smov.u32 @p5 s24;
	s24 =	spop @p4 (v2sf);
	(xrf2) =	vadd.scan.msk.f32 $0xffff, v17;
	v10 =	vpsel p1, v13, v10;
	v19, _, _ =	vpop @p1 (xrf2)  }
0x310: {  	s24 =	sadd.f32 @p4 s24, s25;
	(v2sf) =	vpush @p3 v16, $0xF;
	v13, _, _ =	vpop @p2 (xrf2);
	(xrf2) =	vadd.scan.msk.f32 @p1 $0xffff, v10  }
0x311: {  	s25 =	spop @p4 (v2sf);
	(xrf0) =	vmax.scan.msk.f32 @p2 $0xffff, v13  }
0x312: {  	v45 =	vld [tilespmem:s19+$0x10];
	s24 =	sadd.f32 @p4 s25, s24  }
0x313: {  	s19 =	spop @p4 (v2sf);
	v14 =	vpsel p1, v19, v14;
	v13, _, _ =	vpop @p2 (xrf0)  }
0x314: {  	s19 =	sadd.f32 @p4 s19, s24;
	(v2sf) =	vpush @p2 v13, $0xF;
	v17, _, _ =	vpop @p2 (xrf0)  }
0x315: {  	s24 =	spop @p4 (v2sf);
	(xrf2) =	vadd.scan.msk.f32 $0xffff, v3;
	v15 =	vpsel p2, v17, v15;
	v17, _, _ =	vpop @p1 (xrf2)  }
0x316: {  	s24 =	smov.u32 @p4 s24;
	s19 =	smov.u32 @p4 s19;
	(xrf0) =	vmax.scan.msk.f32 @p1 $0xffff, v14;
	v14, _, _ =	vpop @p2 (xrf0);
	(v2sf) =	vpush @p2 v15, $0xF  }
0x317: {  	s19 =	sadd.f32 @p4 s24, s19;
	(xrf2) =	vadd.scan.msk.f32 $0xffff, v45;
	v3, _, _ =	vpop @p2 (xrf0)  }
0x318: {  	s24 =	simm.f32 $0.0e+00;
	(xrf0) =	vmax.scan.msk.f32 @p1 $0xffff, v17;
	v17, _, _ =	vpop @p1 (xrf2);
	(v2sf) =	vpush @p2 v3, $0xF  }
0x319: {  	s24 =	smov.u32 @p4 s19;
	s19 =	spop @p3 (v2sf);
	(xrf2) =	vadd.scan.msk.f32 $0xffff, v0;
	v46, _, _ =	vpop (xrf2)  }
0x31a: {  	v18 =	vadd.f32 @p4 $0.0e+00, v18;
	v51 =	vmov s17;
	s25 =	sadd.s32 @p3 $0x2, s22;
	s19 =	sadd.f32 @p3 s19, s24;
	(xrf0) =	vmax.scan.msk.f32 @p1 $0xffff, v17;
	(v2sf) =	vpush @p2 v14, $0xF;
	v19, _, _ =	vpop @p1 (xrf2)  }
0x31b: {  	[tilespmem:v8+s14+$0x0] =	vst.idx.msk @p5 $0x1, v12;
	s26 =	sadd.s32 $0x1, s17;
	v12 =	vand.u32 $0xFFFFFFFC, v51;
	v17 =	vmov @p3 s25;
	s25 =	spop @p3 (v2sf);
	(xrf0) =	vmax.scan.msk.f32 @p1 $0xffff, v19  }
0x31c: {  	s23 =	sadd.s32 @p4 $0x1, s23;
	v58 =	vmov s26;
	v18 =	vbroadcast @p4 v18, $0xF;
	v13 =	vadd.f32 @p2 $0.0e+00, v13;
	s19 =	sadd.f32 @p3 s25, s19  }
0x31d: {  	v20 =	vadd.f32 @p3 $0.0e+00, v20;
	v0 =	vand.u32 @p3 $0xFFFFFFFE, v17;
	v17 =	vmov @p4 s23;
	v21, _, _ =	vpop @p1 (xrf0);
	s23 =	spop @p3 (v2sf)  }
0x31e: {  	v16 =	vadd.f32 @p3 $0.0e+00, v16;
	v13 =	vbroadcast @p2 v13, $0xF;
	(v2sf) =	vpush @p1 v21, $0xF;
	v22, _, _ =	vpop @p1 (xrf0);
	s19 =	sadd.f32 @p3 s23, s19  }
0x31f: {  	v52 =	vbroadcast v12, $0x0;
	v20 =	vbroadcast @p3 v20, $0xF;
	s24 =	smov.u32 @p2 s28;
	s23 =	spop @p3 (v2sf);
	v22 =	vpsel p1, v22, v4  }
0x320: {  	v16 =	vbroadcast @p3 v16, $0xF;
	s25 =	sadd.s32 @p3 $0x3, s22;
	v11 =	vpsel p2, v13, v11;
	s23 =	smov.u32 @p3 s23;
	v23, _, _ =	vpop @p1 (xrf0);
	s19 =	smov.u32 @p3 s19;
	(v2sf) =	vpush @p1 v22, $0xF  }
0x321: {  	v0 =	vbroadcast @p3 v0, $0x0;
	v24 =	vmov @p3 s25;
	s25 =	smov.u32 s16;
	v19 =	vmov @p2 s24;
	(xrf0) =	vmax.scan.msk.f32 $0xffff, v46;
	s19 =	sadd.f32 @p3 s23, s19;
	v10, _, _ =	vpop @p1 (xrf0)  }
0x322: {  	[tilespmem:v5+s14+$0x0] =	vst.idx.msk @p3 $0x1, v7;
	v17 =	vand.u32 @p4 $0xFFFFFFFD, v17;
	s25 =	smov.u32 @p3 s22;
	s22 =	simm.f32 $0.0e+00;
	v47, _, _ =	vpop (xrf2);
	v19 =	vand.u32 @p2 $0xFFFFFFFC, v19;
	(v2sf) =	vpush @p1 v10, $0xF  }
0x323: {  	s18 =	smov.u32 @p2 s24;
	v17 =	vbroadcast @p4 v17, $0x0;
	v3 =	vadd.f32 @p2 $0.0e+00, v3;
	v48, _, _ =	vpop (xrf2);
	v19 =	vbroadcast @p2 v19, $0x0;
	(xrf0) =	vmax.scan.msk.f32 $0xffff, v47;
	s22 =	smov.u32 @p3 s19;
	s24 =	spop @p2 (v2sf)  }
0x324: {  	s20 =	smov.u32 @p1 s21;
	v18 =	vpsel p4, v18, v0;
	v14 =	vadd.f32 @p2 $0.0e+00, v14;
	v49, _, _ =	vpop (xrf2);
	(xrf0) =	vmax.scan.msk.f32 $0xffff, v48;
	s19 =	sadd.s32 @p3 $0x1, s25;
	s21 =	sadd.f32 @p2 s24, s22;
	(v2sf) =	vpush @p1 v23, $0xF  }
0x325: {  	v7 =	vpsel p2, v15, v0;
	v9 =	vpsel p2, v19, v9;
	v19 =	vmov @p3 s19;
	s19 =	smov.u32 @p1 s20;
	(xrf0) =	vmax.scan.msk.f32 $0xffff, v49;
	s20 =	spop @p2 (v2sf)  }
0x326: {  	v17 =	vpsel p4, v17, v0;
	v21 =	vadd.f32 @p1 $0.0e+00, v21;
	v3 =	vbroadcast @p2 v3, $0xF;
	s20 =	sadd.f32 @p2 s20, s21  }
0x327: {  	v7 =	vadd.f32 @p2 $0.0e+00, v7;
	v4 =	vpsel p3, v6, v4;
	v14 =	vbroadcast @p2 v14, $0xF;
	v26, _, _ =	vpop (xrf0);
	s21 =	spop @p2 (v2sf)  }
0x328: {  	v4 =	vadd.f32 @p3 $0.0e+00, v4;
	v21 =	vbroadcast @p1 v21, $0xF;
	s23 =	sadd.s32 @p2 $0x2, s18;
	(v2sf) =	vpush v26, $0xF;
	s20 =	sadd.f32 @p2 s21, s20  }
0x329: {  	v8 =	vadd.f32 @p1 $0.0e+00, v23;
	v6 =	vmov @p2 s23;
	v13 =	vmov @p1 s19;
	s16 =	smov.u32 @p1 s19;
	v27, _, _ =	vpop (xrf0);
	s19 =	spop @p2 (v2sf)  }
0x32a: {  	v4 =	vbroadcast @p3 v4, $0xF;
	v6 =	vand.u32 @p2 $0xFFFFFFFE, v6;
	v28, _, _ =	vpop (xrf0);
	(v2sf) =	vpush v27, $0xF;
	s19 =	smov.u32 @p2 s19;
	s20 =	smov.u32 @p2 s20  }
0x32b: {  	v1 =	vpsel p1, v21, v1;
	v6 =	vbroadcast @p2 v6, $0x0;
	v19 =	vand.u32 @p3 $0xFFFFFFFD, v19;
	v50, _, _ =	vpop (xrf0);
	s19 =	sadd.f32 @p2 s19, s20  }
0x32c: {  	v4 =	vpsel p3, v4, v0;
	s22 =	sadd.s32 @p2 $0x3, s18;
	v19 =	vbroadcast @p3 v19, $0x0;
	s21 =	sadd.s32 @p1 $0x2, s16;
	(v2sf) =	vpush v50, $0xF;
	s20 =	simm.f32 $0.0e+00  }
0x32d: {  	v13 =	vand.u32 @p1 $0xFFFFFFFC, v13;
	s18 =	smov.u32 @p2 s18;
	v25 =	vmov @p2 s22;
	v21 =	vmov @p1 s21;
	s21 =	spop @p1 (v2sf);
	s20 =	smov.u32 @p2 s19  }
0x32e: {  	s24 =	sadd.s32 $0x2, s17;
	v13 =	vbroadcast @p1 v13, $0x0;
	s18 =	sadd.s32 @p2 $0x1, s18;
	v5 =	vpsel p3, v19, v0;
	(v2sf) =	vpush v28, $0xF;
	s19 =	sadd.f32 @p1 s21, s20  }
0x32f: {  	[tilespmem:v24+s14+$0x0] =	vst.idx.msk @p3 $0x1, v16;
	v53 =	vadd.f32 $0.0e+00, v26;
	v54 =	vmov s24;
	v16 =	vmov @p2 s18;
	s18 =	spop @p1 (v2sf)  }
0x330: {  	[tilespmem:v0+s14+$0x0] =	vst.idx.msk @p3 $0x1, v20;
	v0 =	vbroadcast @p1 v8, $0xF;
	v2 =	vpsel p1, v13, v2;
	v8 =	vand.u32 @p2 $0xFFFFFFFD, v16;
	s18 =	sadd.f32 @p1 s18, s19  }
0x331: {  	v7 =	vbroadcast @p2 v7, $0xF;
	[tilespmem:v9+s14+$0x0] =	vst.idx.msk @p2 $0x1, v11;
	v55 =	vand.u32 $0xFFFFFFFE, v54;
	v8 =	vbroadcast @p2 v8, $0x0;
	s20 =	spop @p1 (v2sf)  }
0x332: {  	v62 =	vadd.f32 $0.0e+00, v27;
	v11 =	vbroadcast v53, $0xF;
	v56 =	vbroadcast v55, $0x0;
	[tilespmem:v6+s14+$0x0] =	vst.idx.msk @p2 $0x1, v3;
	s19 =	sadd.s32 @p1 $0x3, s16;
	s16 =	smov.u32 @p1 s16;
	s18 =	sadd.f32 @p1 s20, s18  }
0x333: {  	v6 =	vpsel p2, v8, v0;
	[tilespmem:v5+s14+$0x0] =	vst.idx.msk @p3 $0x1, v4;
	v5 =	vand.u32 $0xFFFFFFFD, v58;
	v12 =	vmov @p1 s19;
	s16 =	sadd.s32 @p1 $0x1, s16;
	s19 =	spop @p1 (v2sf)  }
0x334: {  	v3 =	vmovc @p1 v22;
	[tilespmem:v25+s14+$0x0] =	vst.idx.msk @p2 $0x1, v14;
	v60 =	vadd.f32 $0.0e+00, v50;
	v5 =	vbroadcast v5, $0x0;
	v14 =	vmov @p1 s16;
	s16 =	smov.u32 @p1 s18;
	s18 =	smov.u32 @p1 s19  }
0x335: {  	v59 =	vadd.f32 $0.0e+00, v28;
	v15 =	vand.u32 @p1 $0xFFFFFFFE, v21;
	[tilespmem:v2+s14+$0x0] =	vst.idx.msk @p1 $0x1, v1;
	v1 =	vpsel p1, v3, v0;
	s16 =	sadd.f32 @p1 s18, s16  }
0x336: {  	[tilespmem:v17+s14+$0x0] =	vst.idx.msk @p4 $0x1, v18;
	s25 =	sadd.s32 $0x3, s17;
	v61 =	vbroadcast v60, $0xF;
	v15 =	vbroadcast @p1 v15, $0x0;
	v3 =	vand.u32 @p1 $0xFFFFFFFD, v14  }
0x337: {  	v57 =	vmov s25;
	[tilespmem:v52+s14+$0x0] =	vst.idx.msk $0x1, v11;
	v3 =	vbroadcast @p1 v3, $0x0;
	s28 =	spop (v2sf);
	s15 =	smov.u32 @p1 s16  }
0x338: {  	v10 =	vadd.f32 @p1 $0.0e+00, v10;
	v63 =	vbroadcast v62, $0xF;
	v7 =	vpsel p2, v7, v59;
	[tilespmem:v56+s14+$0x0] =	vst.idx.msk $0x1, v61;
	s15 =	sadd.f32 s28, s15  }
0x339: {  	v1 =	vadd.f32 @p1 $0.0e+00, v1;
	[tilespmem:v6+s14+$0x0] =	vst.idx.msk @p2 $0x1, v7;
	v3 =	vpsel p1, v3, v59;
	s29 =	spop (v2sf)  }
.Ltmp16:
0x33a: {  	v10 =	vbroadcast @p1 v10, $0xF;
	[tilespmem:v5+s14+$0x0] =	vst.idx.msk $0x1, v63;
	s15 =	sadd.f32 s29, s15;
	(pc) =	sbr.rel .LBB2_13-.Ltmp16, $4  }
0x33b: {  	v1 =	vbroadcast @p1 v1, $0xF;
	[tilespmem:v12+s14+$0x0] =	vst.idx.msk @p1 $0x1, v0;
	v0 =	vbroadcast v59, $0xF;
	s30 =	spop (v2sf)  }
0x33c: {  	[tilespmem:v15+s14+$0x0] =	vst.idx.msk @p1 $0x1, v10;
	s15 =	sadd.f32 s30, s15  }
0x33d: {  	[tilespmem:v57+s14+$0x0] =	vst.idx.msk $0x1, v0;
	v0 =	vpsel p1, v1, v0;
	s31 =	spop (v2sf)  }
0x33e: {  	[tilespmem:v3+s14+$0x0] =	vst.idx.msk @p1 $0x1, v0;
	s15 =	sadd.f32 s31, s15  }
.LBB2_12:
0x33f: {  	s15 =	simm.f32 $0.0e+00  }
.LBB2_13:
0x340: {  	p1 =	seq.s32 s6, s9  }
.Ltmp17:
0x341: {  	_ = 	snop;
	(pc) =	sbr.rel @p1 .LBB2_16-.Ltmp17, $2  }
0x342: {  	_ =	sdelay $0x2  }
0x343: {  	v0 =	vmov s8;
	s12 =	ssub.f32 s12, s13  }
0x344: {  	s13 =	sshll.u32 s9, $0x4  }
0x345: {  	s13 =	sand.u32 $0x1C0, s13  }
0x346: {  	s14 =	simm.s32 $0xE700;
	s13 =	sadd.s32 $0xE500, s13  }
.LBB2_15:
0x347: {  	v1 =	vld [tilespmem:s13+$0x0];
	_ =	sdelay $0x4  }
0x348: {  	(xrf2) =	vadd.scan.msk.f32 $0xffff, v1;
	_ =	sdelay $0x9  }
0x349: {  	v1, _, _ =	vpop (xrf2)  }
0x34a: {  	(xrf0) =	vmax.scan.msk.f32 $0xffff, v1;
	_ =	sdelay $0x5  }
0x34b: {  	v1, _, _ =	vpop (xrf0)  }
0x34c: {  	(v2sf) =	vpush v1, $0xF;
	_ =	sdelay $0x9  }
0x34d: {  	v2 =	vmov s6;
	s6 =	sadd.s32 $0x1, s6  }
0x34e: {  	p1 =	slt.u32 s6, s9  }
.Ltmp18:
0x34f: {  	v1 =	vadd.f32 $0.0e+00, v1;
	(pc) =	sbr.rel @p1 .LBB2_15-.Ltmp18, $4  }
0x350: {  	_ = 	snop  }
0x351: {  	v1 =	vbroadcast v1, $0xF  }
0x352: {  	s16 =	spop (v2sf)  }
0x353: {  	s13 =	sadd.s32 $0x10, s13;
	[tilespmem:v2+s14+$0x0] =	vst.idx.msk $0x1, v1;
	s15 =	sadd.f32 s16, s15  }
.LBB2_16:
0x354: {  	_ = 	snop  }
0x355: {  	v1 =	vmov s15  }
0x356: {  	v1 =	vadd.f32 $0.0e+00, v1;
	_ =	sdelay $0x1  }
0x357: {  	v1 =	vbroadcast v1, $0x0;
	_ =	sdelay $0x1  }
0x358: {  	s6 =	simm.s32 $0xEF80;
	s29 =	simm.s32 $0x1;
	[tilespmem:$0xEF80] =	vst v1  }
0x359: {  	[spmem:s5] =	stream.linear.scatter [tilespmem:s6], [sflag:$0x1], $0x80, $0x38;
	[tilespmem:$0xF340] =	vst v63  }
0x35a: {  	_ =	swait.ge [sflag:s29], $0x80  }
0x35b: {  	v1 =	vlaneseq.u32;
	[sflag:s29] =	ssyncset.done $0x0  }
0x35c: {  	v1 =	vmul.u32 $0x80, v1;
	[sflag:s29] =	ssyncadd.s32 $0xFFFFFF80  }
0x35d: {  	s13 =	simm.s32 $0xE780;
	[bflag:$0x0] =	sbarrier.arrive $0xFFFF  }
0x35e: {  	[tilespmem:s13], [sflag:$0x1] =	stream.linear.gather [spmem:s3], $0x800, $0x38;
	[tilespmem:$0xF340] =	vst v63  }
0x35f: {  	_ =	swait.ge [sflag:s29], $0x800  }
0x360: {  	[sflag:s29] =	ssyncset.done $0x0  }
0x361: {  	[sflag:s29] =	ssyncadd.s32 $0xFFFFF800  }
0x362: {  	v1 =	vld.idx.msk [tilespmem:v1+s13+$0x0], $0xffff;
	_ =	sdelay $0x3  }
0x363: {  	[bflag:$0x0] =	sbarrier.arrive $0xFFFF  }
0x364: {  	(xrf2) =	vadd.scan.msk.f32 $0xffff, v1;
	_ =	sdelay $0x9  }
0x365: {  	v2, _, _ =	vpop (xrf2)  }
0x366: {  	v3 =	vadd.f32 s12, v2;
	_ =	sdelay $0x1  }
0x367: {  	vm0 =	vlt.f32 v3, v0;
	v3 =	vimm.s32 $0x0  }
0x368: {  	v3 =	vsel vm0, $0x1, v3  }
0x369: {  	(xrf0) =	vadd.scan.msk.s32 $0xffff, v3;
	_ =	sdelay $0x5  }
0x36a: {  	v3, _, _ =	vpop (xrf0)  }
0x36b: {  	(v2sf) =	vpush v3, $0xF;
	_ =	sdelay $0x5  }
0x36c: {  	s30 =	sadd.s32 $0xFFFFFFFF, s11  }
0x36d: {  	s31 =	sand.u32 $0xFFFF, s30  }
0x36e: {  	s5 =	smul.u32 $0x47AF, s31;
	_ =	sdelay $0x1  }
0x36f: {  	s5 =	sshrl.u32 s5, $0x10  }
0x370: {  	s3 =	ssub.s32 s30, s5  }
0x371: {  	s3 =	sand.u32 $0xFFFE, s3  }
0x372: {  	s3 =	sshrl.u32 s3, $0x1  }
0x373: {  	s3 =	sadd.s32 s5, s3  }
0x374: {  	s3 =	sshrl.u32 s3, $0x4;
	s5 =	spop (v2sf)  }
0x375: {  	p1 =	slt.s32 s5, s3  }
0x376: {  	s3 =	smov.u32 @p1 s5  }
0x377: {  	p1 =	sne.s32 s2, s3  }
.Ltmp19:
0x378: {  	_ = 	snop;
	(pc) =	sbr.rel @p1 .LBB2_22-.Ltmp19, $3  }
0x379: {  	_ =	sdelay $0x1  }
0x37a: {  	[tilespmem:$0xF000] =	vst v1  }
0x37b: {  	[tilespmem:$0xEF80] =	vst v2  }
0x37c: {  	p1 =	slt.s32 s10, $0x1  }
.Ltmp20:
0x37d: {  	_ = 	snop;
	(pc) =	sbr.rel @p1 .LBB2_21-.Ltmp20, $2  }
0x37e: {  	_ =	sdelay $0x2  }
0x37f: {  	s3 =	simm.s32 $0x0;
	s5 =	simm.s32 $0x0  }
0x380: {  	v1 =	vmov s2;
	_ =	sdelay $0x3  }
0x381: {  	s2 =	simm.s32 $0x0  }
0x382: {  	s5 =	simm.s32 $0xF000;
	v3 =	vmov s2;
	v2 =	vld.idx.msk [tilespmem:v1+s6+$0x0], $0xffff  }
0x383: {  	v1 =	vld.idx.msk [tilespmem:v1+s5+$0x0], $0xffff;
	_ =	sdelay $0x2  }
0x384: {  	s5 =	simm.s32 $0xE700  }
0x385: {  	(v2sf) =	vpush v2, $0x0;
	v2 =	vld.idx.msk [tilespmem:v3+s5+$0x0], $0xffff  }
0x386: {  	(v2sf) =	vpush v1, $0x0;
	_ =	sdelay $0x3  }
0x387: {  	(v2sf) =	vpush v2, $0x0;
	_ =	sdelay $0x9  }
0x388: {  	s30 =	spop (v2sf)  }
0x389: {  	s10 =	spop (v2sf)  }
0x38a: {  	s6 =	ssub.f32 s30, s10  }
0x38b: {  	p1 =	sne.s32 s9, $0x1  }
.Ltmp21:
0x38c: {  	s6 =	sadd.f32 s6, s12;
	(pc) =	sbr.rel @!p1 .LBB2_20-.Ltmp21, $4  }
0x38d: {  	s31 =	spop (v2sf)  }
0x38e: {  	s11 =	sadd.f32 s31, s6  }
0x38f: {  	s13 =	simm.s32 $0x190;
	s10 =	simm.s32 $0x1  }
0x390: {  	v1 =	vmov s13;
	s12 =	simm.s32 $0x1;
	s6 =	simm.s32 $0xE500;
	v2 =	vmov s11;
	p2 =	slt.f32 s11, s8  }
.LBB2_19:
0x391: {  	v3 =	vmov s12;
	v2 =	vadd.f32 $0.0e+00, v2;
	s13 =	smov.u32 s12;
	s12 =	sadd.s32 $0x1, s12;
	s14 =	simm.s32 $0x1  }
0x392: {  	p1 =	sne.s32 s12, s9;
	s14 =	simm.s32 @!p2 $0x0  }
0x393: {  	v2 =	vbroadcast v2, $0x0;
	s2 =	sadd.s32 s14, s2;
	_ =	sdelay $0x1  }
0x394: {  	[tilespmem:v1+s6+$0x0] =	vst.idx.msk $0x1, v2  }
0x395: {  	v1 =	vld.idx.msk [tilespmem:v3+s5+$0x0], $0xffff;
	_ =	sdelay $0x5  }
0x396: {  	(v2sf) =	vpush v1, $0x0;
	_ =	sdelay $0xd  }
.Ltmp22:
0x397: {  	(pc) =	sbr.rel @p1 .LBB2_19-.Ltmp22, $4  }
0x398: {  	s14 =	spop (v2sf)  }
0x399: {  	s11 =	sadd.f32 s14, s11  }
0x39a: {  	s13 =	sadd.s32 $0x190, s13  }
0x39b: {  	v1 =	vmov s13;
	v2 =	vmov s11;
	p2 =	slt.f32 s11, s8  }
.LBB2_20:
0x39c: {  	v2 =	vadd.f32 $0.0e+00, v2;
	_ =	sdelay $0x1  }
0x39d: {  	v2 =	vbroadcast v2, $0x0  }
0x39e: {  	s10 =	simm.s32 @!p2 $0x0  }
0x39f: {  	s5 =	sadd.s32 s10, s2;
	[tilespmem:v1+s6+$0x0] =	vst.idx.msk $0x1, v2  }
.LBB2_21:
0x3a0: {  	s2 =	sadd.s32 $0xFFFFFFFF, s9  }
0x3a1: {  	p1 =	slt.s32 s5, s2  }
0x3a2: {  	s2 =	smov.u32 @p1 s5  }
0x3a3: {  	s5 =	sadd.s32 $0x190, s2  }
0x3a4: {  	v1 =	vmov s5  }
0x3a5: {  	v2 =	vmov s2;
	_ =	sdelay $0x2  }
0x3a6: {  	s23 =	simm.s32 $0xE500  }
0x3a7: {  	s24 =	simm.s32 $0xE700;
	v1 =	vld.idx.msk [tilespmem:v1+s23+$0x0], $0xffff  }
0x3a8: {  	v2 =	vld.idx.msk [tilespmem:v2+s24+$0x0], $0xffff;
	_ =	sdelay $0x3  }
0x3a9: {  	(v2sf) =	vpush v1, $0x0  }
0x3aa: {  	s25 =	sshll.u32 s2, $0x6;
	(v2sf) =	vpush v2, $0x0  }
0x3ab: {  	s5 =	sshra.s32 s25, $0x2  }
0x3ac: {  	v61 =	vld [tilespmem:s5+$0xE500];
	_ =	sdelay $0x4  }
0x3ad: {  	(xrf2) =	vadd.scan.msk.f32 $0xffff, v61;
	_ =	sdelay $0x6  }
0x3ae: {  	s26 =	spop (v2sf)  }
0x3af: {  	s6 =	spop (v2sf)  }
0x3b0: {  	s5 =	ssub.f32 s26, s6  }
0x3b1: {  	v1, _, _ =	vpop (xrf2)  }
0x3b2: {  	v1 =	vadd.f32 s5, v1;
	_ =	sdelay $0x1  }
0x3b3: {  	v62 =	vimm.s32 $0x0;
	vm0 =	vlt.f32 v1, v0  }
0x3b4: {  	v0 =	vsel vm0, $0x1, v62  }
0x3b5: {  	(xrf0) =	vadd.scan.msk.s32 $0xffff, v0;
	_ =	sdelay $0x5  }
0x3b6: {  	v0, _, _ =	vpop (xrf0)  }
0x3b7: {  	(v2sf) =	vpush v0, $0xF;
	_ =	sdelay $0xc  }
0x3b8: {  	s28 =	smul.u32 $0x1880, s7;
	s2 =	sadd.s32 s4, s2  }
0x3b9: {  	s2 =	sshll.u32 s2, $0x4  }
0x3ba: {  	s2 =	sadd.s32 s28, s2;
	s29 =	spop (v2sf)  }
0x3bb: {  	s2 =	sadd.s32 s29, s2  }
0x3bc: {  	p1 =	slt.s32 s2, $0x1869F  }
0x3bd: {  	s2 =	simm.s32 @!p1 $0x1869F  }
0x3be: {  	v63 =	vmov s2  }
0x3bf: {  	s30 =	simm.s32 $0xF100;
	s31 =	simm.s32 $0x1;
	[tilespmem:$0xF100] =	vst v63  }
0x3c0: {  	[hbm4b:s1+s3] =	stream.linear.scatter [tilespmem:s30], [sflag:$0x1], $0x80, $0x38;
	[tilespmem:$0xF340] =	vst v63  }
0x3c1: {  	_ =	swait.ge [sflag:s31], $0x80  }
0x3c2: {  	[sflag:s31] =	ssyncset.done $0x0  }
0x3c3: {  	[sflag:s31] =	ssyncadd.s32 $0xFFFFFF80  }
.LBB2_22:
0x3c4: {  	_ =	sfence.sel $0x180000  }
0x3c5: {  	[bflag:$0x0] =	sbarrier.arrive $0xFFFF  }
0x3c6: {  	_ =	strace $0x90000047  }
0x3c7: {  	s0 =	sadd.s32 @!p0 $0x100000, s0;
	[bflag:$0x2] =	sbarrier.arrive $0xFFFF  }
0x3c8: {  	[sflag:s0] =	ssyncadd.tile.s32 @!p0 $0x1;
	_ =	shalt  }
.LBB2_3:
.Ltmp23:
0x3c9: {  	(pc) =	sbr.rel .LBB2_27-.Ltmp23, $2  }
0x3ca: {  	_ =	sdelay $0x2  }
0x3cb: {  	_ = 	snop  }
.LBB2_43:
.Ltmp24:
0x3cc: {  	(pc) =	sbr.rel .LBB2_27-.Ltmp24, $3  }
0x3cd: {  	_ =	sdelay $0x1  }
0x3ce: {  	s9 =	smov.u32 s15;
	s15 =	smov.u32 s20;
	s21 =	smov.u32 s10  }
0x3cf: {  	s20 =	smov.u32 s16;
	s22 =	smov.u32 s18;
	s17 =	smov.u32 s19  }
.LBB2_29:
.Ltmp25:
0x3d0: {  	(pc) =	sbr.rel .LBB2_42-.Ltmp25, $2  }
0x3d1: {  	_ =	sdelay $0x2  }
0x3d2: {  	s17 =	simm.s32 $0x0  }
.LBB2_31:
.Ltmp26:
0x3d3: {  	_ = 	snop;
	(pc) =	sbr.rel .LBB2_42-.Ltmp26, $2  }
0x3d4: {  	_ =	sdelay $0x2  }
0x3d5: {  	v19 =	vmovc v0;
	v22 =	vmovc v3;
	s21 =	simm.s32 $0x0;
	s17 =	simm.s32 $0x4;
	v17 =	vmov v2;
	v3 =	vmov v1;
	v0 =	vmov v5  }
.LBB2_33:
.Ltmp27:
0x3d6: {  	_ = 	snop;
	(pc) =	sbr.rel .LBB2_42-.Ltmp27, $2  }
0x3d7: {  	_ =	sdelay $0x2  }
0x3d8: {  	v20 =	vmovc v0;
	v19 =	vmovc v5;
	v22 =	vmov v1;
	s28 =	simm.s32 $0x0;
	s21 =	simm.s32 $0x4;
	s17 =	simm.s32 $0x8;
	v13 =	vmov v4;
	v0 =	vmov v10  }
.LBB2_35:
.Ltmp28:
0x3d9: {  	_ = 	snop;
	(pc) =	sbr.rel .LBB2_42-.Ltmp28, $3  }
0x3da: {  	_ =	sdelay $0x1  }
0x3db: {  	v19 =	vmov v10;
	v22 =	vmov v3;
	v20 =	vmov v5  }
0x3dc: {  	v6 =	vmovc v4;
	s22 =	simm.s32 $0x0;
	s28 =	simm.s32 $0x4;
	s21 =	simm.s32 $0x8;
	v7 =	vmovc v1;
	v5 =	vmov v2;
	v17 =	vmov v11;
	v3 =	vmov v18  }
.LBB2_37:
.Ltmp29:
0x3dd: {  	(pc) =	sbr.rel .LBB2_42-.Ltmp29, $3  }
0x3de: {  	_ =	sdelay $0x1  }
0x3df: {  	v19 =	vmovc v0;
	s22 =	simm.s32 $0x4;
	s23 =	simm.s32 $0x0;
	v20 =	vmovc v10;
	v6 =	vmov v15;
	v0 =	vmov v21;
	v16 =	vmov v14  }
0x3e0: {  	v22 =	vmovc v18;
	s28 =	simm.s32 $0x8;
	s21 =	simm.s32 $0xC;
	s17 =	simm.s32 $0x10;
	v13 =	vmovc v23;
	v18 =	vmov v4;
	v7 =	vmov v11;
	v5 =	vmov v9  }
.LBB2_44:
.Ltmp30:
0x3e1: {  	_ = 	snop;
	(pc) =	sbr.rel .LBB2_42-.Ltmp30, $3  }
0x3e2: {  	_ =	sdelay $0x1  }
0x3e3: {  	v20 =	vmov v0;
	s22 =	simm.s32 $0x8;
	v22 =	vmov v3  }
0x3e4: {  	v19 =	vmovc v21;
	v0 =	vmovc v17;
	s23 =	simm.s32 $0x4;
	s28 =	simm.s32 $0xC;
	s17 =	simm.s32 $0x14;
	v18 =	vmov v15;
	v3 =	vmov v24;
	v17 =	vmov v23  }
.Lfunc_end2:
_tile_overlayer_lowered:
.L_overlay_start_2:
0x3e5: {  	(tag) =	ssettag $0x2  }
0x3e6: {  	s0 =	rddreg [dreg:$0x0];
	s2 =	stileid.u32  }
0x3e7: {  	s1 =	rddreg [dreg:$0x1];
	p0 =	sne.s32 s2, $0x0  }
0x3e8: {  	s3 =	rddreg [dreg:$0x2];
	[bflag:$0x3] =	sbarrier.arrive $0xFFFF;
	s2 =	simm.s32 @!p0 $0x1C01  }
0x3e9: {  	[timem:s3], [sflag:s2] =	dma.local @!p0 [hbm:s0], s1  }
0x3ea: {  	s0 =	simm.s32 @!p0 $0x1  }
0x3eb: {  	_ =	swait.ge @!p0 [sflag:s0], s1  }
0x3ec: {  	s1 =	ssub.s32 @!p0 $0x0, s1;
	[sflag:s0] =	ssyncset.done @!p0 $0x0  }
0x3ed: {  	[sflag:s0] =	ssyncadd.s32 @!p0 s1  }
0x3ee: {  	[bflag:$0x3] =	sbarrier.arrive $0xFFFF  }
0x3ef: {  	_ =	shalt  }

</sc_bundles>
